<compile_context>
chip_gen: v7x
topology: tpu7x:2x2x1
jax: 0.10.2.dev20260603
libtpu: 0.0.44.dev20260713+nightly
codegen_flags: <defaults>
</compile_context>

<pallas_src>
import jax
import jax.numpy as jnp
from jax.experimental import pallas as pl
from jax.experimental.pallas import tpu as pltpu

_BR = 128


def _embed_body(ts_ref, nv_ref, mk_ref, wd_ref, wv_ref, bd_ref, bv_ref,
                tb_ref, out_ref):
    D = wd_ref.shape[0]
    L = ts_ref.shape[1]
    bias = bd_ref[...] + bv_ref[...] + tb_ref[...]
    wd = wd_ref[...]
    wv = wv_ref[...]
    for c in range(_BR):
        row = slice(c, c + 1)
        ts = jnp.broadcast_to(ts_ref[row, :], (D, L))
        nv = jnp.broadcast_to(nv_ref[row, :], (D, L))
        mk = jnp.broadcast_to(mk_ref[row, :], (D, L))
        out_ref[pl.ds(c * D, D)] = (ts * wd + nv * wv + bias) * mk


def kernel(timestamp, numerical_value, mask, code, W_date, b_date, table,
           W_val, b_val):
    B, L = timestamp.shape
    D = W_date.shape[0]
    del code

    row_spec = pl.BlockSpec((_BR, L), lambda i: (i, 0))
    col_spec = pl.BlockSpec((D, 1), lambda i: (0, 0))

    out2 = pl.pallas_call(
        _embed_body,
        grid=(B // _BR,),
        in_specs=[row_spec, row_spec, row_spec,
                  col_spec, col_spec, col_spec, col_spec, col_spec],
        out_specs=pl.BlockSpec((_BR * D, L), lambda i: (i, 0)),
        out_shape=jax.ShapeDtypeStruct((B * D, L), jnp.float32),
        compiler_params=pltpu.CompilerParams(dimension_semantics=("parallel",)),
    )(timestamp, numerical_value, mask.reshape(B, L),
      W_date, W_val,
      b_date.reshape(D, 1), b_val.reshape(D, 1), table.reshape(D, 1))
    return out2.reshape(B, D, L)

# --- scband reference (transcript-rebuilt; emitter-appended) ---
"""Pipeline reference for scband-observation-embedder-68736656605946 (READ-ONLY COPY).

The authoritative reference and input builder live on the scoring server;
editing this copy changes nothing except your own understanding.
"""

import jax, jax.numpy as jnp
import numpy as np


def setup_inputs(seed: int = 0) -> dict:
    key = jax.random.key(seed)
    ks = jax.random.split(key, 8)
    B, L, D = 4096, 200, 64
    timestamp = jax.random.normal(ks[0], (B, L), dtype=jnp.float32)
    numerical_value = jax.random.normal(ks[1], (B, L), dtype=jnp.float32)
    mask = jax.random.uniform(ks[2], (B, 1, L), dtype=jnp.float32)
    code = jax.random.randint(ks[3], (B, L), 0, 1)
    # CVE date embedder: Linear(1, D)
    W_date = jax.random.normal(ks[4], (D, 1), dtype=jnp.float32) * 0.02
    b_date = jnp.zeros((D,), dtype=jnp.float32)
    # code embedding table (code_vocab_size=1 hardcoded in module)
    table = jax.random.normal(ks[5], (1, D), dtype=jnp.float32) * 0.02
    # CVE numerical value embedder: Linear(1, D)
    W_val = jax.random.normal(ks[6], (D, 1), dtype=jnp.float32) * 0.02
    b_val = jnp.zeros((D,), dtype=jnp.float32)
    return {
        'timestamp': timestamp,
        'numerical_value': numerical_value,
        'mask': mask,
        'code': code,
        'W_date': W_date,
        'b_date': b_date,
        'table': table,
        'W_val': W_val,
        'b_val': b_val,
    }


def reference(timestamp, numerical_value, mask, code, W_date, b_date, table, W_val, b_val):
    # embed_func(date_embedder, timestamp):
    #   x[None,:].T -> [L, B, 1]; Linear(1,D) -> [L, B, D]; permute(1,2,0) -> [B, D, L]
    # Equivalent: out[b,d,l] = timestamp[b,l]*W[d,0] + b[d]
    w_d = W_date[:, 0]
    time_emb = timestamp[:, None, :] * w_d[None, :, None] + b_date[None, :, None]
    # code_embedder(code).transpose(1,2): [B, L, D] -> [B, D, L]
    code_emb = jnp.transpose(jnp.take(table, code, axis=0), (0, 2, 1))
    # embed_func(numerical_value_embedder, numerical_value).squeeze(dim=1)
    # squeeze(dim=1) is a no-op since D=64 > 1
    w_v = W_val[:, 0]
    val_emb = numerical_value[:, None, :] * w_v[None, :, None] + b_val[None, :, None]
    embedding = (time_emb + code_emb + val_emb) * mask
    return embedding

if __name__ == "__main__":
    import jax
    _d = setup_inputs()
    print(jax.jit(kernel)(*tuple(_d.values())))

</pallas_src>

<mosaic_0001>
module attributes {stable_mosaic.version = 14 : i64} {
  func.func @_embed_body(%arg0: i32, %arg1: memref<128x200xf32, #tpu.memory_space<vmem>>, %arg2: memref<128x200xf32, #tpu.memory_space<vmem>>, %arg3: memref<128x200xf32, #tpu.memory_space<vmem>>, %arg4: memref<64x1xf32, #tpu.memory_space<vmem>>, %arg5: memref<64x1xf32, #tpu.memory_space<vmem>>, %arg6: memref<64x1xf32, #tpu.memory_space<vmem>>, %arg7: memref<64x1xf32, #tpu.memory_space<vmem>>, %arg8: memref<64x1xf32, #tpu.memory_space<vmem>>, %arg9: memref<8192x200xf32, #tpu.memory_space<vmem>>) attributes {dimension_semantics = [#tpu.dimension_semantics<parallel>], iteration_bounds = array<i64: 32>, scalar_prefetch = 0 : i64, scratch_operands = 0 : i64, tpu.core_type = #tpu.core_type<tc>, window_params = [{transform_indices = @transform_0, window_bounds = array<i64: 128, 200>}, {transform_indices = @transform_1, window_bounds = array<i64: 128, 200>}, {transform_indices = @transform_2, window_bounds = array<i64: 128, 200>}, {pipeline_mode = #tpu.pipeline_mode<synchronous>, transform_indices = @transform_3, window_bounds = array<i64: 64, 1>}, {pipeline_mode = #tpu.pipeline_mode<synchronous>, transform_indices = @transform_4, window_bounds = array<i64: 64, 1>}, {pipeline_mode = #tpu.pipeline_mode<synchronous>, transform_indices = @transform_5, window_bounds = array<i64: 64, 1>}, {pipeline_mode = #tpu.pipeline_mode<synchronous>, transform_indices = @transform_6, window_bounds = array<i64: 64, 1>}, {pipeline_mode = #tpu.pipeline_mode<synchronous>, transform_indices = @transform_7, window_bounds = array<i64: 64, 1>}, {transform_indices = @transform_8, window_bounds = array<i64: 8192, 200>}]} {
    %get3A = arith.constant 0 : index
    %get3A_0 = arith.constant 0 : index
    %get3A_1 = vector.load %arg6[%get3A, %get3A_0] : memref<64x1xf32, #tpu.memory_space<vmem>>, vector<64x1xf32>
    %get3A_2 = arith.constant 0 : index
    %get3A_3 = arith.constant 0 : index
    %get3A_4 = vector.load %arg7[%get3A_2, %get3A_3] : memref<64x1xf32, #tpu.memory_space<vmem>>, vector<64x1xf32>
    %add3A = arith.addf %get3A_1, %get3A_4 : vector<64x1xf32>
    %get3A_5 = arith.constant 0 : index
    %get3A_6 = arith.constant 0 : index
    %get3A_7 = vector.load %arg8[%get3A_5, %get3A_6] : memref<64x1xf32, #tpu.memory_space<vmem>>, vector<64x1xf32>
    %add3A_8 = arith.addf %add3A, %get3A_7 : vector<64x1xf32>
    %get3A_9 = arith.constant 0 : index
    %get3A_10 = arith.constant 0 : index
    %get3A_11 = vector.load %arg4[%get3A_9, %get3A_10] : memref<64x1xf32, #tpu.memory_space<vmem>>, vector<64x1xf32>
    %get3A_12 = arith.constant 0 : index
    %get3A_13 = arith.constant 0 : index
    %get3A_14 = vector.load %arg5[%get3A_12, %get3A_13] : memref<64x1xf32, #tpu.memory_space<vmem>>, vector<64x1xf32>
    %get3A_15 = arith.constant 0 : index
    %get3A_16 = arith.constant 0 : index
    %get3A_17 = vector.load %arg1[%get3A_15, %get3A_16] : memref<128x200xf32, #tpu.memory_space<vmem>>, vector<1x200xf32>
    %broadcast_in_dim3A = vector.shape_cast %get3A_17 : vector<1x200xf32> to vector<1x200xf32>
    %broadcast_in_dim3A_18 = vector.broadcast %broadcast_in_dim3A : vector<1x200xf32> to vector<64x200xf32>
    %get3A_19 = arith.constant 0 : index
    %get3A_20 = arith.constant 0 : index
    %get3A_21 = vector.load %arg2[%get3A_19, %get3A_20] : memref<128x200xf32, #tpu.memory_space<vmem>>, vector<1x200xf32>
    %broadcast_in_dim3A_22 = vector.shape_cast %get3A_21 : vector<1x200xf32> to vector<1x200xf32>
    %broadcast_in_dim3A_23 = vector.broadcast %broadcast_in_dim3A_22 : vector<1x200xf32> to vector<64x200xf32>
    %get3A_24 = arith.constant 0 : index
    %get3A_25 = arith.constant 0 : index
    %get3A_26 = vector.load %arg3[%get3A_24, %get3A_25] : memref<128x200xf32, #tpu.memory_space<vmem>>, vector<1x200xf32>
    %broadcast_in_dim3A_27 = vector.shape_cast %get3A_26 : vector<1x200xf32> to vector<1x200xf32>
    %broadcast_in_dim3A_28 = vector.broadcast %broadcast_in_dim3A_27 : vector<1x200xf32> to vector<64x200xf32>
    %mul3A = vector.broadcast %get3A_11 : vector<64x1xf32> to vector<64x200xf32>
    %mul3A_29 = arith.mulf %broadcast_in_dim3A_18, %mul3A : vector<64x200xf32>
    %mul3A_30 = vector.broadcast %get3A_14 : vector<64x1xf32> to vector<64x200xf32>
    %mul3A_31 = arith.mulf %broadcast_in_dim3A_23, %mul3A_30 : vector<64x200xf32>
    %add3A_32 = arith.addf %mul3A_29, %mul3A_31 : vector<64x200xf32>
    %add3A_33 = vector.broadcast %add3A_8 : vector<64x1xf32> to vector<64x200xf32>
    %add3A_34 = arith.addf %add3A_32, %add3A_33 : vector<64x200xf32>
    %mul3A_35 = arith.mulf %add3A_34, %broadcast_in_dim3A_28 : vector<64x200xf32>
    %swap3A = arith.constant 0 : index
    %swap3A_36 = arith.constant 0 : index
    %swap3A_37 = vector.load %arg9[%swap3A, %swap3A_36] : memref<8192x200xf32, #tpu.memory_space<vmem>>, vector<64x200xf32>
    tpu.vector_store %arg9[%swap3A, %swap3A_36], %mul3A_35 {strides = array<i32>} : memref<8192x200xf32, #tpu.memory_space<vmem>>, vector<64x200xf32>,
    %get3A_38 = arith.constant 1 : index
    %get3A_39 = arith.constant 0 : index
    %get3A_40 = vector.load %arg1[%get3A_38, %get3A_39] : memref<128x200xf32, #tpu.memory_space<vmem>>, vector<1x200xf32>
    %broadcast_in_dim3A_41 = vector.shape_cast %get3A_40 : vector<1x200xf32> to vector<1x200xf32>
    %broadcast_in_dim3A_42 = vector.broadcast %broadcast_in_dim3A_41 : vector<1x200xf32> to vector<64x200xf32>
    %get3A_43 = arith.constant 1 : index
    %get3A_44 = arith.constant 0 : index
    %get3A_45 = vector.load %arg2[%get3A_43, %get3A_44] : memref<128x200xf32, #tpu.memory_space<vmem>>, vector<1x200xf32>
    %broadcast_in_dim3A_46 = vector.shape_cast %get3A_45 : vector<1x200xf32> to vector<1x200xf32>
    %broadcast_in_dim3A_47 = vector.broadcast %broadcast_in_dim3A_46 : vector<1x200xf32> to vector<64x200xf32>
    %get3A_48 = arith.constant 1 : index
    %get3A_49 = arith.constant 0 : index
    %get3A_50 = vector.load %arg3[%get3A_48, %get3A_49] : memref<128x200xf32, #tpu.memory_space<vmem>>, vector<1x200xf32>
    %broadcast_in_dim3A_51 = vector.shape_cast %get3A_50 : vector<1x200xf32> to vector<1x200xf32>
    %broadcast_in_dim3A_52 = vector.broadcast %broadcast_in_dim3A_51 : vector<1x200xf32> to vector<64x200xf32>
    %mul3A_53 = vector.broadcast %get3A_11 : vector<64x1xf32> to vector<64x200xf32>
    %mul3A_54 = arith.mulf %broadcast_in_dim3A_42, %mul3A_53 : vector<64x200xf32>
    %mul3A_55 = vector.broadcast %get3A_14 : vector<64x1xf32> to vector<64x200xf32>
    %mul3A_56 = arith.mulf %broadcast_in_dim3A_47, %mul3A_55 : vector<64x200xf32>
    %add3A_57 = arith.addf %mul3A_54, %mul3A_56 : vector<64x200xf32>
    %add3A_58 = vector.broadcast %add3A_8 : vector<64x1xf32> to vector<64x200xf32>
    %add3A_59 = arith.addf %add3A_57, %add3A_58 : vector<64x200xf32>
    %mul3A_60 = arith.mulf %add3A_59, %broadcast_in_dim3A_52 : vector<64x200xf32>
    %swap3A_61 = arith.constant 64 : index
    %swap3A_62 = arith.constant 0 : index
    %swap3A_63 = vector.load %arg9[%swap3A_61, %swap3A_62] : memref<8192x200xf32, #tpu.memory_space<vmem>>, vector<64x200xf32>
    tpu.vector_store %arg9[%swap3A_61, %swap3A_62], %mul3A_60 {strides = array<i32>} : memref<8192x200xf32, #tpu.memory_space<vmem>>, vector<64x200xf32>,
    %get3A_64 = arith.constant 2 : index
    %get3A_65 = arith.constant 0 : index
    %get3A_66 = vector.load %arg1[%get3A_64, %get3A_65] : memref<128x200xf32, #tpu.memory_space<vmem>>, vector<1x200xf32>
    %broadcast_in_dim3A_67 = vector.shape_cast %get3A_66 : vector<1x200xf32> to vector<1x200xf32>
    %broadcast_in_dim3A_68 = vector.broadcast %broadcast_in_dim3A_67 : vector<1x200xf32> to vector<64x200xf32>
    %get3A_69 = arith.constant 2 : index
    %get3A_70 = arith.constant 0 : index
    %get3A_71 = vector.load %arg2[%get3A_69, %get3A_70] : memref<128x200xf32, #tpu.memory_space<vmem>>, vector<1x200xf32>
    %broadcast_in_dim3A_72 = vector.shape_cast %get3A_71 : vector<1x200xf32> to vector<1x200xf32>
    %broadcast_in_dim3A_73 = vector.broadcast %broadcast_in_dim3A_72 : vector<1x200xf32> to vector<64x200xf32>
    %get3A_74 = arith.constant 2 : index
    %get3A_75 = arith.constant 0 : index
    %get3A_76 = vector.load %arg3[%get3A_74, %get3A_75] : memref<128x200xf32, #tpu.memory_space<vmem>>, vector<1x200xf32>
    %broadcast_in_dim3A_77 = vector.shape_cast %get3A_76 : vector<1x200xf32> to vector<1x200xf32>
    %broadcast_in_dim3A_78 = vector.broadcast %broadcast_in_dim3A_77 : vector<1x200xf32> to vector<64x200xf32>
    %mul3A_79 = vector.broadcast %get3A_11 : vector<64x1xf32> to vector<64x200xf32>
    %mul3A_80 = arith.mulf %broadcast_in_dim3A_68, %mul3A_79 : vector<64x200xf32>
    %mul3A_81 = vector.broadcast %get3A_14 : vector<64x1xf32> to vector<64x200xf32>
    %mul3A_82 = arith.mulf %broadcast_in_dim3A_73, %mul3A_81 : vector<64x200xf32>
    %add3A_83 = arith.addf %mul3A_80, %mul3A_82 : vector<64x200xf32>
    %add3A_84 = vector.broadcast %add3A_8 : vector<64x1xf32> to vector<64x200xf32>
    %add3A_85 = arith.addf %add3A_83, %add3A_84 : vector<64x200xf32>
    %mul3A_86 = arith.mulf %add3A_85, %broadcast_in_dim3A_78 : vector<64x200xf32>
    %swap3A_87 = arith.constant 128 : index
    %swap3A_88 = arith.constant 0 : index
    %swap3A_89 = vector.load %arg9[%swap3A_87, %swap3A_88] : memref<8192x200xf32, #tpu.memory_space<vmem>>, vector<64x200xf32>
    tpu.vector_store %arg9[%swap3A_87, %swap3A_88], %mul3A_86 {strides = array<i32>} : memref<8192x200xf32, #tpu.memory_space<vmem>>, vector<64x200xf32>,
    %get3A_90 = arith.constant 3 : index
    %get3A_91 = arith.constant 0 : index
    %get3A_92 = vector.load %arg1[%get3A_90, %get3A_91] : memref<128x200xf32, #tpu.memory_space<vmem>>, vector<1x200xf32>
    %broadcast_in_dim3A_93 = vector.shape_cast %get3A_92 : vector<1x200xf32> to vector<1x200xf32>
    %broadcast_in_dim3A_94 = vector.broadcast %broadcast_in_dim3A_93 : vector<1x200xf32> to vector<64x200xf32>
    %get3A_95 = arith.constant 3 : index
    %get3A_96 = arith.constant 0 : index
    %get3A_97 = vector.load %arg2[%get3A_95, %get3A_96] : memref<128x200xf32, #tpu.memory_space<vmem>>, vector<1x200xf32>
    %broadcast_in_dim3A_98 = vector.shape_cast %get3A_97 : vector<1x200xf32> to vector<1x200xf32>
    %broadcast_in_dim3A_99 = vector.broadcast %broadcast_in_dim3A_98 : vector<1x200xf32> to vector<64x200xf32>
    %get3A_100 = arith.constant 3 : index
    %get3A_101 = arith.constant 0 : index
    %get3A_102 = vector.load %arg3[%get3A_100, %get3A_101] : memref<128x200xf32, #tpu.memory_space<vmem>>, vector<1x200xf32>
    %broadcast_in_dim3A_103 = vector.shape_cast %get3A_102 : vector<1x200xf32> to vector<1x200xf32>
    %broadcast_in_dim3A_104 = vector.broadcast %broadcast_in_dim3A_103 : vector<1x200xf32> to vector<64x200xf32>
    %mul3A_105 = vector.broadcast %get3A_11 : vector<64x1xf32> to vector<64x200xf32>
    %mul3A_106 = arith.mulf %broadcast_in_dim3A_94, %mul3A_105 : vector<64x200xf32>
    %mul3A_107 = vector.broadcast %get3A_14 : vector<64x1xf32> to vector<64x200xf32>
    %mul3A_108 = arith.mulf %broadcast_in_dim3A_99, %mul3A_107 : vector<64x200xf32>
    %add3A_109 = arith.addf %mul3A_106, %mul3A_108 : vector<64x200xf32>
    %add3A_110 = vector.broadcast %add3A_8 : vector<64x1xf32> to vector<64x200xf32>
    %add3A_111 = arith.addf %add3A_109, %add3A_110 : vector<64x200xf32>
    %mul3A_112 = arith.mulf %add3A_111, %broadcast_in_dim3A_104 : vector<64x200xf32>
    %swap3A_113 = arith.constant 192 : index
    %swap3A_114 = arith.constant 0 : index
    %swap3A_115 = vector.load %arg9[%swap3A_113, %swap3A_114] : memref<8192x200xf32, #tpu.memory_space<vmem>>, vector<64x200xf32>
    tpu.vector_store %arg9[%swap3A_113, %swap3A_114], %mul3A_112 {strides = array<i32>} : memref<8192x200xf32, #tpu.memory_space<vmem>>, vector<64x200xf32>,
    %get3A_116 = arith.constant 4 : index
    %get3A_117 = arith.constant 0 : index
    %get3A_118 = vector.load %arg1[%get3A_116, %get3A_117] : memref<128x200xf32, #tpu.memory_space<vmem>>, vector<1x200xf32>
    %broadcast_in_dim3A_119 = vector.shape_cast %get3A_118 : vector<1x200xf32> to vector<1x200xf32>
    %broadcast_in_dim3A_120 = vector.broadcast %broadcast_in_dim3A_119 : vector<1x200xf32> to vector<64x200xf32>
    %get3A_121 = arith.constant 4 : index
    %get3A_122 = arith.constant 0 : index
    %get3A_123 = vector.load %arg2[%get3A_121, %get3A_122] : memref<128x200xf32, #tpu.memory_space<vmem>>, vector<1x200xf32>
    %broadcast_in_dim3A_124 = vector.shape_cast %get3A_123 : vector<1x200xf32> to vector<1x200xf32>
    %broadcast_in_dim3A_125 = vector.broadcast %broadcast_in_dim3A_124 : vector<1x200xf32> to vector<64x200xf32>
    %get3A_126 = arith.constant 4 : index
    %get3A_127 = arith.constant 0 : index
    %get3A_128 = vector.load %arg3[%get3A_126, %get3A_127] : memref<128x200xf32, #tpu.memory_space<vmem>>, vector<1x200xf32>
    %broadcast_in_dim3A_129 = vector.shape_cast %get3A_128 : vector<1x200xf32> to vector<1x200xf32>
    %broadcast_in_dim3A_130 = vector.broadcast %broadcast_in_dim3A_129 : vector<1x200xf32> to vector<64x200xf32>
    %mul3A_131 = vector.broadcast %get3A_11 : vector<64x1xf32> to vector<64x200xf32>
    %mul3A_132 = arith.mulf %broadcast_in_dim3A_120, %mul3A_131 : vector<64x200xf32>
    %mul3A_133 = vector.broadcast %get3A_14 : vector<64x1xf32> to vector<64x200xf32>
    %mul3A_134 = arith.mulf %broadcast_in_dim3A_125, %mul3A_133 : vector<64x200xf32>
    %add3A_135 = arith.addf %mul3A_132, %mul3A_134 : vector<64x200xf32>
    %add3A_136 = vector.broadcast %add3A_8 : vector<64x1xf32> to vector<64x200xf32>
    %add3A_137 = arith.addf %add3A_135, %add3A_136 : vector<64x200xf32>
    %mul3A_138 = arith.mulf %add3A_137, %broadcast_in_dim3A_130 : vector<64x200xf32>
    %swap3A_139 = arith.constant 256 : index
    %swap3A_140 = arith.constant 0 : index
    %swap3A_141 = vector.load %arg9[%swap3A_139, %swap3A_140] : memref<8192x200xf32, #tpu.memory_space<vmem>>, vector<64x200xf32>
    tpu.vector_store %arg9[%swap3A_139, %swap3A_140], %mul3A_138 {strides = array<i32>} : memref<8192x200xf32, #tpu.memory_space<vmem>>, vector<64x200xf32>,
    %get3A_142 = arith.constant 5 : index
    %get3A_143 = arith.constant 0 : index
    %get3A_144 = vector.load %arg1[%get3A_142, %get3A_143] : memref<128x200xf32, #tpu.memory_space<vmem>>, vector<1x200xf32>
    %broadcast_in_dim3A_145 = vector.shape_cast %get3A_144 : vector<1x200xf32> to vector<1x200xf32>
    %broadcast_in_dim3A_146 = vector.broadcast %broadcast_in_dim3A_145 : vector<1x200xf32> to vector<64x200xf32>
    %get3A_147 = arith.constant 5 : index
    %get3A_148 = arith.constant 0 : index
    %get3A_149 = vector.load %arg2[%get3A_147, %get3A_148] : memref<128x200xf32, #tpu.memory_space<vmem>>, vector<1x200xf32>
    %broadcast_in_dim3A_150 = vector.shape_cast %get3A_149 : vector<1x200xf32> to vector<1x200xf32>
    %broadcast_in_dim3A_151 = vector.broadcast %broadcast_in_dim3A_150 : vector<1x200xf32> to vector<64x200xf32>
    %get3A_152 = arith.constant 5 : index
    %get3A_153 = arith.constant 0 : index
    %get3A_154 = vector.load %arg3[%get3A_152, %get3A_153] : memref<128x200xf32, #tpu.memory_space<vmem>>, vector<1x200xf32>
    %broadcast_in_dim3A_155 = vector.shape_cast %get3A_154 : vector<1x200xf32> to vector<1x200xf32>
    %broadcast_in_dim3A_156 = vector.broadcast %broadcast_in_dim3A_155 : vector<1x200xf32> to vector<64x200xf32>
    %mul3A_157 = vector.broadcast %get3A_11 : vector<64x1xf32> to vector<64x200xf32>
    %mul3A_158 = arith.mulf %broadcast_in_dim3A_146, %mul3A_157 : vector<64x200xf32>
    %mul3A_159 = vector.broadcast %get3A_14 : vector<64x1xf32> to vector<64x200xf32>
    %mul3A_160 = arith.mulf %broadcast_in_dim3A_151, %mul3A_159 : vector<64x200xf32>
    %add3A_161 = arith.addf %mul3A_158, %mul3A_160 : vector<64x200xf32>
    %add3A_162 = vector.broadcast %add3A_8 : vector<64x1xf32> to vector<64x200xf32>
    %add3A_163 = arith.addf %add3A_161, %add3A_162 : vector<64x200xf32>
    %mul3A_164 = arith.mulf %add3A_163, %broadcast_in_dim3A_156 : vector<64x200xf32>
    %swap3A_165 = arith.constant 320 : index
    %swap3A_166 = arith.constant 0 : index
    %swap3A_167 = vector.load %arg9[%swap3A_165, %swap3A_166] : memref<8192x200xf32, #tpu.memory_space<vmem>>, vector<64x200xf32>
    tpu.vector_store %arg9[%swap3A_165, %swap3A_166], %mul3A_164 {strides = array<i32>} : memref<8192x200xf32, #tpu.memory_space<vmem>>, vector<64x200xf32>,
    %get3A_168 = arith.constant 6 : index
    %get3A_169 = arith.constant 0 : index
    %get3A_170 = vector.load %arg1[%get3A_168, %get3A_169] : memref<128x200xf32, #tpu.memory_space<vmem>>, vector<1x200xf32>
    %broadcast_in_dim3A_171 = vector.shape_cast %get3A_170 : vector<1x200xf32> to vector<1x200xf32>
    %broadcast_in_dim3A_172 = vector.broadcast %broadcast_in_dim3A_171 : vector<1x200xf32> to vector<64x200xf32>
    %get3A_173 = arith.constant 6 : index
    %get3A_174 = arith.constant 0 : index
    %get3A_175 = vector.load %arg2[%get3A_173, %get3A_174] : memref<128x200xf32, #tpu.memory_space<vmem>>, vector<1x200xf32>
    %broadcast_in_dim3A_176 = vector.shape_cast %get3A_175 : vector<1x200xf32> to vector<1x200xf32>
    %broadcast_in_dim3A_177 = vector.broadcast %broadcast_in_dim3A_176 : vector<1x200xf32> to vector<64x200xf32>
    %get3A_178 = arith.constant 6 : index
    %get3A_179 = arith.constant 0 : index
    %get3A_180 = vector.load %arg3[%get3A_178, %get3A_179] : memref<128x200xf32, #tpu.memory_space<vmem>>, vector<1x200xf32>
    %broadcast_in_dim3A_181 = vector.shape_cast %get3A_180 : vector<1x200xf32> to vector<1x200xf32>
    %broadcast_in_dim3A_182 = vector.broadcast %broadcast_in_dim3A_181 : vector<1x200xf32> to vector<64x200xf32>
    %mul3A_183 = vector.broadcast %get3A_11 : vector<64x1xf32> to vector<64x200xf32>
    %mul3A_184 = arith.mulf %broadcast_in_dim3A_172, %mul3A_183 : vector<64x200xf32>
    %mul3A_185 = vector.broadcast %get3A_14 : vector<64x1xf32> to vector<64x200xf32>
    %mul3A_186 = arith.mulf %broadcast_in_dim3A_177, %mul3A_185 : vector<64x200xf32>
    %add3A_187 = arith.addf %mul3A_184, %mul3A_186 : vector<64x200xf32>
    %add3A_188 = vector.broadcast %add3A_8 : vector<64x1xf32> to vector<64x200xf32>
    %add3A_189 = arith.addf %add3A_187, %add3A_188 : vector<64x200xf32>
    %mul3A_190 = arith.mulf %add3A_189, %broadcast_in_dim3A_182 : vector<64x200xf32>
    %swap3A_191 = arith.constant 384 : index
    %swap3A_192 = arith.constant 0 : index
    %swap3A_193 = vector.load %arg9[%swap3A_191, %swap3A_192] : memref<8192x200xf32, #tpu.memory_space<vmem>>, vector<64x200xf32>
    tpu.vector_store %arg9[%swap3A_191, %swap3A_192], %mul3A_190 {strides = array<i32>} : memref<8192x200xf32, #tpu.memory_space<vmem>>, vector<64x200xf32>,
    %get3A_194 = arith.constant 7 : index
    %get3A_195 = arith.constant 0 : index
    %get3A_196 = vector.load %arg1[%get3A_194, %get3A_195] : memref<128x200xf32, #tpu.memory_space<vmem>>, vector<1x200xf32>
    %broadcast_in_dim3A_197 = vector.shape_cast %get3A_196 : vector<1x200xf32> to vector<1x200xf32>
    %broadcast_in_dim3A_198 = vector.broadcast %broadcast_in_dim3A_197 : vector<1x200xf32> to vector<64x200xf32>
    %get3A_199 = arith.constant 7 : index
    %get3A_200 = arith.constant 0 : index
    %get3A_201 = vector.load %arg2[%get3A_199, %get3A_200] : memref<128x200xf32, #tpu.memory_space<vmem>>, vector<1x200xf32>
    %broadcast_in_dim3A_202 = vector.shape_cast %get3A_201 : vector<1x200xf32> to vector<1x200xf32>
    %broadcast_in_dim3A_203 = vector.broadcast %broadcast_in_dim3A_202 : vector<1x200xf32> to vector<64x200xf32>
    %get3A_204 = arith.constant 7 : index
    %get3A_205 = arith.constant 0 : index
    %get3A_206 = vector.load %arg3[%get3A_204, %get3A_205] : memref<128x200xf32, #tpu.memory_space<vmem>>, vector<1x200xf32>
    %broadcast_in_dim3A_207 = vector.shape_cast %get3A_206 : vector<1x200xf32> to vector<1x200xf32>
    %broadcast_in_dim3A_208 = vector.broadcast %broadcast_in_dim3A_207 : vector<1x200xf32> to vector<64x200xf32>
    %mul3A_209 = vector.broadcast %get3A_11 : vector<64x1xf32> to vector<64x200xf32>
    %mul3A_210 = arith.mulf %broadcast_in_dim3A_198, %mul3A_209 : vector<64x200xf32>
    %mul3A_211 = vector.broadcast %get3A_14 : vector<64x1xf32> to vector<64x200xf32>
    %mul3A_212 = arith.mulf %broadcast_in_dim3A_203, %mul3A_211 : vector<64x200xf32>
    %add3A_213 = arith.addf %mul3A_210, %mul3A_212 : vector<64x200xf32>
    %add3A_214 = vector.broadcast %add3A_8 : vector<64x1xf32> to vector<64x200xf32>
    %add3A_215 = arith.addf %add3A_213, %add3A_214 : vector<64x200xf32>
    %mul3A_216 = arith.mulf %add3A_215, %broadcast_in_dim3A_208 : vector<64x200xf32>
    %swap3A_217 = arith.constant 448 : index
    %swap3A_218 = arith.constant 0 : index
    %swap3A_219 = vector.load %arg9[%swap3A_217, %swap3A_218] : memref<8192x200xf32, #tpu.memory_space<vmem>>, vector<64x200xf32>
    tpu.vector_store %arg9[%swap3A_217, %swap3A_218], %mul3A_216 {strides = array<i32>} : memref<8192x200xf32, #tpu.memory_space<vmem>>, vector<64x200xf32>,
    %get3A_220 = arith.constant 8 : index
    %get3A_221 = arith.constant 0 : index
    %get3A_222 = vector.load %arg1[%get3A_220, %get3A_221] : memref<128x200xf32, #tpu.memory_space<vmem>>, vector<1x200xf32>
    %broadcast_in_dim3A_223 = vector.shape_cast %get3A_222 : vector<1x200xf32> to vector<1x200xf32>
    %broadcast_in_dim3A_224 = vector.broadcast %broadcast_in_dim3A_223 : vector<1x200xf32> to vector<64x200xf32>
    %get3A_225 = arith.constant 8 : index
    %get3A_226 = arith.constant 0 : index
    %get3A_227 = vector.load %arg2[%get3A_225, %get3A_226] : memref<128x200xf32, #tpu.memory_space<vmem>>, vector<1x200xf32>
    %broadcast_in_dim3A_228 = vector.shape_cast %get3A_227 : vector<1x200xf32> to vector<1x200xf32>
    %broadcast_in_dim3A_229 = vector.broadcast %broadcast_in_dim3A_228 : vector<1x200xf32> to vector<64x200xf32>
    %get3A_230 = arith.constant 8 : index
    %get3A_231 = arith.constant 0 : index
    %get3A_232 = vector.load %arg3[%get3A_230, %get3A_231] : memref<128x200xf32, #tpu.memory_space<vmem>>, vector<1x200xf32>
    %broadcast_in_dim3A_233 = vector.shape_cast %get3A_232 : vector<1x200xf32> to vector<1x200xf32>
    %broadcast_in_dim3A_234 = vector.broadcast %broadcast_in_dim3A_233 : vector<1x200xf32> to vector<64x200xf32>
    %mul3A_235 = vector.broadcast %get3A_11 : vector<64x1xf32> to vector<64x200xf32>
    %mul3A_236 = arith.mulf %broadcast_in_dim3A_224, %mul3A_235 : vector<64x200xf32>
    %mul3A_237 = vector.broadcast %get3A_14 : vector<64x1xf32> to vector<64x200xf32>
    %mul3A_238 = arith.mulf %broadcast_in_dim3A_229, %mul3A_237 : vector<64x200xf32>
    %add3A_239 = arith.addf %mul3A_236, %mul3A_238 : vector<64x200xf32>
    %add3A_240 = vector.broadcast %add3A_8 : vector<64x1xf32> to vector<64x200xf32>
    %add3A_241 = arith.addf %add3A_239, %add3A_240 : vector<64x200xf32>
    %mul3A_242 = arith.mulf %add3A_241, %broadcast_in_dim3A_234 : vector<64x200xf32>
    %swap3A_243 = arith.constant 512 : index
    %swap3A_244 = arith.constant 0 : index
    %swap3A_245 = vector.load %arg9[%swap3A_243, %swap3A_244] : memref<8192x200xf32, #tpu.memory_space<vmem>>, vector<64x200xf32>
    tpu.vector_store %arg9[%swap3A_243, %swap3A_244], %mul3A_242 {strides = array<i32>} : memref<8192x200xf32, #tpu.memory_space<vmem>>, vector<64x200xf32>,
    %get3A_246 = arith.constant 9 : index
    %get3A_247 = arith.constant 0 : index
    %get3A_248 = vector.load %arg1[%get3A_246, %get3A_247] : memref<128x200xf32, #tpu.memory_space<vmem>>, vector<1x200xf32>
    %broadcast_in_dim3A_249 = vector.shape_cast %get3A_248 : vector<1x200xf32> to vector<1x200xf32>
    %broadcast_in_dim3A_250 = vector.broadcast %broadcast_in_dim3A_249 : vector<1x200xf32> to vector<64x200xf32>
    %get3A_251 = arith.constant 9 : index
    %get3A_252 = arith.constant 0 : index
    %get3A_253 = vector.load %arg2[%get3A_251, %get3A_252] : memref<128x200xf32, #tpu.memory_space<vmem>>, vector<1x200xf32>
    %broadcast_in_dim3A_254 = vector.shape_cast %get3A_253 : vector<1x200xf32> to vector<1x200xf32>
    %broadcast_in_dim3A_255 = vector.broadcast %broadcast_in_dim3A_254 : vector<1x200xf32> to vector<64x200xf32>
    %get3A_256 = arith.constant 9 : index
    %get3A_257 = arith.constant 0 : index
    %get3A_258 = vector.load %arg3[%get3A_256, %get3A_257] : memref<128x200xf32, #tpu.memory_space<vmem>>, vector<1x200xf32>
    %broadcast_in_dim3A_259 = vector.shape_cast %get3A_258 : vector<1x200xf32> to vector<1x200xf32>
    %broadcast_in_dim3A_260 = vector.broadcast %broadcast_in_dim3A_259 : vector<1x200xf32> to vector<64x200xf32>
    %mul3A_261 = vector.broadcast %get3A_11 : vector<64x1xf32> to vector<64x200xf32>
    %mul3A_262 = arith.mulf %broadcast_in_dim3A_250, %mul3A_261 : vector<64x200xf32>
    %mul3A_263 = vector.broadcast %get3A_14 : vector<64x1xf32> to vector<64x200xf32>
    %mul3A_264 = arith.mulf %broadcast_in_dim3A_255, %mul3A_263 : vector<64x200xf32>
    %add3A_265 = arith.addf %mul3A_262, %mul3A_264 : vector<64x200xf32>
    %add3A_266 = vector.broadcast %add3A_8 : vector<64x1xf32> to vector<64x200xf32>
    %add3A_267 = arith.addf %add3A_265, %add3A_266 : vector<64x200xf32>
    %mul3A_268 = arith.mulf %add3A_267, %broadcast_in_dim3A_260 : vector<64x200xf32>
    %swap3A_269 = arith.constant 576 : index
    %swap3A_270 = arith.constant 0 : index
    %swap3A_271 = vector.load %arg9[%swap3A_269, %swap3A_270] : memref<8192x200xf32, #tpu.memory_space<vmem>>, vector<64x200xf32>
    tpu.vector_store %arg9[%swap3A_269, %swap3A_270], %mul3A_268 {strides = array<i32>} : memref<8192x200xf32, #tpu.memory_space<vmem>>, vector<64x200xf32>,
    %get3A_272 = arith.constant 10 : index
    %get3A_273 = arith.constant 0 : index
    %get3A_274 = vector.load %arg1[%get3A_272, %get3A_273] : memref<128x200xf32, #tpu.memory_space<vmem>>, vector<1x200xf32>
    %broadcast_in_dim3A_275 = vector.shape_cast %get3A_274 : vector<1x200xf32> to vector<1x200xf32>
    %broadcast_in_dim3A_276 = vector.broadcast %broadcast_in_dim3A_275 : vector<1x200xf32> to vector<64x200xf32>
    %get3A_277 = arith.constant 10 : index
    %get3A_278 = arith.constant 0 : index
    %get3A_279 = vector.load %arg2[%get3A_277, %get3A_278] : memref<128x200xf32, #tpu.memory_space<vmem>>, vector<1x200xf32>
    %broadcast_in_dim3A_280 = vector.shape_cast %get3A_279 : vector<1x200xf32> to vector<1x200xf32>
    %broadcast_in_dim3A_281 = vector.broadcast %broadcast_in_dim3A_280 : vector<1x200xf32> to vector<64x200xf32>
    %get3A_282 = arith.constant 10 : index
    %get3A_283 = arith.constant 0 : index
    %get3A_284 = vector.load %arg3[%get3A_282, %get3A_283] : memref<128x200xf32, #tpu.memory_space<vmem>>, vector<1x200xf32>
    %broadcast_in_dim3A_285 = vector.shape_cast %get3A_284 : vector<1x200xf32> to vector<1x200xf32>
    %broadcast_in_dim3A_286 = vector.broadcast %broadcast_in_dim3A_285 : vector<1x200xf32> to vector<64x200xf32>
    %mul3A_287 = vector.broadcast %get3A_11 : vector<64x1xf32> to vector<64x200xf32>
    %mul3A_288 = arith.mulf %broadcast_in_dim3A_276, %mul3A_287 : vector<64x200xf32>
    %mul3A_289 = vector.broadcast %get3A_14 : vector<64x1xf32> to vector<64x200xf32>
    %mul3A_290 = arith.mulf %broadcast_in_dim3A_281, %mul3A_289 : vector<64x200xf32>
    %add3A_291 = arith.addf %mul3A_288, %mul3A_290 : vector<64x200xf32>
    %add3A_292 = vector.broadcast %add3A_8 : vector<64x1xf32> to vector<64x200xf32>
    %add3A_293 = arith.addf %add3A_291, %add3A_292 : vector<64x200xf32>
    %mul3A_294 = arith.mulf %add3A_293, %broadcast_in_dim3A_286 : vector<64x200xf32>
    %swap3A_295 = arith.constant 640 : index
    %swap3A_296 = arith.constant 0 : index
    %swap3A_297 = vector.load %arg9[%swap3A_295, %swap3A_296] : memref<8192x200xf32, #tpu.memory_space<vmem>>, vector<64x200xf32>
    tpu.vector_store %arg9[%swap3A_295, %swap3A_296], %mul3A_294 {strides = array<i32>} : memref<8192x200xf32, #tpu.memory_space<vmem>>, vector<64x200xf32>,
    %get3A_298 = arith.constant 11 : index
    %get3A_299 = arith.constant 0 : index
    %get3A_300 = vector.load %arg1[%get3A_298, %get3A_299] : memref<128x200xf32, #tpu.memory_space<vmem>>, vector<1x200xf32>
    %broadcast_in_dim3A_301 = vector.shape_cast %get3A_300 : vector<1x200xf32> to vector<1x200xf32>
    %broadcast_in_dim3A_302 = vector.broadcast %broadcast_in_dim3A_301 : vector<1x200xf32> to vector<64x200xf32>
    %get3A_303 = arith.constant 11 : index
    %get3A_304 = arith.constant 0 : index
    %get3A_305 = vector.load %arg2[%get3A_303, %get3A_304] : memref<128x200xf32, #tpu.memory_space<vmem>>, vector<1x200xf32>
    %broadcast_in_dim3A_306 = vector.shape_cast %get3A_305 : vector<1x200xf32> to vector<1x200xf32>
    %broadcast_in_dim3A_307 = vector.broadcast %broadcast_in_dim3A_306 : vector<1x200xf32> to vector<64x200xf32>
    %get3A_308 = arith.constant 11 : index
    %get3A_309 = arith.constant 0 : index
    %get3A_310 = vector.load %arg3[%get3A_308, %get3A_309] : memref<128x200xf32, #tpu.memory_space<vmem>>, vector<1x200xf32>
    %broadcast_in_dim3A_311 = vector.shape_cast %get3A_310 : vector<1x200xf32> to vector<1x200xf32>
    %broadcast_in_dim3A_312 = vector.broadcast %broadcast_in_dim3A_311 : vector<1x200xf32> to vector<64x200xf32>
    %mul3A_313 = vector.broadcast %get3A_11 : vector<64x1xf32> to vector<64x200xf32>
    %mul3A_314 = arith.mulf %broadcast_in_dim3A_302, %mul3A_313 : vector<64x200xf32>
    %mul3A_315 = vector.broadcast %get3A_14 : vector<64x1xf32> to vector<64x200xf32>
    %mul3A_316 = arith.mulf %broadcast_in_dim3A_307, %mul3A_315 : vector<64x200xf32>
    %add3A_317 = arith.addf %mul3A_314, %mul3A_316 : vector<64x200xf32>
    %add3A_318 = vector.broadcast %add3A_8 : vector<64x1xf32> to vector<64x200xf32>
    %add3A_319 = arith.addf %add3A_317, %add3A_318 : vector<64x200xf32>
    %mul3A_320 = arith.mulf %add3A_319, %broadcast_in_dim3A_312 : vector<64x200xf32>
    %swap3A_321 = arith.constant 704 : index
    %swap3A_322 = arith.constant 0 : index
    %swap3A_323 = vector.load %arg9[%swap3A_321, %swap3A_322] : memref<8192x200xf32, #tpu.memory_space<vmem>>, vector<64x200xf32>
    tpu.vector_store %arg9[%swap3A_321, %swap3A_322], %mul3A_320 {strides = array<i32>} : memref<8192x200xf32, #tpu.memory_space<vmem>>, vector<64x200xf32>,
    %get3A_324 = arith.constant 12 : index
    %get3A_325 = arith.constant 0 : index
    %get3A_326 = vector.load %arg1[%get3A_324, %get3A_325] : memref<128x200xf32, #tpu.memory_space<vmem>>, vector<1x200xf32>
    %broadcast_in_dim3A_327 = vector.shape_cast %get3A_326 : vector<1x200xf32> to vector<1x200xf32>
    %broadcast_in_dim3A_328 = vector.broadcast %broadcast_in_dim3A_327 : vector<1x200xf32> to vector<64x200xf32>
    %get3A_329 = arith.constant 12 : index
    %get3A_330 = arith.constant 0 : index
    %get3A_331 = vector.load %arg2[%get3A_329, %get3A_330] : memref<128x200xf32, #tpu.memory_space<vmem>>, vector<1x200xf32>
    %broadcast_in_dim3A_332 = vector.shape_cast %get3A_331 : vector<1x200xf32> to vector<1x200xf32>
    %broadcast_in_dim3A_333 = vector.broadcast %broadcast_in_dim3A_332 : vector<1x200xf32> to vector<64x200xf32>
    %get3A_334 = arith.constant 12 : index
    %get3A_335 = arith.constant 0 : index
    %get3A_336 = vector.load %arg3[%get3A_334, %get3A_335] : memref<128x200xf32, #tpu.memory_space<vmem>>, vector<1x200xf32>
    %broadcast_in_dim3A_337 = vector.shape_cast %get3A_336 : vector<1x200xf32> to vector<1x200xf32>
    %broadcast_in_dim3A_338 = vector.broadcast %broadcast_in_dim3A_337 : vector<1x200xf32> to vector<64x200xf32>
    %mul3A_339 = vector.broadcast %get3A_11 : vector<64x1xf32> to vector<64x200xf32>
    %mul3A_340 = arith.mulf %broadcast_in_dim3A_328, %mul3A_339 : vector<64x200xf32>
    %mul3A_341 = vector.broadcast %get3A_14 : vector<64x1xf32> to vector<64x200xf32>
    %mul3A_342 = arith.mulf %broadcast_in_dim3A_333, %mul3A_341 : vector<64x200xf32>
    %add3A_343 = arith.addf %mul3A_340, %mul3A_342 : vector<64x200xf32>
    %add3A_344 = vector.broadcast %add3A_8 : vector<64x1xf32> to vector<64x200xf32>
    %add3A_345 = arith.addf %add3A_343, %add3A_344 : vector<64x200xf32>
    %mul3A_346 = arith.mulf %add3A_345, %broadcast_in_dim3A_338 : vector<64x200xf32>
    %swap3A_347 = arith.constant 768 : index
    %swap3A_348 = arith.constant 0 : index
    %swap3A_349 = vector.load %arg9[%swap3A_347, %swap3A_348] : memref<8192x200xf32, #tpu.memory_space<vmem>>, vector<64x200xf32>
    tpu.vector_store %arg9[%swap3A_347, %swap3A_348], %mul3A_346 {strides = array<i32>} : memref<8192x200xf32, #tpu.memory_space<vmem>>, vector<64x200xf32>,
    %get3A_350 = arith.constant 13 : index
    %get3A_351 = arith.constant 0 : index
    %get3A_352 = vector.load %arg1[%get3A_350, %get3A_351] : memref<128x200xf32, #tpu.memory_space<vmem>>, vector<1x200xf32>
    %broadcast_in_dim3A_353 = vector.shape_cast %get3A_352 : vector<1x200xf32> to vector<1x200xf32>
    %broadcast_in_dim3A_354 = vector.broadcast %broadcast_in_dim3A_353 : vector<1x200xf32> to vector<64x200xf32>
    %get3A_355 = arith.constant 13 : index
    %get3A_356 = arith.constant 0 : index
    %get3A_357 = vector.load %arg2[%get3A_355, %get3A_356] : memref<128x200xf32, #tpu.memory_space<vmem>>, vector<1x200xf32>
    %broadcast_in_dim3A_358 = vector.shape_cast %get3A_357 : vector<1x200xf32> to vector<1x200xf32>
    %broadcast_in_dim3A_359 = vector.broadcast %broadcast_in_dim3A_358 : vector<1x200xf32> to vector<64x200xf32>
    %get3A_360 = arith.constant 13 : index
    %get3A_361 = arith.constant 0 : index
    %get3A_362 = vector.load %arg3[%get3A_360, %get3A_361] : memref<128x200xf32, #tpu.memory_space<vmem>>, vector<1x200xf32>
    %broadcast_in_dim3A_363 = vector.shape_cast %get3A_362 : vector<1x200xf32> to vector<1x200xf32>
    %broadcast_in_dim3A_364 = vector.broadcast %broadcast_in_dim3A_363 : vector<1x200xf32> to vector<64x200xf32>
    %mul3A_365 = vector.broadcast %get3A_11 : vector<64x1xf32> to vector<64x200xf32>
    %mul3A_366 = arith.mulf %broadcast_in_dim3A_354, %mul3A_365 : vector<64x200xf32>
    %mul3A_367 = vector.broadcast %get3A_14 : vector<64x1xf32> to vector<64x200xf32>
    %mul3A_368 = arith.mulf %broadcast_in_dim3A_359, %mul3A_367 : vector<64x200xf32>
    %add3A_369 = arith.addf %mul3A_366, %mul3A_368 : vector<64x200xf32>
    %add3A_370 = vector.broadcast %add3A_8 : vector<64x1xf32> to vector<64x200xf32>
    %add3A_371 = arith.addf %add3A_369, %add3A_370 : vector<64x200xf32>
    %mul3A_372 = arith.mulf %add3A_371, %broadcast_in_dim3A_364 : vector<64x200xf32>
    %swap3A_373 = arith.constant 832 : index
    %swap3A_374 = arith.constant 0 : index
    %swap3A_375 = vector.load %arg9[%swap3A_373, %swap3A_374] : memref<8192x200xf32, #tpu.memory_space<vmem>>, vector<64x200xf32>
    tpu.vector_store %arg9[%swap3A_373, %swap3A_374], %mul3A_372 {strides = array<i32>} : memref<8192x200xf32, #tpu.memory_space<vmem>>, vector<64x200xf32>,
    %get3A_376 = arith.constant 14 : index
    %get3A_377 = arith.constant 0 : index
    %get3A_378 = vector.load %arg1[%get3A_376, %get3A_377] : memref<128x200xf32, #tpu.memory_space<vmem>>, vector<1x200xf32>
    %broadcast_in_dim3A_379 = vector.shape_cast %get3A_378 : vector<1x200xf32> to vector<1x200xf32>
    %broadcast_in_dim3A_380 = vector.broadcast %broadcast_in_dim3A_379 : vector<1x200xf32> to vector<64x200xf32>
    %get3A_381 = arith.constant 14 : index
    %get3A_382 = arith.constant 0 : index
    %get3A_383 = vector.load %arg2[%get3A_381, %get3A_382] : memref<128x200xf32, #tpu.memory_space<vmem>>, vector<1x200xf32>
    %broadcast_in_dim3A_384 = vector.shape_cast %get3A_383 : vector<1x200xf32> to vector<1x200xf32>
    %broadcast_in_dim3A_385 = vector.broadcast %broadcast_in_dim3A_384 : vector<1x200xf32> to vector<64x200xf32>
    %get3A_386 = arith.constant 14 : index
    %get3A_387 = arith.constant 0 : index
    %get3A_388 = vector.load %arg3[%get3A_386, %get3A_387] : memref<128x200xf32, #tpu.memory_space<vmem>>, vector<1x200xf32>
    %broadcast_in_dim3A_389 = vector.shape_cast %get3A_388 : vector<1x200xf32> to vector<1x200xf32>
    %broadcast_in_dim3A_390 = vector.broadcast %broadcast_in_dim3A_389 : vector<1x200xf32> to vector<64x200xf32>
    %mul3A_391 = vector.broadcast %get3A_11 : vector<64x1xf32> to vector<64x200xf32>
    %mul3A_392 = arith.mulf %broadcast_in_dim3A_380, %mul3A_391 : vector<64x200xf32>
    %mul3A_393 = vector.broadcast %get3A_14 : vector<64x1xf32> to vector<64x200xf32>
    %mul3A_394 = arith.mulf %broadcast_in_dim3A_385, %mul3A_393 : vector<64x200xf32>
    %add3A_395 = arith.addf %mul3A_392, %mul3A_394 : vector<64x200xf32>
    %add3A_396 = vector.broadcast %add3A_8 : vector<64x1xf32> to vector<64x200xf32>
    %add3A_397 = arith.addf %add3A_395, %add3A_396 : vector<64x200xf32>
    %mul3A_398 = arith.mulf %add3A_397, %broadcast_in_dim3A_390 : vector<64x200xf32>
    %swap3A_399 = arith.constant 896 : index
    %swap3A_400 = arith.constant 0 : index
    %swap3A_401 = vector.load %arg9[%swap3A_399, %swap3A_400] : memref<8192x200xf32, #tpu.memory_space<vmem>>, vector<64x200xf32>
    tpu.vector_store %arg9[%swap3A_399, %swap3A_400], %mul3A_398 {strides = array<i32>} : memref<8192x200xf32, #tpu.memory_space<vmem>>, vector<64x200xf32>,
    %get3A_402 = arith.constant 15 : index
    %get3A_403 = arith.constant 0 : index
    %get3A_404 = vector.load %arg1[%get3A_402, %get3A_403] : memref<128x200xf32, #tpu.memory_space<vmem>>, vector<1x200xf32>
    %broadcast_in_dim3A_405 = vector.shape_cast %get3A_404 : vector<1x200xf32> to vector<1x200xf32>
    %broadcast_in_dim3A_406 = vector.broadcast %broadcast_in_dim3A_405 : vector<1x200xf32> to vector<64x200xf32>
    %get3A_407 = arith.constant 15 : index
    %get3A_408 = arith.constant 0 : index
    %get3A_409 = vector.load %arg2[%get3A_407, %get3A_408] : memref<128x200xf32, #tpu.memory_space<vmem>>, vector<1x200xf32>
    %broadcast_in_dim3A_410 = vector.shape_cast %get3A_409 : vector<1x200xf32> to vector<1x200xf32>
    %broadcast_in_dim3A_411 = vector.broadcast %broadcast_in_dim3A_410 : vector<1x200xf32> to vector<64x200xf32>
    %get3A_412 = arith.constant 15 : index
    %get3A_413 = arith.constant 0 : index
    %get3A_414 = vector.load %arg3[%get3A_412, %get3A_413] : memref<128x200xf32, #tpu.memory_space<vmem>>, vector<1x200xf32>
    %broadcast_in_dim3A_415 = vector.shape_cast %get3A_414 : vector<1x200xf32> to vector<1x200xf32>
    %broadcast_in_dim3A_416 = vector.broadcast %broadcast_in_dim3A_415 : vector<1x200xf32> to vector<64x200xf32>
    %mul3A_417 = vector.broadcast %get3A_11 : vector<64x1xf32> to vector<64x200xf32>
    %mul3A_418 = arith.mulf %broadcast_in_dim3A_406, %mul3A_417 : vector<64x200xf32>
    %mul3A_419 = vector.broadcast %get3A_14 : vector<64x1xf32> to vector<64x200xf32>
    %mul3A_420 = arith.mulf %broadcast_in_dim3A_411, %mul3A_419 : vector<64x200xf32>
    %add3A_421 = arith.addf %mul3A_418, %mul3A_420 : vector<64x200xf32>
    %add3A_422 = vector.broadcast %add3A_8 : vector<64x1xf32> to vector<64x200xf32>
    %add3A_423 = arith.addf %add3A_421, %add3A_422 : vector<64x200xf32>
    %mul3A_424 = arith.mulf %add3A_423, %broadcast_in_dim3A_416 : vector<64x200xf32>
    %swap3A_425 = arith.constant 960 : index
    %swap3A_426 = arith.constant 0 : index
    %swap3A_427 = vector.load %arg9[%swap3A_425, %swap3A_426] : memref<8192x200xf32, #tpu.memory_space<vmem>>, vector<64x200xf32>
    tpu.vector_store %arg9[%swap3A_425, %swap3A_426], %mul3A_424 {strides = array<i32>} : memref<8192x200xf32, #tpu.memory_space<vmem>>, vector<64x200xf32>,
    %get3A_428 = arith.constant 16 : index
    %get3A_429 = arith.constant 0 : index
    %get3A_430 = vector.load %arg1[%get3A_428, %get3A_429] : memref<128x200xf32, #tpu.memory_space<vmem>>, vector<1x200xf32>
    %broadcast_in_dim3A_431 = vector.shape_cast %get3A_430 : vector<1x200xf32> to vector<1x200xf32>
    %broadcast_in_dim3A_432 = vector.broadcast %broadcast_in_dim3A_431 : vector<1x200xf32> to vector<64x200xf32>
    %get3A_433 = arith.constant 16 : index
    %get3A_434 = arith.constant 0 : index
    %get3A_435 = vector.load %arg2[%get3A_433, %get3A_434] : memref<128x200xf32, #tpu.memory_space<vmem>>, vector<1x200xf32>
    %broadcast_in_dim3A_436 = vector.shape_cast %get3A_435 : vector<1x200xf32> to vector<1x200xf32>
    %broadcast_in_dim3A_437 = vector.broadcast %broadcast_in_dim3A_436 : vector<1x200xf32> to vector<64x200xf32>
    %get3A_438 = arith.constant 16 : index
    %get3A_439 = arith.constant 0 : index
    %get3A_440 = vector.load %arg3[%get3A_438, %get3A_439] : memref<128x200xf32, #tpu.memory_space<vmem>>, vector<1x200xf32>
    %broadcast_in_dim3A_441 = vector.shape_cast %get3A_440 : vector<1x200xf32> to vector<1x200xf32>
    %broadcast_in_dim3A_442 = vector.broadcast %broadcast_in_dim3A_441 : vector<1x200xf32> to vector<64x200xf32>
    %mul3A_443 = vector.broadcast %get3A_11 : vector<64x1xf32> to vector<64x200xf32>
    %mul3A_444 = arith.mulf %broadcast_in_dim3A_432, %mul3A_443 : vector<64x200xf32>
    %mul3A_445 = vector.broadcast %get3A_14 : vector<64x1xf32> to vector<64x200xf32>
    %mul3A_446 = arith.mulf %broadcast_in_dim3A_437, %mul3A_445 : vector<64x200xf32>
    %add3A_447 = arith.addf %mul3A_444, %mul3A_446 : vector<64x200xf32>
    %add3A_448 = vector.broadcast %add3A_8 : vector<64x1xf32> to vector<64x200xf32>
    %add3A_449 = arith.addf %add3A_447, %add3A_448 : vector<64x200xf32>
    %mul3A_450 = arith.mulf %add3A_449, %broadcast_in_dim3A_442 : vector<64x200xf32>
    %swap3A_451 = arith.constant 1024 : index
    %swap3A_452 = arith.constant 0 : index
    %swap3A_453 = vector.load %arg9[%swap3A_451, %swap3A_452] : memref<8192x200xf32, #tpu.memory_space<vmem>>, vector<64x200xf32>
    tpu.vector_store %arg9[%swap3A_451, %swap3A_452], %mul3A_450 {strides = array<i32>} : memref<8192x200xf32, #tpu.memory_space<vmem>>, vector<64x200xf32>,
    %get3A_454 = arith.constant 17 : index
    %get3A_455 = arith.constant 0 : index
    %get3A_456 = vector.load %arg1[%get3A_454, %get3A_455] : memref<128x200xf32, #tpu.memory_space<vmem>>, vector<1x200xf32>
    %broadcast_in_dim3A_457 = vector.shape_cast %get3A_456 : vector<1x200xf32> to vector<1x200xf32>
    %broadcast_in_dim3A_458 = vector.broadcast %broadcast_in_dim3A_457 : vector<1x200xf32> to vector<64x200xf32>
    %get3A_459 = arith.constant 17 : index
    %get3A_460 = arith.constant 0 : index
    %get3A_461 = vector.load %arg2[%get3A_459, %get3A_460] : memref<128x200xf32, #tpu.memory_space<vmem>>, vector<1x200xf32>
    %broadcast_in_dim3A_462 = vector.shape_cast %get3A_461 : vector<1x200xf32> to vector<1x200xf32>
    %broadcast_in_dim3A_463 = vector.broadcast %broadcast_in_dim3A_462 : vector<1x200xf32> to vector<64x200xf32>
    %get3A_464 = arith.constant 17 : index
    %get3A_465 = arith.constant 0 : index
    %get3A_466 = vector.load %arg3[%get3A_464, %get3A_465] : memref<128x200xf32, #tpu.memory_space<vmem>>, vector<1x200xf32>
    %broadcast_in_dim3A_467 = vector.shape_cast %get3A_466 : vector<1x200xf32> to vector<1x200xf32>
    %broadcast_in_dim3A_468 = vector.broadcast %broadcast_in_dim3A_467 : vector<1x200xf32> to vector<64x200xf32>
    %mul3A_469 = vector.broadcast %get3A_11 : vector<64x1xf32> to vector<64x200xf32>
    %mul3A_470 = arith.mulf %broadcast_in_dim3A_458, %mul3A_469 : vector<64x200xf32>
    %mul3A_471 = vector.broadcast %get3A_14 : vector<64x1xf32> to vector<64x200xf32>
    %mul3A_472 = arith.mulf %broadcast_in_dim3A_463, %mul3A_471 : vector<64x200xf32>
    %add3A_473 = arith.addf %mul3A_470, %mul3A_472 : vector<64x200xf32>
    %add3A_474 = vector.broadcast %add3A_8 : vector<64x1xf32> to vector<64x200xf32>
    %add3A_475 = arith.addf %add3A_473, %add3A_474 : vector<64x200xf32>
    %mul3A_476 = arith.mulf %add3A_475, %broadcast_in_dim3A_468 : vector<64x200xf32>
    %swap3A_477 = arith.constant 1088 : index
    %swap3A_478 = arith.constant 0 : index
    %swap3A_479 = vector.load %arg9[%swap3A_477, %swap3A_478] : memref<8192x200xf32, #tpu.memory_space<vmem>>, vector<64x200xf32>
    tpu.vector_store %arg9[%swap3A_477, %swap3A_478], %mul3A_476 {strides = array<i32>} : memref<8192x200xf32, #tpu.memory_space<vmem>>, vector<64x200xf32>,
    %get3A_480 = arith.constant 18 : index
    %get3A_481 = arith.constant 0 : index
    %get3A_482 = vector.load %arg1[%get3A_480, %get3A_481] : memref<128x200xf32, #tpu.memory_space<vmem>>, vector<1x200xf32>
    %broadcast_in_dim3A_483 = vector.shape_cast %get3A_482 : vector<1x200xf32> to vector<1x200xf32>
    %broadcast_in_dim3A_484 = vector.broadcast %broadcast_in_dim3A_483 : vector<1x200xf32> to vector<64x200xf32>
    %get3A_485 = arith.constant 18 : index
    %get3A_486 = arith.constant 0 : index
    %get3A_487 = vector.load %arg2[%get3A_485, %get3A_486] : memref<128x200xf32, #tpu.memory_space<vmem>>, vector<1x200xf32>
    %broadcast_in_dim3A_488 = vector.shape_cast %get3A_487 : vector<1x200xf32> to vector<1x200xf32>
    %broadcast_in_dim3A_489 = vector.broadcast %broadcast_in_dim3A_488 : vector<1x200xf32> to vector<64x200xf32>
    %get3A_490 = arith.constant 18 : index
    %get3A_491 = arith.constant 0 : index
    %get3A_492 = vector.load %arg3[%get3A_490, %get3A_491] : memref<128x200xf32, #tpu.memory_space<vmem>>, vector<1x200xf32>
    %broadcast_in_dim3A_493 = vector.shape_cast %get3A_492 : vector<1x200xf32> to vector<1x200xf32>
    %broadcast_in_dim3A_494 = vector.broadcast %broadcast_in_dim3A_493 : vector<1x200xf32> to vector<64x200xf32>
    %mul3A_495 = vector.broadcast %get3A_11 : vector<64x1xf32> to vector<64x200xf32>
    %mul3A_496 = arith.mulf %broadcast_in_dim3A_484, %mul3A_495 : vector<64x200xf32>
    %mul3A_497 = vector.broadcast %get3A_14 : vector<64x1xf32> to vector<64x200xf32>
    %mul3A_498 = arith.mulf %broadcast_in_dim3A_489, %mul3A_497 : vector<64x200xf32>
    %add3A_499 = arith.addf %mul3A_496, %mul3A_498 : vector<64x200xf32>
    %add3A_500 = vector.broadcast %add3A_8 : vector<64x1xf32> to vector<64x200xf32>
    %add3A_501 = arith.addf %add3A_499, %add3A_500 : vector<64x200xf32>
    %mul3A_502 = arith.mulf %add3A_501, %broadcast_in_dim3A_494 : vector<64x200xf32>
    %swap3A_503 = arith.constant 1152 : index
    %swap3A_504 = arith.constant 0 : index
    %swap3A_505 = vector.load %arg9[%swap3A_503, %swap3A_504] : memref<8192x200xf32, #tpu.memory_space<vmem>>, vector<64x200xf32>
    tpu.vector_store %arg9[%swap3A_503, %swap3A_504], %mul3A_502 {strides = array<i32>} : memref<8192x200xf32, #tpu.memory_space<vmem>>, vector<64x200xf32>,
    %get3A_506 = arith.constant 19 : index
    %get3A_507 = arith.constant 0 : index
    %get3A_508 = vector.load %arg1[%get3A_506, %get3A_507] : memref<128x200xf32, #tpu.memory_space<vmem>>, vector<1x200xf32>
    %broadcast_in_dim3A_509 = vector.shape_cast %get3A_508 : vector<1x200xf32> to vector<1x200xf32>
    %broadcast_in_dim3A_510 = vector.broadcast %broadcast_in_dim3A_509 : vector<1x200xf32> to vector<64x200xf32>
    %get3A_511 = arith.constant 19 : index
    %get3A_512 = arith.constant 0 : index
    %get3A_513 = vector.load %arg2[%get3A_511, %get3A_512] : memref<128x200xf32, #tpu.memory_space<vmem>>, vector<1x200xf32>
    %broadcast_in_dim3A_514 = vector.shape_cast %get3A_513 : vector<1x200xf32> to vector<1x200xf32>
    %broadcast_in_dim3A_515 = vector.broadcast %broadcast_in_dim3A_514 : vector<1x200xf32> to vector<64x200xf32>
    %get3A_516 = arith.constant 19 : index
    %get3A_517 = arith.constant 0 : index
    %get3A_518 = vector.load %arg3[%get3A_516, %get3A_517] : memref<128x200xf32, #tpu.memory_space<vmem>>, vector<1x200xf32>
    %broadcast_in_dim3A_519 = vector.shape_cast %get3A_518 : vector<1x200xf32> to vector<1x200xf32>
    %broadcast_in_dim3A_520 = vector.broadcast %broadcast_in_dim3A_519 : vector<1x200xf32> to vector<64x200xf32>
    %mul3A_521 = vector.broadcast %get3A_11 : vector<64x1xf32> to vector<64x200xf32>
    %mul3A_522 = arith.mulf %broadcast_in_dim3A_510, %mul3A_521 : vector<64x200xf32>
    %mul3A_523 = vector.broadcast %get3A_14 : vector<64x1xf32> to vector<64x200xf32>
    %mul3A_524 = arith.mulf %broadcast_in_dim3A_515, %mul3A_523 : vector<64x200xf32>
    %add3A_525 = arith.addf %mul3A_522, %mul3A_524 : vector<64x200xf32>
    %add3A_526 = vector.broadcast %add3A_8 : vector<64x1xf32> to vector<64x200xf32>
    %add3A_527 = arith.addf %add3A_525, %add3A_526 : vector<64x200xf32>
    %mul3A_528 = arith.mulf %add3A_527, %broadcast_in_dim3A_520 : vector<64x200xf32>
    %swap3A_529 = arith.constant 1216 : index
    %swap3A_530 = arith.constant 0 : index
    %swap3A_531 = vector.load %arg9[%swap3A_529, %swap3A_530] : memref<8192x200xf32, #tpu.memory_space<vmem>>, vector<64x200xf32>
    tpu.vector_store %arg9[%swap3A_529, %swap3A_530], %mul3A_528 {strides = array<i32>} : memref<8192x200xf32, #tpu.memory_space<vmem>>, vector<64x200xf32>,
    %get3A_532 = arith.constant 20 : index
    %get3A_533 = arith.constant 0 : index
    %get3A_534 = vector.load %arg1[%get3A_532, %get3A_533] : memref<128x200xf32, #tpu.memory_space<vmem>>, vector<1x200xf32>
    %broadcast_in_dim3A_535 = vector.shape_cast %get3A_534 : vector<1x200xf32> to vector<1x200xf32>
    %broadcast_in_dim3A_536 = vector.broadcast %broadcast_in_dim3A_535 : vector<1x200xf32> to vector<64x200xf32>
    %get3A_537 = arith.constant 20 : index
    %get3A_538 = arith.constant 0 : index
    %get3A_539 = vector.load %arg2[%get3A_537, %get3A_538] : memref<128x200xf32, #tpu.memory_space<vmem>>, vector<1x200xf32>
    %broadcast_in_dim3A_540 = vector.shape_cast %get3A_539 : vector<1x200xf32> to vector<1x200xf32>
    %broadcast_in_dim3A_541 = vector.broadcast %broadcast_in_dim3A_540 : vector<1x200xf32> to vector<64x200xf32>
    %get3A_542 = arith.constant 20 : index
    %get3A_543 = arith.constant 0 : index
    %get3A_544 = vector.load %arg3[%get3A_542, %get3A_543] : memref<128x200xf32, #tpu.memory_space<vmem>>, vector<1x200xf32>
    %broadcast_in_dim3A_545 = vector.shape_cast %get3A_544 : vector<1x200xf32> to vector<1x200xf32>
    %broadcast_in_dim3A_546 = vector.broadcast %broadcast_in_dim3A_545 : vector<1x200xf32> to vector<64x200xf32>
    %mul3A_547 = vector.broadcast %get3A_11 : vector<64x1xf32> to vector<64x200xf32>
    %mul3A_548 = arith.mulf %broadcast_in_dim3A_536, %mul3A_547 : vector<64x200xf32>
    %mul3A_549 = vector.broadcast %get3A_14 : vector<64x1xf32> to vector<64x200xf32>
    %mul3A_550 = arith.mulf %broadcast_in_dim3A_541, %mul3A_549 : vector<64x200xf32>
    %add3A_551 = arith.addf %mul3A_548, %mul3A_550 : vector<64x200xf32>
    %add3A_552 = vector.broadcast %add3A_8 : vector<64x1xf32> to vector<64x200xf32>
    %add3A_553 = arith.addf %add3A_551, %add3A_552 : vector<64x200xf32>
    %mul3A_554 = arith.mulf %add3A_553, %broadcast_in_dim3A_546 : vector<64x200xf32>
    %swap3A_555 = arith.constant 1280 : index
    %swap3A_556 = arith.constant 0 : index
    %swap3A_557 = vector.load %arg9[%swap3A_555, %swap3A_556] : memref<8192x200xf32, #tpu.memory_space<vmem>>, vector<64x200xf32>
    tpu.vector_store %arg9[%swap3A_555, %swap3A_556], %mul3A_554 {strides = array<i32>} : memref<8192x200xf32, #tpu.memory_space<vmem>>, vector<64x200xf32>,
    %get3A_558 = arith.constant 21 : index
    %get3A_559 = arith.constant 0 : index
    %get3A_560 = vector.load %arg1[%get3A_558, %get3A_559] : memref<128x200xf32, #tpu.memory_space<vmem>>, vector<1x200xf32>
    %broadcast_in_dim3A_561 = vector.shape_cast %get3A_560 : vector<1x200xf32> to vector<1x200xf32>
    %broadcast_in_dim3A_562 = vector.broadcast %broadcast_in_dim3A_561 : vector<1x200xf32> to vector<64x200xf32>
    %get3A_563 = arith.constant 21 : index
    %get3A_564 = arith.constant 0 : index
    %get3A_565 = vector.load %arg2[%get3A_563, %get3A_564] : memref<128x200xf32, #tpu.memory_space<vmem>>, vector<1x200xf32>
    %broadcast_in_dim3A_566 = vector.shape_cast %get3A_565 : vector<1x200xf32> to vector<1x200xf32>
    %broadcast_in_dim3A_567 = vector.broadcast %broadcast_in_dim3A_566 : vector<1x200xf32> to vector<64x200xf32>
    %get3A_568 = arith.constant 21 : index
    %get3A_569 = arith.constant 0 : index
    %get3A_570 = vector.load %arg3[%get3A_568, %get3A_569] : memref<128x200xf32, #tpu.memory_space<vmem>>, vector<1x200xf32>
    %broadcast_in_dim3A_571 = vector.shape_cast %get3A_570 : vector<1x200xf32> to vector<1x200xf32>
    %broadcast_in_dim3A_572 = vector.broadcast %broadcast_in_dim3A_571 : vector<1x200xf32> to vector<64x200xf32>
    %mul3A_573 = vector.broadcast %get3A_11 : vector<64x1xf32> to vector<64x200xf32>
    %mul3A_574 = arith.mulf %broadcast_in_dim3A_562, %mul3A_573 : vector<64x200xf32>
    %mul3A_575 = vector.broadcast %get3A_14 : vector<64x1xf32> to vector<64x200xf32>
    %mul3A_576 = arith.mulf %broadcast_in_dim3A_567, %mul3A_575 : vector<64x200xf32>
    %add3A_577 = arith.addf %mul3A_574, %mul3A_576 : vector<64x200xf32>
    %add3A_578 = vector.broadcast %add3A_8 : vector<64x1xf32> to vector<64x200xf32>
    %add3A_579 = arith.addf %add3A_577, %add3A_578 : vector<64x200xf32>
    %mul3A_580 = arith.mulf %add3A_579, %broadcast_in_dim3A_572 : vector<64x200xf32>
    %swap3A_581 = arith.constant 1344 : index
    %swap3A_582 = arith.constant 0 : index
    %swap3A_583 = vector.load %arg9[%swap3A_581, %swap3A_582] : memref<8192x200xf32, #tpu.memory_space<vmem>>, vector<64x200xf32>
    tpu.vector_store %arg9[%swap3A_581, %swap3A_582], %mul3A_580 {strides = array<i32>} : memref<8192x200xf32, #tpu.memory_space<vmem>>, vector<64x200xf32>,
    %get3A_584 = arith.constant 22 : index
    %get3A_585 = arith.constant 0 : index
    %get3A_586 = vector.load %arg1[%get3A_584, %get3A_585] : memref<128x200xf32, #tpu.memory_space<vmem>>, vector<1x200xf32>
    %broadcast_in_dim3A_587 = vector.shape_cast %get3A_586 : vector<1x200xf32> to vector<1x200xf32>
    %broadcast_in_dim3A_588 = vector.broadcast %broadcast_in_dim3A_587 : vector<1x200xf32> to vector<64x200xf32>
    %get3A_589 = arith.constant 22 : index
    %get3A_590 = arith.constant 0 : index
    %get3A_591 = vector.load %arg2[%get3A_589, %get3A_590] : memref<128x200xf32, #tpu.memory_space<vmem>>, vector<1x200xf32>
    %broadcast_in_dim3A_592 = vector.shape_cast %get3A_591 : vector<1x200xf32> to vector<1x200xf32>
    %broadcast_in_dim3A_593 = vector.broadcast %broadcast_in_dim3A_592 : vector<1x200xf32> to vector<64x200xf32>
    %get3A_594 = arith.constant 22 : index
    %get3A_595 = arith.constant 0 : index
    %get3A_596 = vector.load %arg3[%get3A_594, %get3A_595] : memref<128x200xf32, #tpu.memory_space<vmem>>, vector<1x200xf32>
    %broadcast_in_dim3A_597 = vector.shape_cast %get3A_596 : vector<1x200xf32> to vector<1x200xf32>
    %broadcast_in_dim3A_598 = vector.broadcast %broadcast_in_dim3A_597 : vector<1x200xf32> to vector<64x200xf32>
    %mul3A_599 = vector.broadcast %get3A_11 : vector<64x1xf32> to vector<64x200xf32>
    %mul3A_600 = arith.mulf %broadcast_in_dim3A_588, %mul3A_599 : vector<64x200xf32>
    %mul3A_601 = vector.broadcast %get3A_14 : vector<64x1xf32> to vector<64x200xf32>
    %mul3A_602 = arith.mulf %broadcast_in_dim3A_593, %mul3A_601 : vector<64x200xf32>
    %add3A_603 = arith.addf %mul3A_600, %mul3A_602 : vector<64x200xf32>
    %add3A_604 = vector.broadcast %add3A_8 : vector<64x1xf32> to vector<64x200xf32>
    %add3A_605 = arith.addf %add3A_603, %add3A_604 : vector<64x200xf32>
    %mul3A_606 = arith.mulf %add3A_605, %broadcast_in_dim3A_598 : vector<64x200xf32>
    %swap3A_607 = arith.constant 1408 : index
    %swap3A_608 = arith.constant 0 : index
    %swap3A_609 = vector.load %arg9[%swap3A_607, %swap3A_608] : memref<8192x200xf32, #tpu.memory_space<vmem>>, vector<64x200xf32>
    tpu.vector_store %arg9[%swap3A_607, %swap3A_608], %mul3A_606 {strides = array<i32>} : memref<8192x200xf32, #tpu.memory_space<vmem>>, vector<64x200xf32>,
    %get3A_610 = arith.constant 23 : index
    %get3A_611 = arith.constant 0 : index
    %get3A_612 = vector.load %arg1[%get3A_610, %get3A_611] : memref<128x200xf32, #tpu.memory_space<vmem>>, vector<1x200xf32>
    %broadcast_in_dim3A_613 = vector.shape_cast %get3A_612 : vector<1x200xf32> to vector<1x200xf32>
    %broadcast_in_dim3A_614 = vector.broadcast %broadcast_in_dim3A_613 : vector<1x200xf32> to vector<64x200xf32>
    %get3A_615 = arith.constant 23 : index
    %get3A_616 = arith.constant 0 : index
    %get3A_617 = vector.load %arg2[%get3A_615, %get3A_616] : memref<128x200xf32, #tpu.memory_space<vmem>>, vector<1x200xf32>
    %broadcast_in_dim3A_618 = vector.shape_cast %get3A_617 : vector<1x200xf32> to vector<1x200xf32>
    %broadcast_in_dim3A_619 = vector.broadcast %broadcast_in_dim3A_618 : vector<1x200xf32> to vector<64x200xf32>
    %get3A_620 = arith.constant 23 : index
    %get3A_621 = arith.constant 0 : index
    %get3A_622 = vector.load %arg3[%get3A_620, %get3A_621] : memref<128x200xf32, #tpu.memory_space<vmem>>, vector<1x200xf32>
    %broadcast_in_dim3A_623 = vector.shape_cast %get3A_622 : vector<1x200xf32> to vector<1x200xf32>
    %broadcast_in_dim3A_624 = vector.broadcast %broadcast_in_dim3A_623 : vector<1x200xf32> to vector<64x200xf32>
    %mul3A_625 = vector.broadcast %get3A_11 : vector<64x1xf32> to vector<64x200xf32>
    %mul3A_626 = arith.mulf %broadcast_in_dim3A_614, %mul3A_625 : vector<64x200xf32>
    %mul3A_627 = vector.broadcast %get3A_14 : vector<64x1xf32> to vector<64x200xf32>
    %mul3A_628 = arith.mulf %broadcast_in_dim3A_619, %mul3A_627 : vector<64x200xf32>
    %add3A_629 = arith.addf %mul3A_626, %mul3A_628 : vector<64x200xf32>
    %add3A_630 = vector.broadcast %add3A_8 : vector<64x1xf32> to vector<64x200xf32>
    %add3A_631 = arith.addf %add3A_629, %add3A_630 : vector<64x200xf32>
    %mul3A_632 = arith.mulf %add3A_631, %broadcast_in_dim3A_624 : vector<64x200xf32>
    %swap3A_633 = arith.constant 1472 : index
    %swap3A_634 = arith.constant 0 : index
    %swap3A_635 = vector.load %arg9[%swap3A_633, %swap3A_634] : memref<8192x200xf32, #tpu.memory_space<vmem>>, vector<64x200xf32>
    tpu.vector_store %arg9[%swap3A_633, %swap3A_634], %mul3A_632 {strides = array<i32>} : memref<8192x200xf32, #tpu.memory_space<vmem>>, vector<64x200xf32>,
    %get3A_636 = arith.constant 24 : index
    %get3A_637 = arith.constant 0 : index
    %get3A_638 = vector.load %arg1[%get3A_636, %get3A_637] : memref<128x200xf32, #tpu.memory_space<vmem>>, vector<1x200xf32>
    %broadcast_in_dim3A_639 = vector.shape_cast %get3A_638 : vector<1x200xf32> to vector<1x200xf32>
    %broadcast_in_dim3A_640 = vector.broadcast %broadcast_in_dim3A_639 : vector<1x200xf32> to vector<64x200xf32>
    %get3A_641 = arith.constant 24 : index
    %get3A_642 = arith.constant 0 : index
    %get3A_643 = vector.load %arg2[%get3A_641, %get3A_642] : memref<128x200xf32, #tpu.memory_space<vmem>>, vector<1x200xf32>
    %broadcast_in_dim3A_644 = vector.shape_cast %get3A_643 : vector<1x200xf32> to vector<1x200xf32>
    %broadcast_in_dim3A_645 = vector.broadcast %broadcast_in_dim3A_644 : vector<1x200xf32> to vector<64x200xf32>
    %get3A_646 = arith.constant 24 : index
    %get3A_647 = arith.constant 0 : index
    %get3A_648 = vector.load %arg3[%get3A_646, %get3A_647] : memref<128x200xf32, #tpu.memory_space<vmem>>, vector<1x200xf32>
    %broadcast_in_dim3A_649 = vector.shape_cast %get3A_648 : vector<1x200xf32> to vector<1x200xf32>
    %broadcast_in_dim3A_650 = vector.broadcast %broadcast_in_dim3A_649 : vector<1x200xf32> to vector<64x200xf32>
    %mul3A_651 = vector.broadcast %get3A_11 : vector<64x1xf32> to vector<64x200xf32>
    %mul3A_652 = arith.mulf %broadcast_in_dim3A_640, %mul3A_651 : vector<64x200xf32>
    %mul3A_653 = vector.broadcast %get3A_14 : vector<64x1xf32> to vector<64x200xf32>
    %mul3A_654 = arith.mulf %broadcast_in_dim3A_645, %mul3A_653 : vector<64x200xf32>
    %add3A_655 = arith.addf %mul3A_652, %mul3A_654 : vector<64x200xf32>
    %add3A_656 = vector.broadcast %add3A_8 : vector<64x1xf32> to vector<64x200xf32>
    %add3A_657 = arith.addf %add3A_655, %add3A_656 : vector<64x200xf32>
    %mul3A_658 = arith.mulf %add3A_657, %broadcast_in_dim3A_650 : vector<64x200xf32>
    %swap3A_659 = arith.constant 1536 : index
    %swap3A_660 = arith.constant 0 : index
    %swap3A_661 = vector.load %arg9[%swap3A_659, %swap3A_660] : memref<8192x200xf32, #tpu.memory_space<vmem>>, vector<64x200xf32>
    tpu.vector_store %arg9[%swap3A_659, %swap3A_660], %mul3A_658 {strides = array<i32>} : memref<8192x200xf32, #tpu.memory_space<vmem>>, vector<64x200xf32>,
    %get3A_662 = arith.constant 25 : index
    %get3A_663 = arith.constant 0 : index
    %get3A_664 = vector.load %arg1[%get3A_662, %get3A_663] : memref<128x200xf32, #tpu.memory_space<vmem>>, vector<1x200xf32>
    %broadcast_in_dim3A_665 = vector.shape_cast %get3A_664 : vector<1x200xf32> to vector<1x200xf32>
    %broadcast_in_dim3A_666 = vector.broadcast %broadcast_in_dim3A_665 : vector<1x200xf32> to vector<64x200xf32>
    %get3A_667 = arith.constant 25 : index
    %get3A_668 = arith.constant 0 : index
    %get3A_669 = vector.load %arg2[%get3A_667, %get3A_668] : memref<128x200xf32, #tpu.memory_space<vmem>>, vector<1x200xf32>
    %broadcast_in_dim3A_670 = vector.shape_cast %get3A_669 : vector<1x200xf32> to vector<1x200xf32>
    %broadcast_in_dim3A_671 = vector.broadcast %broadcast_in_dim3A_670 : vector<1x200xf32> to vector<64x200xf32>
    %get3A_672 = arith.constant 25 : index
    %get3A_673 = arith.constant 0 : index
    %get3A_674 = vector.load %arg3[%get3A_672, %get3A_673] : memref<128x200xf32, #tpu.memory_space<vmem>>, vector<1x200xf32>
    %broadcast_in_dim3A_675 = vector.shape_cast %get3A_674 : vector<1x200xf32> to vector<1x200xf32>
    %broadcast_in_dim3A_676 = vector.broadcast %broadcast_in_dim3A_675 : vector<1x200xf32> to vector<64x200xf32>
    %mul3A_677 = vector.broadcast %get3A_11 : vector<64x1xf32> to vector<64x200xf32>
    %mul3A_678 = arith.mulf %broadcast_in_dim3A_666, %mul3A_677 : vector<64x200xf32>
    %mul3A_679 = vector.broadcast %get3A_14 : vector<64x1xf32> to vector<64x200xf32>
    %mul3A_680 = arith.mulf %broadcast_in_dim3A_671, %mul3A_679 : vector<64x200xf32>
    %add3A_681 = arith.addf %mul3A_678, %mul3A_680 : vector<64x200xf32>
    %add3A_682 = vector.broadcast %add3A_8 : vector<64x1xf32> to vector<64x200xf32>
    %add3A_683 = arith.addf %add3A_681, %add3A_682 : vector<64x200xf32>
    %mul3A_684 = arith.mulf %add3A_683, %broadcast_in_dim3A_676 : vector<64x200xf32>
    %swap3A_685 = arith.constant 1600 : index
    %swap3A_686 = arith.constant 0 : index
    %swap3A_687 = vector.load %arg9[%swap3A_685, %swap3A_686] : memref<8192x200xf32, #tpu.memory_space<vmem>>, vector<64x200xf32>
    tpu.vector_store %arg9[%swap3A_685, %swap3A_686], %mul3A_684 {strides = array<i32>} : memref<8192x200xf32, #tpu.memory_space<vmem>>, vector<64x200xf32>,
    %get3A_688 = arith.constant 26 : index
    %get3A_689 = arith.constant 0 : index
    %get3A_690 = vector.load %arg1[%get3A_688, %get3A_689] : memref<128x200xf32, #tpu.memory_space<vmem>>, vector<1x200xf32>
    %broadcast_in_dim3A_691 = vector.shape_cast %get3A_690 : vector<1x200xf32> to vector<1x200xf32>
    %broadcast_in_dim3A_692 = vector.broadcast %broadcast_in_dim3A_691 : vector<1x200xf32> to vector<64x200xf32>
    %get3A_693 = arith.constant 26 : index
    %get3A_694 = arith.constant 0 : index
    %get3A_695 = vector.load %arg2[%get3A_693, %get3A_694] : memref<128x200xf32, #tpu.memory_space<vmem>>, vector<1x200xf32>
    %broadcast_in_dim3A_696 = vector.shape_cast %get3A_695 : vector<1x200xf32> to vector<1x200xf32>
    %broadcast_in_dim3A_697 = vector.broadcast %broadcast_in_dim3A_696 : vector<1x200xf32> to vector<64x200xf32>
    %get3A_698 = arith.constant 26 : index
    %get3A_699 = arith.constant 0 : index
    %get3A_700 = vector.load %arg3[%get3A_698, %get3A_699] : memref<128x200xf32, #tpu.memory_space<vmem>>, vector<1x200xf32>
    %broadcast_in_dim3A_701 = vector.shape_cast %get3A_700 : vector<1x200xf32> to vector<1x200xf32>
    %broadcast_in_dim3A_702 = vector.broadcast %broadcast_in_dim3A_701 : vector<1x200xf32> to vector<64x200xf32>
    %mul3A_703 = vector.broadcast %get3A_11 : vector<64x1xf32> to vector<64x200xf32>
    %mul3A_704 = arith.mulf %broadcast_in_dim3A_692, %mul3A_703 : vector<64x200xf32>
    %mul3A_705 = vector.broadcast %get3A_14 : vector<64x1xf32> to vector<64x200xf32>
    %mul3A_706 = arith.mulf %broadcast_in_dim3A_697, %mul3A_705 : vector<64x200xf32>
    %add3A_707 = arith.addf %mul3A_704, %mul3A_706 : vector<64x200xf32>
    %add3A_708 = vector.broadcast %add3A_8 : vector<64x1xf32> to vector<64x200xf32>
    %add3A_709 = arith.addf %add3A_707, %add3A_708 : vector<64x200xf32>
    %mul3A_710 = arith.mulf %add3A_709, %broadcast_in_dim3A_702 : vector<64x200xf32>
    %swap3A_711 = arith.constant 1664 : index
    %swap3A_712 = arith.constant 0 : index
    %swap3A_713 = vector.load %arg9[%swap3A_711, %swap3A_712] : memref<8192x200xf32, #tpu.memory_space<vmem>>, vector<64x200xf32>
    tpu.vector_store %arg9[%swap3A_711, %swap3A_712], %mul3A_710 {strides = array<i32>} : memref<8192x200xf32, #tpu.memory_space<vmem>>, vector<64x200xf32>,
    %get3A_714 = arith.constant 27 : index
    %get3A_715 = arith.constant 0 : index
    %get3A_716 = vector.load %arg1[%get3A_714, %get3A_715] : memref<128x200xf32, #tpu.memory_space<vmem>>, vector<1x200xf32>
    %broadcast_in_dim3A_717 = vector.shape_cast %get3A_716 : vector<1x200xf32> to vector<1x200xf32>
    %broadcast_in_dim3A_718 = vector.broadcast %broadcast_in_dim3A_717 : vector<1x200xf32> to vector<64x200xf32>
    %get3A_719 = arith.constant 27 : index
    %get3A_720 = arith.constant 0 : index
    %get3A_721 = vector.load %arg2[%get3A_719, %get3A_720] : memref<128x200xf32, #tpu.memory_space<vmem>>, vector<1x200xf32>
    %broadcast_in_dim3A_722 = vector.shape_cast %get3A_721 : vector<1x200xf32> to vector<1x200xf32>
    %broadcast_in_dim3A_723 = vector.broadcast %broadcast_in_dim3A_722 : vector<1x200xf32> to vector<64x200xf32>
    %get3A_724 = arith.constant 27 : index
    %get3A_725 = arith.constant 0 : index
    %get3A_726 = vector.load %arg3[%get3A_724, %get3A_725] : memref<128x200xf32, #tpu.memory_space<vmem>>, vector<1x200xf32>
    %broadcast_in_dim3A_727 = vector.shape_cast %get3A_726 : vector<1x200xf32> to vector<1x200xf32>
    %broadcast_in_dim3A_728 = vector.broadcast %broadcast_in_dim3A_727 : vector<1x200xf32> to vector<64x200xf32>
    %mul3A_729 = vector.broadcast %get3A_11 : vector<64x1xf32> to vector<64x200xf32>
    %mul3A_730 = arith.mulf %broadcast_in_dim3A_718, %mul3A_729 : vector<64x200xf32>
    %mul3A_731 = vector.broadcast %get3A_14 : vector<64x1xf32> to vector<64x200xf32>
    %mul3A_732 = arith.mulf %broadcast_in_dim3A_723, %mul3A_731 : vector<64x200xf32>
    %add3A_733 = arith.addf %mul3A_730, %mul3A_732 : vector<64x200xf32>
    %add3A_734 = vector.broadcast %add3A_8 : vector<64x1xf32> to vector<64x200xf32>
    %add3A_735 = arith.addf %add3A_733, %add3A_734 : vector<64x200xf32>
    %mul3A_736 = arith.mulf %add3A_735, %broadcast_in_dim3A_728 : vector<64x200xf32>
    %swap3A_737 = arith.constant 1728 : index
    %swap3A_738 = arith.constant 0 : index
    %swap3A_739 = vector.load %arg9[%swap3A_737, %swap3A_738] : memref<8192x200xf32, #tpu.memory_space<vmem>>, vector<64x200xf32>
    tpu.vector_store %arg9[%swap3A_737, %swap3A_738], %mul3A_736 {strides = array<i32>} : memref<8192x200xf32, #tpu.memory_space<vmem>>, vector<64x200xf32>,
    %get3A_740 = arith.constant 28 : index
    %get3A_741 = arith.constant 0 : index
    %get3A_742 = vector.load %arg1[%get3A_740, %get3A_741] : memref<128x200xf32, #tpu.memory_space<vmem>>, vector<1x200xf32>
    %broadcast_in_dim3A_743 = vector.shape_cast %get3A_742 : vector<1x200xf32> to vector<1x200xf32>
    %broadcast_in_dim3A_744 = vector.broadcast %broadcast_in_dim3A_743 : vector<1x200xf32> to vector<64x200xf32>
    %get3A_745 = arith.constant 28 : index
    %get3A_746 = arith.constant 0 : index
    %get3A_747 = vector.load %arg2[%get3A_745, %get3A_746] : memref<128x200xf32, #tpu.memory_space<vmem>>, vector<1x200xf32>
    %broadcast_in_dim3A_748 = vector.shape_cast %get3A_747 : vector<1x200xf32> to vector<1x200xf32>
    %broadcast_in_dim3A_749 = vector.broadcast %broadcast_in_dim3A_748 : vector<1x200xf32> to vector<64x200xf32>
    %get3A_750 = arith.constant 28 : index
    %get3A_751 = arith.constant 0 : index
    %get3A_752 = vector.load %arg3[%get3A_750, %get3A_751] : memref<128x200xf32, #tpu.memory_space<vmem>>, vector<1x200xf32>
    %broadcast_in_dim3A_753 = vector.shape_cast %get3A_752 : vector<1x200xf32> to vector<1x200xf32>
    %broadcast_in_dim3A_754 = vector.broadcast %broadcast_in_dim3A_753 : vector<1x200xf32> to vector<64x200xf32>
    %mul3A_755 = vector.broadcast %get3A_11 : vector<64x1xf32> to vector<64x200xf32>
    %mul3A_756 = arith.mulf %broadcast_in_dim3A_744, %mul3A_755 : vector<64x200xf32>
    %mul3A_757 = vector.broadcast %get3A_14 : vector<64x1xf32> to vector<64x200xf32>
    %mul3A_758 = arith.mulf %broadcast_in_dim3A_749, %mul3A_757 : vector<64x200xf32>
    %add3A_759 = arith.addf %mul3A_756, %mul3A_758 : vector<64x200xf32>
    %add3A_760 = vector.broadcast %add3A_8 : vector<64x1xf32> to vector<64x200xf32>
    %add3A_761 = arith.addf %add3A_759, %add3A_760 : vector<64x200xf32>
    %mul3A_762 = arith.mulf %add3A_761, %broadcast_in_dim3A_754 : vector<64x200xf32>
    %swap3A_763 = arith.constant 1792 : index
    %swap3A_764 = arith.constant 0 : index
    %swap3A_765 = vector.load %arg9[%swap3A_763, %swap3A_764] : memref<8192x200xf32, #tpu.memory_space<vmem>>, vector<64x200xf32>
    tpu.vector_store %arg9[%swap3A_763, %swap3A_764], %mul3A_762 {strides = array<i32>} : memref<8192x200xf32, #tpu.memory_space<vmem>>, vector<64x200xf32>,
    %get3A_766 = arith.constant 29 : index
    %get3A_767 = arith.constant 0 : index
    %get3A_768 = vector.load %arg1[%get3A_766, %get3A_767] : memref<128x200xf32, #tpu.memory_space<vmem>>, vector<1x200xf32>
    %broadcast_in_dim3A_769 = vector.shape_cast %get3A_768 : vector<1x200xf32> to vector<1x200xf32>
    %broadcast_in_dim3A_770 = vector.broadcast %broadcast_in_dim3A_769 : vector<1x200xf32> to vector<64x200xf32>
    %get3A_771 = arith.constant 29 : index
    %get3A_772 = arith.constant 0 : index
    %get3A_773 = vector.load %arg2[%get3A_771, %get3A_772] : memref<128x200xf32, #tpu.memory_space<vmem>>, vector<1x200xf32>
    %broadcast_in_dim3A_774 = vector.shape_cast %get3A_773 : vector<1x200xf32> to vector<1x200xf32>
    %broadcast_in_dim3A_775 = vector.broadcast %broadcast_in_dim3A_774 : vector<1x200xf32> to vector<64x200xf32>
    %get3A_776 = arith.constant 29 : index
    %get3A_777 = arith.constant 0 : index
    %get3A_778 = vector.load %arg3[%get3A_776, %get3A_777] : memref<128x200xf32, #tpu.memory_space<vmem>>, vector<1x200xf32>
    %broadcast_in_dim3A_779 = vector.shape_cast %get3A_778 : vector<1x200xf32> to vector<1x200xf32>
    %broadcast_in_dim3A_780 = vector.broadcast %broadcast_in_dim3A_779 : vector<1x200xf32> to vector<64x200xf32>
    %mul3A_781 = vector.broadcast %get3A_11 : vector<64x1xf32> to vector<64x200xf32>
    %mul3A_782 = arith.mulf %broadcast_in_dim3A_770, %mul3A_781 : vector<64x200xf32>
    %mul3A_783 = vector.broadcast %get3A_14 : vector<64x1xf32> to vector<64x200xf32>
    %mul3A_784 = arith.mulf %broadcast_in_dim3A_775, %mul3A_783 : vector<64x200xf32>
    %add3A_785 = arith.addf %mul3A_782, %mul3A_784 : vector<64x200xf32>
    %add3A_786 = vector.broadcast %add3A_8 : vector<64x1xf32> to vector<64x200xf32>
    %add3A_787 = arith.addf %add3A_785, %add3A_786 : vector<64x200xf32>
    %mul3A_788 = arith.mulf %add3A_787, %broadcast_in_dim3A_780 : vector<64x200xf32>
    %swap3A_789 = arith.constant 1856 : index
    %swap3A_790 = arith.constant 0 : index
    %swap3A_791 = vector.load %arg9[%swap3A_789, %swap3A_790] : memref<8192x200xf32, #tpu.memory_space<vmem>>, vector<64x200xf32>
    tpu.vector_store %arg9[%swap3A_789, %swap3A_790], %mul3A_788 {strides = array<i32>} : memref<8192x200xf32, #tpu.memory_space<vmem>>, vector<64x200xf32>,
    %get3A_792 = arith.constant 30 : index
    %get3A_793 = arith.constant 0 : index
    %get3A_794 = vector.load %arg1[%get3A_792, %get3A_793] : memref<128x200xf32, #tpu.memory_space<vmem>>, vector<1x200xf32>
    %broadcast_in_dim3A_795 = vector.shape_cast %get3A_794 : vector<1x200xf32> to vector<1x200xf32>
    %broadcast_in_dim3A_796 = vector.broadcast %broadcast_in_dim3A_795 : vector<1x200xf32> to vector<64x200xf32>
    %get3A_797 = arith.constant 30 : index
    %get3A_798 = arith.constant 0 : index
    %get3A_799 = vector.load %arg2[%get3A_797, %get3A_798] : memref<128x200xf32, #tpu.memory_space<vmem>>, vector<1x200xf32>
    %broadcast_in_dim3A_800 = vector.shape_cast %get3A_799 : vector<1x200xf32> to vector<1x200xf32>
    %broadcast_in_dim3A_801 = vector.broadcast %broadcast_in_dim3A_800 : vector<1x200xf32> to vector<64x200xf32>
    %get3A_802 = arith.constant 30 : index
    %get3A_803 = arith.constant 0 : index
    %get3A_804 = vector.load %arg3[%get3A_802, %get3A_803] : memref<128x200xf32, #tpu.memory_space<vmem>>, vector<1x200xf32>
    %broadcast_in_dim3A_805 = vector.shape_cast %get3A_804 : vector<1x200xf32> to vector<1x200xf32>
    %broadcast_in_dim3A_806 = vector.broadcast %broadcast_in_dim3A_805 : vector<1x200xf32> to vector<64x200xf32>
    %mul3A_807 = vector.broadcast %get3A_11 : vector<64x1xf32> to vector<64x200xf32>
    %mul3A_808 = arith.mulf %broadcast_in_dim3A_796, %mul3A_807 : vector<64x200xf32>
    %mul3A_809 = vector.broadcast %get3A_14 : vector<64x1xf32> to vector<64x200xf32>
    %mul3A_810 = arith.mulf %broadcast_in_dim3A_801, %mul3A_809 : vector<64x200xf32>
    %add3A_811 = arith.addf %mul3A_808, %mul3A_810 : vector<64x200xf32>
    %add3A_812 = vector.broadcast %add3A_8 : vector<64x1xf32> to vector<64x200xf32>
    %add3A_813 = arith.addf %add3A_811, %add3A_812 : vector<64x200xf32>
    %mul3A_814 = arith.mulf %add3A_813, %broadcast_in_dim3A_806 : vector<64x200xf32>
    %swap3A_815 = arith.constant 1920 : index
    %swap3A_816 = arith.constant 0 : index
    %swap3A_817 = vector.load %arg9[%swap3A_815, %swap3A_816] : memref<8192x200xf32, #tpu.memory_space<vmem>>, vector<64x200xf32>
    tpu.vector_store %arg9[%swap3A_815, %swap3A_816], %mul3A_814 {strides = array<i32>} : memref<8192x200xf32, #tpu.memory_space<vmem>>, vector<64x200xf32>,
    %get3A_818 = arith.constant 31 : index
    %get3A_819 = arith.constant 0 : index
    %get3A_820 = vector.load %arg1[%get3A_818, %get3A_819] : memref<128x200xf32, #tpu.memory_space<vmem>>, vector<1x200xf32>
    %broadcast_in_dim3A_821 = vector.shape_cast %get3A_820 : vector<1x200xf32> to vector<1x200xf32>
    %broadcast_in_dim3A_822 = vector.broadcast %broadcast_in_dim3A_821 : vector<1x200xf32> to vector<64x200xf32>
    %get3A_823 = arith.constant 31 : index
    %get3A_824 = arith.constant 0 : index
    %get3A_825 = vector.load %arg2[%get3A_823, %get3A_824] : memref<128x200xf32, #tpu.memory_space<vmem>>, vector<1x200xf32>
    %broadcast_in_dim3A_826 = vector.shape_cast %get3A_825 : vector<1x200xf32> to vector<1x200xf32>
    %broadcast_in_dim3A_827 = vector.broadcast %broadcast_in_dim3A_826 : vector<1x200xf32> to vector<64x200xf32>
    %get3A_828 = arith.constant 31 : index
    %get3A_829 = arith.constant 0 : index
    %get3A_830 = vector.load %arg3[%get3A_828, %get3A_829] : memref<128x200xf32, #tpu.memory_space<vmem>>, vector<1x200xf32>
    %broadcast_in_dim3A_831 = vector.shape_cast %get3A_830 : vector<1x200xf32> to vector<1x200xf32>
    %broadcast_in_dim3A_832 = vector.broadcast %broadcast_in_dim3A_831 : vector<1x200xf32> to vector<64x200xf32>
    %mul3A_833 = vector.broadcast %get3A_11 : vector<64x1xf32> to vector<64x200xf32>
    %mul3A_834 = arith.mulf %broadcast_in_dim3A_822, %mul3A_833 : vector<64x200xf32>
    %mul3A_835 = vector.broadcast %get3A_14 : vector<64x1xf32> to vector<64x200xf32>
    %mul3A_836 = arith.mulf %broadcast_in_dim3A_827, %mul3A_835 : vector<64x200xf32>
    %add3A_837 = arith.addf %mul3A_834, %mul3A_836 : vector<64x200xf32>
    %add3A_838 = vector.broadcast %add3A_8 : vector<64x1xf32> to vector<64x200xf32>
    %add3A_839 = arith.addf %add3A_837, %add3A_838 : vector<64x200xf32>
    %mul3A_840 = arith.mulf %add3A_839, %broadcast_in_dim3A_832 : vector<64x200xf32>
    %swap3A_841 = arith.constant 1984 : index
    %swap3A_842 = arith.constant 0 : index
    %swap3A_843 = vector.load %arg9[%swap3A_841, %swap3A_842] : memref<8192x200xf32, #tpu.memory_space<vmem>>, vector<64x200xf32>
    tpu.vector_store %arg9[%swap3A_841, %swap3A_842], %mul3A_840 {strides = array<i32>} : memref<8192x200xf32, #tpu.memory_space<vmem>>, vector<64x200xf32>,
    %get3A_844 = arith.constant 32 : index
    %get3A_845 = arith.constant 0 : index
    %get3A_846 = vector.load %arg1[%get3A_844, %get3A_845] : memref<128x200xf32, #tpu.memory_space<vmem>>, vector<1x200xf32>
    %broadcast_in_dim3A_847 = vector.shape_cast %get3A_846 : vector<1x200xf32> to vector<1x200xf32>
    %broadcast_in_dim3A_848 = vector.broadcast %broadcast_in_dim3A_847 : vector<1x200xf32> to vector<64x200xf32>
    %get3A_849 = arith.constant 32 : index
    %get3A_850 = arith.constant 0 : index
    %get3A_851 = vector.load %arg2[%get3A_849, %get3A_850] : memref<128x200xf32, #tpu.memory_space<vmem>>, vector<1x200xf32>
    %broadcast_in_dim3A_852 = vector.shape_cast %get3A_851 : vector<1x200xf32> to vector<1x200xf32>
    %broadcast_in_dim3A_853 = vector.broadcast %broadcast_in_dim3A_852 : vector<1x200xf32> to vector<64x200xf32>
    %get3A_854 = arith.constant 32 : index
    %get3A_855 = arith.constant 0 : index
    %get3A_856 = vector.load %arg3[%get3A_854, %get3A_855] : memref<128x200xf32, #tpu.memory_space<vmem>>, vector<1x200xf32>
    %broadcast_in_dim3A_857 = vector.shape_cast %get3A_856 : vector<1x200xf32> to vector<1x200xf32>
    %broadcast_in_dim3A_858 = vector.broadcast %broadcast_in_dim3A_857 : vector<1x200xf32> to vector<64x200xf32>
    %mul3A_859 = vector.broadcast %get3A_11 : vector<64x1xf32> to vector<64x200xf32>
    %mul3A_860 = arith.mulf %broadcast_in_dim3A_848, %mul3A_859 : vector<64x200xf32>
    %mul3A_861 = vector.broadcast %get3A_14 : vector<64x1xf32> to vector<64x200xf32>
    %mul3A_862 = arith.mulf %broadcast_in_dim3A_853, %mul3A_861 : vector<64x200xf32>
    %add3A_863 = arith.addf %mul3A_860, %mul3A_862 : vector<64x200xf32>
    %add3A_864 = vector.broadcast %add3A_8 : vector<64x1xf32> to vector<64x200xf32>
    %add3A_865 = arith.addf %add3A_863, %add3A_864 : vector<64x200xf32>
    %mul3A_866 = arith.mulf %add3A_865, %broadcast_in_dim3A_858 : vector<64x200xf32>
    %swap3A_867 = arith.constant 2048 : index
    %swap3A_868 = arith.constant 0 : index
    %swap3A_869 = vector.load %arg9[%swap3A_867, %swap3A_868] : memref<8192x200xf32, #tpu.memory_space<vmem>>, vector<64x200xf32>
    tpu.vector_store %arg9[%swap3A_867, %swap3A_868], %mul3A_866 {strides = array<i32>} : memref<8192x200xf32, #tpu.memory_space<vmem>>, vector<64x200xf32>,
    %get3A_870 = arith.constant 33 : index
    %get3A_871 = arith.constant 0 : index
    %get3A_872 = vector.load %arg1[%get3A_870, %get3A_871] : memref<128x200xf32, #tpu.memory_space<vmem>>, vector<1x200xf32>
    %broadcast_in_dim3A_873 = vector.shape_cast %get3A_872 : vector<1x200xf32> to vector<1x200xf32>
    %broadcast_in_dim3A_874 = vector.broadcast %broadcast_in_dim3A_873 : vector<1x200xf32> to vector<64x200xf32>
    %get3A_875 = arith.constant 33 : index
    %get3A_876 = arith.constant 0 : index
    %get3A_877 = vector.load %arg2[%get3A_875, %get3A_876] : memref<128x200xf32, #tpu.memory_space<vmem>>, vector<1x200xf32>
    %broadcast_in_dim3A_878 = vector.shape_cast %get3A_877 : vector<1x200xf32> to vector<1x200xf32>
    %broadcast_in_dim3A_879 = vector.broadcast %broadcast_in_dim3A_878 : vector<1x200xf32> to vector<64x200xf32>
    %get3A_880 = arith.constant 33 : index
    %get3A_881 = arith.constant 0 : index
    %get3A_882 = vector.load %arg3[%get3A_880, %get3A_881] : memref<128x200xf32, #tpu.memory_space<vmem>>, vector<1x200xf32>
    %broadcast_in_dim3A_883 = vector.shape_cast %get3A_882 : vector<1x200xf32> to vector<1x200xf32>
    %broadcast_in_dim3A_884 = vector.broadcast %broadcast_in_dim3A_883 : vector<1x200xf32> to vector<64x200xf32>
    %mul3A_885 = vector.broadcast %get3A_11 : vector<64x1xf32> to vector<64x200xf32>
    %mul3A_886 = arith.mulf %broadcast_in_dim3A_874, %mul3A_885 : vector<64x200xf32>
    %mul3A_887 = vector.broadcast %get3A_14 : vector<64x1xf32> to vector<64x200xf32>
    %mul3A_888 = arith.mulf %broadcast_in_dim3A_879, %mul3A_887 : vector<64x200xf32>
    %add3A_889 = arith.addf %mul3A_886, %mul3A_888 : vector<64x200xf32>
    %add3A_890 = vector.broadcast %add3A_8 : vector<64x1xf32> to vector<64x200xf32>
    %add3A_891 = arith.addf %add3A_889, %add3A_890 : vector<64x200xf32>
    %mul3A_892 = arith.mulf %add3A_891, %broadcast_in_dim3A_884 : vector<64x200xf32>
    %swap3A_893 = arith.constant 2112 : index
    %swap3A_894 = arith.constant 0 : index
    %swap3A_895 = vector.load %arg9[%swap3A_893, %swap3A_894] : memref<8192x200xf32, #tpu.memory_space<vmem>>, vector<64x200xf32>
    tpu.vector_store %arg9[%swap3A_893, %swap3A_894], %mul3A_892 {strides = array<i32>} : memref<8192x200xf32, #tpu.memory_space<vmem>>, vector<64x200xf32>,
    %get3A_896 = arith.constant 34 : index
    %get3A_897 = arith.constant 0 : index
    %get3A_898 = vector.load %arg1[%get3A_896, %get3A_897] : memref<128x200xf32, #tpu.memory_space<vmem>>, vector<1x200xf32>
    %broadcast_in_dim3A_899 = vector.shape_cast %get3A_898 : vector<1x200xf32> to vector<1x200xf32>
    %broadcast_in_dim3A_900 = vector.broadcast %broadcast_in_dim3A_899 : vector<1x200xf32> to vector<64x200xf32>
    %get3A_901 = arith.constant 34 : index
    %get3A_902 = arith.constant 0 : index
    %get3A_903 = vector.load %arg2[%get3A_901, %get3A_902] : memref<128x200xf32, #tpu.memory_space<vmem>>, vector<1x200xf32>
    %broadcast_in_dim3A_904 = vector.shape_cast %get3A_903 : vector<1x200xf32> to vector<1x200xf32>
    %broadcast_in_dim3A_905 = vector.broadcast %broadcast_in_dim3A_904 : vector<1x200xf32> to vector<64x200xf32>
    %get3A_906 = arith.constant 34 : index
    %get3A_907 = arith.constant 0 : index
    %get3A_908 = vector.load %arg3[%get3A_906, %get3A_907] : memref<128x200xf32, #tpu.memory_space<vmem>>, vector<1x200xf32>
    %broadcast_in_dim3A_909 = vector.shape_cast %get3A_908 : vector<1x200xf32> to vector<1x200xf32>
    %broadcast_in_dim3A_910 = vector.broadcast %broadcast_in_dim3A_909 : vector<1x200xf32> to vector<64x200xf32>
    %mul3A_911 = vector.broadcast %get3A_11 : vector<64x1xf32> to vector<64x200xf32>
    %mul3A_912 = arith.mulf %broadcast_in_dim3A_900, %mul3A_911 : vector<64x200xf32>
    %mul3A_913 = vector.broadcast %get3A_14 : vector<64x1xf32> to vector<64x200xf32>
    %mul3A_914 = arith.mulf %broadcast_in_dim3A_905, %mul3A_913 : vector<64x200xf32>
    %add3A_915 = arith.addf %mul3A_912, %mul3A_914 : vector<64x200xf32>
    %add3A_916 = vector.broadcast %add3A_8 : vector<64x1xf32> to vector<64x200xf32>
    %add3A_917 = arith.addf %add3A_915, %add3A_916 : vector<64x200xf32>
    %mul3A_918 = arith.mulf %add3A_917, %broadcast_in_dim3A_910 : vector<64x200xf32>
    %swap3A_919 = arith.constant 2176 : index
    %swap3A_920 = arith.constant 0 : index
    %swap3A_921 = vector.load %arg9[%swap3A_919, %swap3A_920] : memref<8192x200xf32, #tpu.memory_space<vmem>>, vector<64x200xf32>
    tpu.vector_store %arg9[%swap3A_919, %swap3A_920], %mul3A_918 {strides = array<i32>} : memref<8192x200xf32, #tpu.memory_space<vmem>>, vector<64x200xf32>,
    %get3A_922 = arith.constant 35 : index
    %get3A_923 = arith.constant 0 : index
    %get3A_924 = vector.load %arg1[%get3A_922, %get3A_923] : memref<128x200xf32, #tpu.memory_space<vmem>>, vector<1x200xf32>
    %broadcast_in_dim3A_925 = vector.shape_cast %get3A_924 : vector<1x200xf32> to vector<1x200xf32>
    %broadcast_in_dim3A_926 = vector.broadcast %broadcast_in_dim3A_925 : vector<1x200xf32> to vector<64x200xf32>
    %get3A_927 = arith.constant 35 : index
    %get3A_928 = arith.constant 0 : index
    %get3A_929 = vector.load %arg2[%get3A_927, %get3A_928] : memref<128x200xf32, #tpu.memory_space<vmem>>, vector<1x200xf32>
    %broadcast_in_dim3A_930 = vector.shape_cast %get3A_929 : vector<1x200xf32> to vector<1x200xf32>
    %broadcast_in_dim3A_931 = vector.broadcast %broadcast_in_dim3A_930 : vector<1x200xf32> to vector<64x200xf32>
    %get3A_932 = arith.constant 35 : index
    %get3A_933 = arith.constant 0 : index
    %get3A_934 = vector.load %arg3[%get3A_932, %get3A_933] : memref<128x200xf32, #tpu.memory_space<vmem>>, vector<1x200xf32>
    %broadcast_in_dim3A_935 = vector.shape_cast %get3A_934 : vector<1x200xf32> to vector<1x200xf32>
    %broadcast_in_dim3A_936 = vector.broadcast %broadcast_in_dim3A_935 : vector<1x200xf32> to vector<64x200xf32>
    %mul3A_937 = vector.broadcast %get3A_11 : vector<64x1xf32> to vector<64x200xf32>
    %mul3A_938 = arith.mulf %broadcast_in_dim3A_926, %mul3A_937 : vector<64x200xf32>
    %mul3A_939 = vector.broadcast %get3A_14 : vector<64x1xf32> to vector<64x200xf32>
    %mul3A_940 = arith.mulf %broadcast_in_dim3A_931, %mul3A_939 : vector<64x200xf32>
    %add3A_941 = arith.addf %mul3A_938, %mul3A_940 : vector<64x200xf32>
    %add3A_942 = vector.broadcast %add3A_8 : vector<64x1xf32> to vector<64x200xf32>
    %add3A_943 = arith.addf %add3A_941, %add3A_942 : vector<64x200xf32>
    %mul3A_944 = arith.mulf %add3A_943, %broadcast_in_dim3A_936 : vector<64x200xf32>
    %swap3A_945 = arith.constant 2240 : index
    %swap3A_946 = arith.constant 0 : index
    %swap3A_947 = vector.load %arg9[%swap3A_945, %swap3A_946] : memref<8192x200xf32, #tpu.memory_space<vmem>>, vector<64x200xf32>
    tpu.vector_store %arg9[%swap3A_945, %swap3A_946], %mul3A_944 {strides = array<i32>} : memref<8192x200xf32, #tpu.memory_space<vmem>>, vector<64x200xf32>,
    %get3A_948 = arith.constant 36 : index
    %get3A_949 = arith.constant 0 : index
    %get3A_950 = vector.load %arg1[%get3A_948, %get3A_949] : memref<128x200xf32, #tpu.memory_space<vmem>>, vector<1x200xf32>
    %broadcast_in_dim3A_951 = vector.shape_cast %get3A_950 : vector<1x200xf32> to vector<1x200xf32>
    %broadcast_in_dim3A_952 = vector.broadcast %broadcast_in_dim3A_951 : vector<1x200xf32> to vector<64x200xf32>
    %get3A_953 = arith.constant 36 : index
    %get3A_954 = arith.constant 0 : index
    %get3A_955 = vector.load %arg2[%get3A_953, %get3A_954] : memref<128x200xf32, #tpu.memory_space<vmem>>, vector<1x200xf32>
    %broadcast_in_dim3A_956 = vector.shape_cast %get3A_955 : vector<1x200xf32> to vector<1x200xf32>
    %broadcast_in_dim3A_957 = vector.broadcast %broadcast_in_dim3A_956 : vector<1x200xf32> to vector<64x200xf32>
    %get3A_958 = arith.constant 36 : index
    %get3A_959 = arith.constant 0 : index
    %get3A_960 = vector.load %arg3[%get3A_958, %get3A_959] : memref<128x200xf32, #tpu.memory_space<vmem>>, vector<1x200xf32>
    %broadcast_in_dim3A_961 = vector.shape_cast %get3A_960 : vector<1x200xf32> to vector<1x200xf32>
    %broadcast_in_dim3A_962 = vector.broadcast %broadcast_in_dim3A_961 : vector<1x200xf32> to vector<64x200xf32>
    %mul3A_963 = vector.broadcast %get3A_11 : vector<64x1xf32> to vector<64x200xf32>
    %mul3A_964 = arith.mulf %broadcast_in_dim3A_952, %mul3A_963 : vector<64x200xf32>
    %mul3A_965 = vector.broadcast %get3A_14 : vector<64x1xf32> to vector<64x200xf32>
    %mul3A_966 = arith.mulf %broadcast_in_dim3A_957, %mul3A_965 : vector<64x200xf32>
    %add3A_967 = arith.addf %mul3A_964, %mul3A_966 : vector<64x200xf32>
    %add3A_968 = vector.broadcast %add3A_8 : vector<64x1xf32> to vector<64x200xf32>
    %add3A_969 = arith.addf %add3A_967, %add3A_968 : vector<64x200xf32>
    %mul3A_970 = arith.mulf %add3A_969, %broadcast_in_dim3A_962 : vector<64x200xf32>
    %swap3A_971 = arith.constant 2304 : index
    %swap3A_972 = arith.constant 0 : index
    %swap3A_973 = vector.load %arg9[%swap3A_971, %swap3A_972] : memref<8192x200xf32, #tpu.memory_space<vmem>>, vector<64x200xf32>
    tpu.vector_store %arg9[%swap3A_971, %swap3A_972], %mul3A_970 {strides = array<i32>} : memref<8192x200xf32, #tpu.memory_space<vmem>>, vector<64x200xf32>,
    %get3A_974 = arith.constant 37 : index
    %get3A_975 = arith.constant 0 : index
    %get3A_976 = vector.load %arg1[%get3A_974, %get3A_975] : memref<128x200xf32, #tpu.memory_space<vmem>>, vector<1x200xf32>
    %broadcast_in_dim3A_977 = vector.shape_cast %get3A_976 : vector<1x200xf32> to vector<1x200xf32>
    %broadcast_in_dim3A_978 = vector.broadcast %broadcast_in_dim3A_977 : vector<1x200xf32> to vector<64x200xf32>
    %get3A_979 = arith.constant 37 : index
    %get3A_980 = arith.constant 0 : index
    %get3A_981 = vector.load %arg2[%get3A_979, %get3A_980] : memref<128x200xf32, #tpu.memory_space<vmem>>, vector<1x200xf32>
    %broadcast_in_dim3A_982 = vector.shape_cast %get3A_981 : vector<1x200xf32> to vector<1x200xf32>
    %broadcast_in_dim3A_983 = vector.broadcast %broadcast_in_dim3A_982 : vector<1x200xf32> to vector<64x200xf32>
    %get3A_984 = arith.constant 37 : index
    %get3A_985 = arith.constant 0 : index
    %get3A_986 = vector.load %arg3[%get3A_984, %get3A_985] : memref<128x200xf32, #tpu.memory_space<vmem>>, vector<1x200xf32>
    %broadcast_in_dim3A_987 = vector.shape_cast %get3A_986 : vector<1x200xf32> to vector<1x200xf32>
    %broadcast_in_dim3A_988 = vector.broadcast %broadcast_in_dim3A_987 : vector<1x200xf32> to vector<64x200xf32>
    %mul3A_989 = vector.broadcast %get3A_11 : vector<64x1xf32> to vector<64x200xf32>
    %mul3A_990 = arith.mulf %broadcast_in_dim3A_978, %mul3A_989 : vector<64x200xf32>
    %mul3A_991 = vector.broadcast %get3A_14 : vector<64x1xf32> to vector<64x200xf32>
    %mul3A_992 = arith.mulf %broadcast_in_dim3A_983, %mul3A_991 : vector<64x200xf32>
    %add3A_993 = arith.addf %mul3A_990, %mul3A_992 : vector<64x200xf32>
    %add3A_994 = vector.broadcast %add3A_8 : vector<64x1xf32> to vector<64x200xf32>
    %add3A_995 = arith.addf %add3A_993, %add3A_994 : vector<64x200xf32>
    %mul3A_996 = arith.mulf %add3A_995, %broadcast_in_dim3A_988 : vector<64x200xf32>
    %swap3A_997 = arith.constant 2368 : index
    %swap3A_998 = arith.constant 0 : index
    %swap3A_999 = vector.load %arg9[%swap3A_997, %swap3A_998] : memref<8192x200xf32, #tpu.memory_space<vmem>>, vector<64x200xf32>
    tpu.vector_store %arg9[%swap3A_997, %swap3A_998], %mul3A_996 {strides = array<i32>} : memref<8192x200xf32, #tpu.memory_space<vmem>>, vector<64x200xf32>,
    %get3A_1000 = arith.constant 38 : index
    %get3A_1001 = arith.constant 0 : index
    %get3A_1002 = vector.load %arg1[%get3A_1000, %get3A_1001] : memref<128x200xf32, #tpu.memory_space<vmem>>, vector<1x200xf32>
    %broadcast_in_dim3A_1003 = vector.shape_cast %get3A_1002 : vector<1x200xf32> to vector<1x200xf32>
    %broadcast_in_dim3A_1004 = vector.broadcast %broadcast_in_dim3A_1003 : vector<1x200xf32> to vector<64x200xf32>
    %get3A_1005 = arith.constant 38 : index
    %get3A_1006 = arith.constant 0 : index
    %get3A_1007 = vector.load %arg2[%get3A_1005, %get3A_1006] : memref<128x200xf32, #tpu.memory_space<vmem>>, vector<1x200xf32>
    %broadcast_in_dim3A_1008 = vector.shape_cast %get3A_1007 : vector<1x200xf32> to vector<1x200xf32>
    %broadcast_in_dim3A_1009 = vector.broadcast %broadcast_in_dim3A_1008 : vector<1x200xf32> to vector<64x200xf32>
    %get3A_1010 = arith.constant 38 : index
    %get3A_1011 = arith.constant 0 : index
    %get3A_1012 = vector.load %arg3[%get3A_1010, %get3A_1011] : memref<128x200xf32, #tpu.memory_space<vmem>>, vector<1x200xf32>
    %broadcast_in_dim3A_1013 = vector.shape_cast %get3A_1012 : vector<1x200xf32> to vector<1x200xf32>
    %broadcast_in_dim3A_1014 = vector.broadcast %broadcast_in_dim3A_1013 : vector<1x200xf32> to vector<64x200xf32>
    %mul3A_1015 = vector.broadcast %get3A_11 : vector<64x1xf32> to vector<64x200xf32>
    %mul3A_1016 = arith.mulf %broadcast_in_dim3A_1004, %mul3A_1015 : vector<64x200xf32>
    %mul3A_1017 = vector.broadcast %get3A_14 : vector<64x1xf32> to vector<64x200xf32>
    %mul3A_1018 = arith.mulf %broadcast_in_dim3A_1009, %mul3A_1017 : vector<64x200xf32>
    %add3A_1019 = arith.addf %mul3A_1016, %mul3A_1018 : vector<64x200xf32>
    %add3A_1020 = vector.broadcast %add3A_8 : vector<64x1xf32> to vector<64x200xf32>
    %add3A_1021 = arith.addf %add3A_1019, %add3A_1020 : vector<64x200xf32>
    %mul3A_1022 = arith.mulf %add3A_1021, %broadcast_in_dim3A_1014 : vector<64x200xf32>
    %swap3A_1023 = arith.constant 2432 : index
    %swap3A_1024 = arith.constant 0 : index
    %swap3A_1025 = vector.load %arg9[%swap3A_1023, %swap3A_1024] : memref<8192x200xf32, #tpu.memory_space<vmem>>, vector<64x200xf32>
    tpu.vector_store %arg9[%swap3A_1023, %swap3A_1024], %mul3A_1022 {strides = array<i32>} : memref<8192x200xf32, #tpu.memory_space<vmem>>, vector<64x200xf32>,
    %get3A_1026 = arith.constant 39 : index
    %get3A_1027 = arith.constant 0 : index
    %get3A_1028 = vector.load %arg1[%get3A_1026, %get3A_1027] : memref<128x200xf32, #tpu.memory_space<vmem>>, vector<1x200xf32>
    %broadcast_in_dim3A_1029 = vector.shape_cast %get3A_1028 : vector<1x200xf32> to vector<1x200xf32>
    %broadcast_in_dim3A_1030 = vector.broadcast %broadcast_in_dim3A_1029 : vector<1x200xf32> to vector<64x200xf32>
    %get3A_1031 = arith.constant 39 : index
    %get3A_1032 = arith.constant 0 : index
    %get3A_1033 = vector.load %arg2[%get3A_1031, %get3A_1032] : memref<128x200xf32, #tpu.memory_space<vmem>>, vector<1x200xf32>
    %broadcast_in_dim3A_1034 = vector.shape_cast %get3A_1033 : vector<1x200xf32> to vector<1x200xf32>
    %broadcast_in_dim3A_1035 = vector.broadcast %broadcast_in_dim3A_1034 : vector<1x200xf32> to vector<64x200xf32>
    %get3A_1036 = arith.constant 39 : index
    %get3A_1037 = arith.constant 0 : index
    %get3A_1038 = vector.load %arg3[%get3A_1036, %get3A_1037] : memref<128x200xf32, #tpu.memory_space<vmem>>, vector<1x200xf32>
    %broadcast_in_dim3A_1039 = vector.shape_cast %get3A_1038 : vector<1x200xf32> to vector<1x200xf32>
    %broadcast_in_dim3A_1040 = vector.broadcast %broadcast_in_dim3A_1039 : vector<1x200xf32> to vector<64x200xf32>
    %mul3A_1041 = vector.broadcast %get3A_11 : vector<64x1xf32> to vector<64x200xf32>
    %mul3A_1042 = arith.mulf %broadcast_in_dim3A_1030, %mul3A_1041 : vector<64x200xf32>
    %mul3A_1043 = vector.broadcast %get3A_14 : vector<64x1xf32> to vector<64x200xf32>
    %mul3A_1044 = arith.mulf %broadcast_in_dim3A_1035, %mul3A_1043 : vector<64x200xf32>
    %add3A_1045 = arith.addf %mul3A_1042, %mul3A_1044 : vector<64x200xf32>
    %add3A_1046 = vector.broadcast %add3A_8 : vector<64x1xf32> to vector<64x200xf32>
    %add3A_1047 = arith.addf %add3A_1045, %add3A_1046 : vector<64x200xf32>
    %mul3A_1048 = arith.mulf %add3A_1047, %broadcast_in_dim3A_1040 : vector<64x200xf32>
    %swap3A_1049 = arith.constant 2496 : index
    %swap3A_1050 = arith.constant 0 : index
    %swap3A_1051 = vector.load %arg9[%swap3A_1049, %swap3A_1050] : memref<8192x200xf32, #tpu.memory_space<vmem>>, vector<64x200xf32>
    tpu.vector_store %arg9[%swap3A_1049, %swap3A_1050], %mul3A_1048 {strides = array<i32>} : memref<8192x200xf32, #tpu.memory_space<vmem>>, vector<64x200xf32>,
    %get3A_1052 = arith.constant 40 : index
    %get3A_1053 = arith.constant 0 : index
    %get3A_1054 = vector.load %arg1[%get3A_1052, %get3A_1053] : memref<128x200xf32, #tpu.memory_space<vmem>>, vector<1x200xf32>
    %broadcast_in_dim3A_1055 = vector.shape_cast %get3A_1054 : vector<1x200xf32> to vector<1x200xf32>
    %broadcast_in_dim3A_1056 = vector.broadcast %broadcast_in_dim3A_1055 : vector<1x200xf32> to vector<64x200xf32>
    %get3A_1057 = arith.constant 40 : index
    %get3A_1058 = arith.constant 0 : index
    %get3A_1059 = vector.load %arg2[%get3A_1057, %get3A_1058] : memref<128x200xf32, #tpu.memory_space<vmem>>, vector<1x200xf32>
    %broadcast_in_dim3A_1060 = vector.shape_cast %get3A_1059 : vector<1x200xf32> to vector<1x200xf32>
    %broadcast_in_dim3A_1061 = vector.broadcast %broadcast_in_dim3A_1060 : vector<1x200xf32> to vector<64x200xf32>
    %get3A_1062 = arith.constant 40 : index
    %get3A_1063 = arith.constant 0 : index
    %get3A_1064 = vector.load %arg3[%get3A_1062, %get3A_1063] : memref<128x200xf32, #tpu.memory_space<vmem>>, vector<1x200xf32>
    %broadcast_in_dim3A_1065 = vector.shape_cast %get3A_1064 : vector<1x200xf32> to vector<1x200xf32>
    %broadcast_in_dim3A_1066 = vector.broadcast %broadcast_in_dim3A_1065 : vector<1x200xf32> to vector<64x200xf32>
    %mul3A_1067 = vector.broadcast %get3A_11 : vector<64x1xf32> to vector<64x200xf32>
    %mul3A_1068 = arith.mulf %broadcast_in_dim3A_1056, %mul3A_1067 : vector<64x200xf32>
    %mul3A_1069 = vector.broadcast %get3A_14 : vector<64x1xf32> to vector<64x200xf32>
    %mul3A_1070 = arith.mulf %broadcast_in_dim3A_1061, %mul3A_1069 : vector<64x200xf32>
    %add3A_1071 = arith.addf %mul3A_1068, %mul3A_1070 : vector<64x200xf32>
    %add3A_1072 = vector.broadcast %add3A_8 : vector<64x1xf32> to vector<64x200xf32>
    %add3A_1073 = arith.addf %add3A_1071, %add3A_1072 : vector<64x200xf32>
    %mul3A_1074 = arith.mulf %add3A_1073, %broadcast_in_dim3A_1066 : vector<64x200xf32>
    %swap3A_1075 = arith.constant 2560 : index
    %swap3A_1076 = arith.constant 0 : index
    %swap3A_1077 = vector.load %arg9[%swap3A_1075, %swap3A_1076] : memref<8192x200xf32, #tpu.memory_space<vmem>>, vector<64x200xf32>
    tpu.vector_store %arg9[%swap3A_1075, %swap3A_1076], %mul3A_1074 {strides = array<i32>} : memref<8192x200xf32, #tpu.memory_space<vmem>>, vector<64x200xf32>,
    %get3A_1078 = arith.constant 41 : index
    %get3A_1079 = arith.constant 0 : index
    %get3A_1080 = vector.load %arg1[%get3A_1078, %get3A_1079] : memref<128x200xf32, #tpu.memory_space<vmem>>, vector<1x200xf32>
    %broadcast_in_dim3A_1081 = vector.shape_cast %get3A_1080 : vector<1x200xf32> to vector<1x200xf32>
    %broadcast_in_dim3A_1082 = vector.broadcast %broadcast_in_dim3A_1081 : vector<1x200xf32> to vector<64x200xf32>
    %get3A_1083 = arith.constant 41 : index
    %get3A_1084 = arith.constant 0 : index
    %get3A_1085 = vector.load %arg2[%get3A_1083, %get3A_1084] : memref<128x200xf32, #tpu.memory_space<vmem>>, vector<1x200xf32>
    %broadcast_in_dim3A_1086 = vector.shape_cast %get3A_1085 : vector<1x200xf32> to vector<1x200xf32>
    %broadcast_in_dim3A_1087 = vector.broadcast %broadcast_in_dim3A_1086 : vector<1x200xf32> to vector<64x200xf32>
    %get3A_1088 = arith.constant 41 : index
    %get3A_1089 = arith.constant 0 : index
    %get3A_1090 = vector.load %arg3[%get3A_1088, %get3A_1089] : memref<128x200xf32, #tpu.memory_space<vmem>>, vector<1x200xf32>
    %broadcast_in_dim3A_1091 = vector.shape_cast %get3A_1090 : vector<1x200xf32> to vector<1x200xf32>
    %broadcast_in_dim3A_1092 = vector.broadcast %broadcast_in_dim3A_1091 : vector<1x200xf32> to vector<64x200xf32>
    %mul3A_1093 = vector.broadcast %get3A_11 : vector<64x1xf32> to vector<64x200xf32>
    %mul3A_1094 = arith.mulf %broadcast_in_dim3A_1082, %mul3A_1093 : vector<64x200xf32>
    %mul3A_1095 = vector.broadcast %get3A_14 : vector<64x1xf32> to vector<64x200xf32>
    %mul3A_1096 = arith.mulf %broadcast_in_dim3A_1087, %mul3A_1095 : vector<64x200xf32>
    %add3A_1097 = arith.addf %mul3A_1094, %mul3A_1096 : vector<64x200xf32>
    %add3A_1098 = vector.broadcast %add3A_8 : vector<64x1xf32> to vector<64x200xf32>
    %add3A_1099 = arith.addf %add3A_1097, %add3A_1098 : vector<64x200xf32>
    %mul3A_1100 = arith.mulf %add3A_1099, %broadcast_in_dim3A_1092 : vector<64x200xf32>
    %swap3A_1101 = arith.constant 2624 : index
    %swap3A_1102 = arith.constant 0 : index
    %swap3A_1103 = vector.load %arg9[%swap3A_1101, %swap3A_1102] : memref<8192x200xf32, #tpu.memory_space<vmem>>, vector<64x200xf32>
    tpu.vector_store %arg9[%swap3A_1101, %swap3A_1102], %mul3A_1100 {strides = array<i32>} : memref<8192x200xf32, #tpu.memory_space<vmem>>, vector<64x200xf32>,
    %get3A_1104 = arith.constant 42 : index
    %get3A_1105 = arith.constant 0 : index
    %get3A_1106 = vector.load %arg1[%get3A_1104, %get3A_1105] : memref<128x200xf32, #tpu.memory_space<vmem>>, vector<1x200xf32>
    %broadcast_in_dim3A_1107 = vector.shape_cast %get3A_1106 : vector<1x200xf32> to vector<1x200xf32>
    %broadcast_in_dim3A_1108 = vector.broadcast %broadcast_in_dim3A_1107 : vector<1x200xf32> to vector<64x200xf32>
    %get3A_1109 = arith.constant 42 : index
    %get3A_1110 = arith.constant 0 : index
    %get3A_1111 = vector.load %arg2[%get3A_1109, %get3A_1110] : memref<128x200xf32, #tpu.memory_space<vmem>>, vector<1x200xf32>
    %broadcast_in_dim3A_1112 = vector.shape_cast %get3A_1111 : vector<1x200xf32> to vector<1x200xf32>
    %broadcast_in_dim3A_1113 = vector.broadcast %broadcast_in_dim3A_1112 : vector<1x200xf32> to vector<64x200xf32>
    %get3A_1114 = arith.constant 42 : index
    %get3A_1115 = arith.constant 0 : index
    %get3A_1116 = vector.load %arg3[%get3A_1114, %get3A_1115] : memref<128x200xf32, #tpu.memory_space<vmem>>, vector<1x200xf32>
    %broadcast_in_dim3A_1117 = vector.shape_cast %get3A_1116 : vector<1x200xf32> to vector<1x200xf32>
    %broadcast_in_dim3A_1118 = vector.broadcast %broadcast_in_dim3A_1117 : vector<1x200xf32> to vector<64x200xf32>
    %mul3A_1119 = vector.broadcast %get3A_11 : vector<64x1xf32> to vector<64x200xf32>
    %mul3A_1120 = arith.mulf %broadcast_in_dim3A_1108, %mul3A_1119 : vector<64x200xf32>
    %mul3A_1121 = vector.broadcast %get3A_14 : vector<64x1xf32> to vector<64x200xf32>
    %mul3A_1122 = arith.mulf %broadcast_in_dim3A_1113, %mul3A_1121 : vector<64x200xf32>
    %add3A_1123 = arith.addf %mul3A_1120, %mul3A_1122 : vector<64x200xf32>
    %add3A_1124 = vector.broadcast %add3A_8 : vector<64x1xf32> to vector<64x200xf32>
    %add3A_1125 = arith.addf %add3A_1123, %add3A_1124 : vector<64x200xf32>
    %mul3A_1126 = arith.mulf %add3A_1125, %broadcast_in_dim3A_1118 : vector<64x200xf32>
    %swap3A_1127 = arith.constant 2688 : index
    %swap3A_1128 = arith.constant 0 : index
    %swap3A_1129 = vector.load %arg9[%swap3A_1127, %swap3A_1128] : memref<8192x200xf32, #tpu.memory_space<vmem>>, vector<64x200xf32>
    tpu.vector_store %arg9[%swap3A_1127, %swap3A_1128], %mul3A_1126 {strides = array<i32>} : memref<8192x200xf32, #tpu.memory_space<vmem>>, vector<64x200xf32>,
    %get3A_1130 = arith.constant 43 : index
    %get3A_1131 = arith.constant 0 : index
    %get3A_1132 = vector.load %arg1[%get3A_1130, %get3A_1131] : memref<128x200xf32, #tpu.memory_space<vmem>>, vector<1x200xf32>
    %broadcast_in_dim3A_1133 = vector.shape_cast %get3A_1132 : vector<1x200xf32> to vector<1x200xf32>
    %broadcast_in_dim3A_1134 = vector.broadcast %broadcast_in_dim3A_1133 : vector<1x200xf32> to vector<64x200xf32>
    %get3A_1135 = arith.constant 43 : index
    %get3A_1136 = arith.constant 0 : index
    %get3A_1137 = vector.load %arg2[%get3A_1135, %get3A_1136] : memref<128x200xf32, #tpu.memory_space<vmem>>, vector<1x200xf32>
    %broadcast_in_dim3A_1138 = vector.shape_cast %get3A_1137 : vector<1x200xf32> to vector<1x200xf32>
    %broadcast_in_dim3A_1139 = vector.broadcast %broadcast_in_dim3A_1138 : vector<1x200xf32> to vector<64x200xf32>
    %get3A_1140 = arith.constant 43 : index
    %get3A_1141 = arith.constant 0 : index
    %get3A_1142 = vector.load %arg3[%get3A_1140, %get3A_1141] : memref<128x200xf32, #tpu.memory_space<vmem>>, vector<1x200xf32>
    %broadcast_in_dim3A_1143 = vector.shape_cast %get3A_1142 : vector<1x200xf32> to vector<1x200xf32>
    %broadcast_in_dim3A_1144 = vector.broadcast %broadcast_in_dim3A_1143 : vector<1x200xf32> to vector<64x200xf32>
    %mul3A_1145 = vector.broadcast %get3A_11 : vector<64x1xf32> to vector<64x200xf32>
    %mul3A_1146 = arith.mulf %broadcast_in_dim3A_1134, %mul3A_1145 : vector<64x200xf32>
    %mul3A_1147 = vector.broadcast %get3A_14 : vector<64x1xf32> to vector<64x200xf32>
    %mul3A_1148 = arith.mulf %broadcast_in_dim3A_1139, %mul3A_1147 : vector<64x200xf32>
    %add3A_1149 = arith.addf %mul3A_1146, %mul3A_1148 : vector<64x200xf32>
    %add3A_1150 = vector.broadcast %add3A_8 : vector<64x1xf32> to vector<64x200xf32>
    %add3A_1151 = arith.addf %add3A_1149, %add3A_1150 : vector<64x200xf32>
    %mul3A_1152 = arith.mulf %add3A_1151, %broadcast_in_dim3A_1144 : vector<64x200xf32>
    %swap3A_1153 = arith.constant 2752 : index
    %swap3A_1154 = arith.constant 0 : index
    %swap3A_1155 = vector.load %arg9[%swap3A_1153, %swap3A_1154] : memref<8192x200xf32, #tpu.memory_space<vmem>>, vector<64x200xf32>
    tpu.vector_store %arg9[%swap3A_1153, %swap3A_1154], %mul3A_1152 {strides = array<i32>} : memref<8192x200xf32, #tpu.memory_space<vmem>>, vector<64x200xf32>,
    %get3A_1156 = arith.constant 44 : index
    %get3A_1157 = arith.constant 0 : index
    %get3A_1158 = vector.load %arg1[%get3A_1156, %get3A_1157] : memref<128x200xf32, #tpu.memory_space<vmem>>, vector<1x200xf32>
    %broadcast_in_dim3A_1159 = vector.shape_cast %get3A_1158 : vector<1x200xf32> to vector<1x200xf32>
    %broadcast_in_dim3A_1160 = vector.broadcast %broadcast_in_dim3A_1159 : vector<1x200xf32> to vector<64x200xf32>
    %get3A_1161 = arith.constant 44 : index
    %get3A_1162 = arith.constant 0 : index
    %get3A_1163 = vector.load %arg2[%get3A_1161, %get3A_1162] : memref<128x200xf32, #tpu.memory_space<vmem>>, vector<1x200xf32>
    %broadcast_in_dim3A_1164 = vector.shape_cast %get3A_1163 : vector<1x200xf32> to vector<1x200xf32>
    %broadcast_in_dim3A_1165 = vector.broadcast %broadcast_in_dim3A_1164 : vector<1x200xf32> to vector<64x200xf32>
    %get3A_1166 = arith.constant 44 : index
    %get3A_1167 = arith.constant 0 : index
    %get3A_1168 = vector.load %arg3[%get3A_1166, %get3A_1167] : memref<128x200xf32, #tpu.memory_space<vmem>>, vector<1x200xf32>
    %broadcast_in_dim3A_1169 = vector.shape_cast %get3A_1168 : vector<1x200xf32> to vector<1x200xf32>
    %broadcast_in_dim3A_1170 = vector.broadcast %broadcast_in_dim3A_1169 : vector<1x200xf32> to vector<64x200xf32>
    %mul3A_1171 = vector.broadcast %get3A_11 : vector<64x1xf32> to vector<64x200xf32>
    %mul3A_1172 = arith.mulf %broadcast_in_dim3A_1160, %mul3A_1171 : vector<64x200xf32>
    %mul3A_1173 = vector.broadcast %get3A_14 : vector<64x1xf32> to vector<64x200xf32>
    %mul3A_1174 = arith.mulf %broadcast_in_dim3A_1165, %mul3A_1173 : vector<64x200xf32>
    %add3A_1175 = arith.addf %mul3A_1172, %mul3A_1174 : vector<64x200xf32>
    %add3A_1176 = vector.broadcast %add3A_8 : vector<64x1xf32> to vector<64x200xf32>
    %add3A_1177 = arith.addf %add3A_1175, %add3A_1176 : vector<64x200xf32>
    %mul3A_1178 = arith.mulf %add3A_1177, %broadcast_in_dim3A_1170 : vector<64x200xf32>
    %swap3A_1179 = arith.constant 2816 : index
    %swap3A_1180 = arith.constant 0 : index
    %swap3A_1181 = vector.load %arg9[%swap3A_1179, %swap3A_1180] : memref<8192x200xf32, #tpu.memory_space<vmem>>, vector<64x200xf32>
    tpu.vector_store %arg9[%swap3A_1179, %swap3A_1180], %mul3A_1178 {strides = array<i32>} : memref<8192x200xf32, #tpu.memory_space<vmem>>, vector<64x200xf32>,
    %get3A_1182 = arith.constant 45 : index
    %get3A_1183 = arith.constant 0 : index
    %get3A_1184 = vector.load %arg1[%get3A_1182, %get3A_1183] : memref<128x200xf32, #tpu.memory_space<vmem>>, vector<1x200xf32>
    %broadcast_in_dim3A_1185 = vector.shape_cast %get3A_1184 : vector<1x200xf32> to vector<1x200xf32>
    %broadcast_in_dim3A_1186 = vector.broadcast %broadcast_in_dim3A_1185 : vector<1x200xf32> to vector<64x200xf32>
    %get3A_1187 = arith.constant 45 : index
    %get3A_1188 = arith.constant 0 : index
    %get3A_1189 = vector.load %arg2[%get3A_1187, %get3A_1188] : memref<128x200xf32, #tpu.memory_space<vmem>>, vector<1x200xf32>
    %broadcast_in_dim3A_1190 = vector.shape_cast %get3A_1189 : vector<1x200xf32> to vector<1x200xf32>
    %broadcast_in_dim3A_1191 = vector.broadcast %broadcast_in_dim3A_1190 : vector<1x200xf32> to vector<64x200xf32>
    %get3A_1192 = arith.constant 45 : index
    %get3A_1193 = arith.constant 0 : index
    %get3A_1194 = vector.load %arg3[%get3A_1192, %get3A_1193] : memref<128x200xf32, #tpu.memory_space<vmem>>, vector<1x200xf32>
    %broadcast_in_dim3A_1195 = vector.shape_cast %get3A_1194 : vector<1x200xf32> to vector<1x200xf32>
    %broadcast_in_dim3A_1196 = vector.broadcast %broadcast_in_dim3A_1195 : vector<1x200xf32> to vector<64x200xf32>
    %mul3A_1197 = vector.broadcast %get3A_11 : vector<64x1xf32> to vector<64x200xf32>
    %mul3A_1198 = arith.mulf %broadcast_in_dim3A_1186, %mul3A_1197 : vector<64x200xf32>
    %mul3A_1199 = vector.broadcast %get3A_14 : vector<64x1xf32> to vector<64x200xf32>
    %mul3A_1200 = arith.mulf %broadcast_in_dim3A_1191, %mul3A_1199 : vector<64x200xf32>
    %add3A_1201 = arith.addf %mul3A_1198, %mul3A_1200 : vector<64x200xf32>
    %add3A_1202 = vector.broadcast %add3A_8 : vector<64x1xf32> to vector<64x200xf32>
    %add3A_1203 = arith.addf %add3A_1201, %add3A_1202 : vector<64x200xf32>
    %mul3A_1204 = arith.mulf %add3A_1203, %broadcast_in_dim3A_1196 : vector<64x200xf32>
    %swap3A_1205 = arith.constant 2880 : index
    %swap3A_1206 = arith.constant 0 : index
    %swap3A_1207 = vector.load %arg9[%swap3A_1205, %swap3A_1206] : memref<8192x200xf32, #tpu.memory_space<vmem>>, vector<64x200xf32>
    tpu.vector_store %arg9[%swap3A_1205, %swap3A_1206], %mul3A_1204 {strides = array<i32>} : memref<8192x200xf32, #tpu.memory_space<vmem>>, vector<64x200xf32>,
    %get3A_1208 = arith.constant 46 : index
    %get3A_1209 = arith.constant 0 : index
    %get3A_1210 = vector.load %arg1[%get3A_1208, %get3A_1209] : memref<128x200xf32, #tpu.memory_space<vmem>>, vector<1x200xf32>
    %broadcast_in_dim3A_1211 = vector.shape_cast %get3A_1210 : vector<1x200xf32> to vector<1x200xf32>
    %broadcast_in_dim3A_1212 = vector.broadcast %broadcast_in_dim3A_1211 : vector<1x200xf32> to vector<64x200xf32>
    %get3A_1213 = arith.constant 46 : index
    %get3A_1214 = arith.constant 0 : index
    %get3A_1215 = vector.load %arg2[%get3A_1213, %get3A_1214] : memref<128x200xf32, #tpu.memory_space<vmem>>, vector<1x200xf32>
    %broadcast_in_dim3A_1216 = vector.shape_cast %get3A_1215 : vector<1x200xf32> to vector<1x200xf32>
    %broadcast_in_dim3A_1217 = vector.broadcast %broadcast_in_dim3A_1216 : vector<1x200xf32> to vector<64x200xf32>
    %get3A_1218 = arith.constant 46 : index
    %get3A_1219 = arith.constant 0 : index
    %get3A_1220 = vector.load %arg3[%get3A_1218, %get3A_1219] : memref<128x200xf32, #tpu.memory_space<vmem>>, vector<1x200xf32>
    %broadcast_in_dim3A_1221 = vector.shape_cast %get3A_1220 : vector<1x200xf32> to vector<1x200xf32>
    %broadcast_in_dim3A_1222 = vector.broadcast %broadcast_in_dim3A_1221 : vector<1x200xf32> to vector<64x200xf32>
    %mul3A_1223 = vector.broadcast %get3A_11 : vector<64x1xf32> to vector<64x200xf32>
    %mul3A_1224 = arith.mulf %broadcast_in_dim3A_1212, %mul3A_1223 : vector<64x200xf32>
    %mul3A_1225 = vector.broadcast %get3A_14 : vector<64x1xf32> to vector<64x200xf32>
    %mul3A_1226 = arith.mulf %broadcast_in_dim3A_1217, %mul3A_1225 : vector<64x200xf32>
    %add3A_1227 = arith.addf %mul3A_1224, %mul3A_1226 : vector<64x200xf32>
    %add3A_1228 = vector.broadcast %add3A_8 : vector<64x1xf32> to vector<64x200xf32>
    %add3A_1229 = arith.addf %add3A_1227, %add3A_1228 : vector<64x200xf32>
    %mul3A_1230 = arith.mulf %add3A_1229, %broadcast_in_dim3A_1222 : vector<64x200xf32>
    %swap3A_1231 = arith.constant 2944 : index
    %swap3A_1232 = arith.constant 0 : index
    %swap3A_1233 = vector.load %arg9[%swap3A_1231, %swap3A_1232] : memref<8192x200xf32, #tpu.memory_space<vmem>>, vector<64x200xf32>
    tpu.vector_store %arg9[%swap3A_1231, %swap3A_1232], %mul3A_1230 {strides = array<i32>} : memref<8192x200xf32, #tpu.memory_space<vmem>>, vector<64x200xf32>,
    %get3A_1234 = arith.constant 47 : index
    %get3A_1235 = arith.constant 0 : index
    %get3A_1236 = vector.load %arg1[%get3A_1234, %get3A_1235] : memref<128x200xf32, #tpu.memory_space<vmem>>, vector<1x200xf32>
    %broadcast_in_dim3A_1237 = vector.shape_cast %get3A_1236 : vector<1x200xf32> to vector<1x200xf32>
    %broadcast_in_dim3A_1238 = vector.broadcast %broadcast_in_dim3A_1237 : vector<1x200xf32> to vector<64x200xf32>
    %get3A_1239 = arith.constant 47 : index
    %get3A_1240 = arith.constant 0 : index
    %get3A_1241 = vector.load %arg2[%get3A_1239, %get3A_1240] : memref<128x200xf32, #tpu.memory_space<vmem>>, vector<1x200xf32>
    %broadcast_in_dim3A_1242 = vector.shape_cast %get3A_1241 : vector<1x200xf32> to vector<1x200xf32>
    %broadcast_in_dim3A_1243 = vector.broadcast %broadcast_in_dim3A_1242 : vector<1x200xf32> to vector<64x200xf32>
    %get3A_1244 = arith.constant 47 : index
    %get3A_1245 = arith.constant 0 : index
    %get3A_1246 = vector.load %arg3[%get3A_1244, %get3A_1245] : memref<128x200xf32, #tpu.memory_space<vmem>>, vector<1x200xf32>
    %broadcast_in_dim3A_1247 = vector.shape_cast %get3A_1246 : vector<1x200xf32> to vector<1x200xf32>
    %broadcast_in_dim3A_1248 = vector.broadcast %broadcast_in_dim3A_1247 : vector<1x200xf32> to vector<64x200xf32>
    %mul3A_1249 = vector.broadcast %get3A_11 : vector<64x1xf32> to vector<64x200xf32>
    %mul3A_1250 = arith.mulf %broadcast_in_dim3A_1238, %mul3A_1249 : vector<64x200xf32>
    %mul3A_1251 = vector.broadcast %get3A_14 : vector<64x1xf32> to vector<64x200xf32>
    %mul3A_1252 = arith.mulf %broadcast_in_dim3A_1243, %mul3A_1251 : vector<64x200xf32>
    %add3A_1253 = arith.addf %mul3A_1250, %mul3A_1252 : vector<64x200xf32>
    %add3A_1254 = vector.broadcast %add3A_8 : vector<64x1xf32> to vector<64x200xf32>
    %add3A_1255 = arith.addf %add3A_1253, %add3A_1254 : vector<64x200xf32>
    %mul3A_1256 = arith.mulf %add3A_1255, %broadcast_in_dim3A_1248 : vector<64x200xf32>
    %swap3A_1257 = arith.constant 3008 : index
    %swap3A_1258 = arith.constant 0 : index
    %swap3A_1259 = vector.load %arg9[%swap3A_1257, %swap3A_1258] : memref<8192x200xf32, #tpu.memory_space<vmem>>, vector<64x200xf32>
    tpu.vector_store %arg9[%swap3A_1257, %swap3A_1258], %mul3A_1256 {strides = array<i32>} : memref<8192x200xf32, #tpu.memory_space<vmem>>, vector<64x200xf32>,
    %get3A_1260 = arith.constant 48 : index
    %get3A_1261 = arith.constant 0 : index
    %get3A_1262 = vector.load %arg1[%get3A_1260, %get3A_1261] : memref<128x200xf32, #tpu.memory_space<vmem>>, vector<1x200xf32>
    %broadcast_in_dim3A_1263 = vector.shape_cast %get3A_1262 : vector<1x200xf32> to vector<1x200xf32>
    %broadcast_in_dim3A_1264 = vector.broadcast %broadcast_in_dim3A_1263 : vector<1x200xf32> to vector<64x200xf32>
    %get3A_1265 = arith.constant 48 : index
    %get3A_1266 = arith.constant 0 : index
    %get3A_1267 = vector.load %arg2[%get3A_1265, %get3A_1266] : memref<128x200xf32, #tpu.memory_space<vmem>>, vector<1x200xf32>
    %broadcast_in_dim3A_1268 = vector.shape_cast %get3A_1267 : vector<1x200xf32> to vector<1x200xf32>
    %broadcast_in_dim3A_1269 = vector.broadcast %broadcast_in_dim3A_1268 : vector<1x200xf32> to vector<64x200xf32>
    %get3A_1270 = arith.constant 48 : index
    %get3A_1271 = arith.constant 0 : index
    %get3A_1272 = vector.load %arg3[%get3A_1270, %get3A_1271] : memref<128x200xf32, #tpu.memory_space<vmem>>, vector<1x200xf32>
    %broadcast_in_dim3A_1273 = vector.shape_cast %get3A_1272 : vector<1x200xf32> to vector<1x200xf32>
    %broadcast_in_dim3A_1274 = vector.broadcast %broadcast_in_dim3A_1273 : vector<1x200xf32> to vector<64x200xf32>
    %mul3A_1275 = vector.broadcast %get3A_11 : vector<64x1xf32> to vector<64x200xf32>
    %mul3A_1276 = arith.mulf %broadcast_in_dim3A_1264, %mul3A_1275 : vector<64x200xf32>
    %mul3A_1277 = vector.broadcast %get3A_14 : vector<64x1xf32> to vector<64x200xf32>
    %mul3A_1278 = arith.mulf %broadcast_in_dim3A_1269, %mul3A_1277 : vector<64x200xf32>
    %add3A_1279 = arith.addf %mul3A_1276, %mul3A_1278 : vector<64x200xf32>
    %add3A_1280 = vector.broadcast %add3A_8 : vector<64x1xf32> to vector<64x200xf32>
    %add3A_1281 = arith.addf %add3A_1279, %add3A_1280 : vector<64x200xf32>
    %mul3A_1282 = arith.mulf %add3A_1281, %broadcast_in_dim3A_1274 : vector<64x200xf32>
    %swap3A_1283 = arith.constant 3072 : index
    %swap3A_1284 = arith.constant 0 : index
    %swap3A_1285 = vector.load %arg9[%swap3A_1283, %swap3A_1284] : memref<8192x200xf32, #tpu.memory_space<vmem>>, vector<64x200xf32>
    tpu.vector_store %arg9[%swap3A_1283, %swap3A_1284], %mul3A_1282 {strides = array<i32>} : memref<8192x200xf32, #tpu.memory_space<vmem>>, vector<64x200xf32>,
    %get3A_1286 = arith.constant 49 : index
    %get3A_1287 = arith.constant 0 : index
    %get3A_1288 = vector.load %arg1[%get3A_1286, %get3A_1287] : memref<128x200xf32, #tpu.memory_space<vmem>>, vector<1x200xf32>
    %broadcast_in_dim3A_1289 = vector.shape_cast %get3A_1288 : vector<1x200xf32> to vector<1x200xf32>
    %broadcast_in_dim3A_1290 = vector.broadcast %broadcast_in_dim3A_1289 : vector<1x200xf32> to vector<64x200xf32>
    %get3A_1291 = arith.constant 49 : index
    %get3A_1292 = arith.constant 0 : index
    %get3A_1293 = vector.load %arg2[%get3A_1291, %get3A_1292] : memref<128x200xf32, #tpu.memory_space<vmem>>, vector<1x200xf32>
    %broadcast_in_dim3A_1294 = vector.shape_cast %get3A_1293 : vector<1x200xf32> to vector<1x200xf32>
    %broadcast_in_dim3A_1295 = vector.broadcast %broadcast_in_dim3A_1294 : vector<1x200xf32> to vector<64x200xf32>
    %get3A_1296 = arith.constant 49 : index
    %get3A_1297 = arith.constant 0 : index
    %get3A_1298 = vector.load %arg3[%get3A_1296, %get3A_1297] : memref<128x200xf32, #tpu.memory_space<vmem>>, vector<1x200xf32>
    %broadcast_in_dim3A_1299 = vector.shape_cast %get3A_1298 : vector<1x200xf32> to vector<1x200xf32>
    %broadcast_in_dim3A_1300 = vector.broadcast %broadcast_in_dim3A_1299 : vector<1x200xf32> to vector<64x200xf32>
    %mul3A_1301 = vector.broadcast %get3A_11 : vector<64x1xf32> to vector<64x200xf32>
    %mul3A_1302 = arith.mulf %broadcast_in_dim3A_1290, %mul3A_1301 : vector<64x200xf32>
    %mul3A_1303 = vector.broadcast %get3A_14 : vector<64x1xf32> to vector<64x200xf32>
    %mul3A_1304 = arith.mulf %broadcast_in_dim3A_1295, %mul3A_1303 : vector<64x200xf32>
    %add3A_1305 = arith.addf %mul3A_1302, %mul3A_1304 : vector<64x200xf32>
    %add3A_1306 = vector.broadcast %add3A_8 : vector<64x1xf32> to vector<64x200xf32>
    %add3A_1307 = arith.addf %add3A_1305, %add3A_1306 : vector<64x200xf32>
    %mul3A_1308 = arith.mulf %add3A_1307, %broadcast_in_dim3A_1300 : vector<64x200xf32>
    %swap3A_1309 = arith.constant 3136 : index
    %swap3A_1310 = arith.constant 0 : index
    %swap3A_1311 = vector.load %arg9[%swap3A_1309, %swap3A_1310] : memref<8192x200xf32, #tpu.memory_space<vmem>>, vector<64x200xf32>
    tpu.vector_store %arg9[%swap3A_1309, %swap3A_1310], %mul3A_1308 {strides = array<i32>} : memref<8192x200xf32, #tpu.memory_space<vmem>>, vector<64x200xf32>,
    %get3A_1312 = arith.constant 50 : index
    %get3A_1313 = arith.constant 0 : index
    %get3A_1314 = vector.load %arg1[%get3A_1312, %get3A_1313] : memref<128x200xf32, #tpu.memory_space<vmem>>, vector<1x200xf32>
    %broadcast_in_dim3A_1315 = vector.shape_cast %get3A_1314 : vector<1x200xf32> to vector<1x200xf32>
    %broadcast_in_dim3A_1316 = vector.broadcast %broadcast_in_dim3A_1315 : vector<1x200xf32> to vector<64x200xf32>
    %get3A_1317 = arith.constant 50 : index
    %get3A_1318 = arith.constant 0 : index
    %get3A_1319 = vector.load %arg2[%get3A_1317, %get3A_1318] : memref<128x200xf32, #tpu.memory_space<vmem>>, vector<1x200xf32>
    %broadcast_in_dim3A_1320 = vector.shape_cast %get3A_1319 : vector<1x200xf32> to vector<1x200xf32>
    %broadcast_in_dim3A_1321 = vector.broadcast %broadcast_in_dim3A_1320 : vector<1x200xf32> to vector<64x200xf32>
    %get3A_1322 = arith.constant 50 : index
    %get3A_1323 = arith.constant 0 : index
    %get3A_1324 = vector.load %arg3[%get3A_1322, %get3A_1323] : memref<128x200xf32, #tpu.memory_space<vmem>>, vector<1x200xf32>
    %broadcast_in_dim3A_1325 = vector.shape_cast %get3A_1324 : vector<1x200xf32> to vector<1x200xf32>
    %broadcast_in_dim3A_1326 = vector.broadcast %broadcast_in_dim3A_1325 : vector<1x200xf32> to vector<64x200xf32>
    %mul3A_1327 = vector.broadcast %get3A_11 : vector<64x1xf32> to vector<64x200xf32>
    %mul3A_1328 = arith.mulf %broadcast_in_dim3A_1316, %mul3A_1327 : vector<64x200xf32>
    %mul3A_1329 = vector.broadcast %get3A_14 : vector<64x1xf32> to vector<64x200xf32>
    %mul3A_1330 = arith.mulf %broadcast_in_dim3A_1321, %mul3A_1329 : vector<64x200xf32>
    %add3A_1331 = arith.addf %mul3A_1328, %mul3A_1330 : vector<64x200xf32>
    %add3A_1332 = vector.broadcast %add3A_8 : vector<64x1xf32> to vector<64x200xf32>
    %add3A_1333 = arith.addf %add3A_1331, %add3A_1332 : vector<64x200xf32>
    %mul3A_1334 = arith.mulf %add3A_1333, %broadcast_in_dim3A_1326 : vector<64x200xf32>
    %swap3A_1335 = arith.constant 3200 : index
    %swap3A_1336 = arith.constant 0 : index
    %swap3A_1337 = vector.load %arg9[%swap3A_1335, %swap3A_1336] : memref<8192x200xf32, #tpu.memory_space<vmem>>, vector<64x200xf32>
    tpu.vector_store %arg9[%swap3A_1335, %swap3A_1336], %mul3A_1334 {strides = array<i32>} : memref<8192x200xf32, #tpu.memory_space<vmem>>, vector<64x200xf32>,
    %get3A_1338 = arith.constant 51 : index
    %get3A_1339 = arith.constant 0 : index
    %get3A_1340 = vector.load %arg1[%get3A_1338, %get3A_1339] : memref<128x200xf32, #tpu.memory_space<vmem>>, vector<1x200xf32>
    %broadcast_in_dim3A_1341 = vector.shape_cast %get3A_1340 : vector<1x200xf32> to vector<1x200xf32>
    %broadcast_in_dim3A_1342 = vector.broadcast %broadcast_in_dim3A_1341 : vector<1x200xf32> to vector<64x200xf32>
    %get3A_1343 = arith.constant 51 : index
    %get3A_1344 = arith.constant 0 : index
    %get3A_1345 = vector.load %arg2[%get3A_1343, %get3A_1344] : memref<128x200xf32, #tpu.memory_space<vmem>>, vector<1x200xf32>
    %broadcast_in_dim3A_1346 = vector.shape_cast %get3A_1345 : vector<1x200xf32> to vector<1x200xf32>
    %broadcast_in_dim3A_1347 = vector.broadcast %broadcast_in_dim3A_1346 : vector<1x200xf32> to vector<64x200xf32>
    %get3A_1348 = arith.constant 51 : index
    %get3A_1349 = arith.constant 0 : index
    %get3A_1350 = vector.load %arg3[%get3A_1348, %get3A_1349] : memref<128x200xf32, #tpu.memory_space<vmem>>, vector<1x200xf32>
    %broadcast_in_dim3A_1351 = vector.shape_cast %get3A_1350 : vector<1x200xf32> to vector<1x200xf32>
    %broadcast_in_dim3A_1352 = vector.broadcast %broadcast_in_dim3A_1351 : vector<1x200xf32> to vector<64x200xf32>
    %mul3A_1353 = vector.broadcast %get3A_11 : vector<64x1xf32> to vector<64x200xf32>
    %mul3A_1354 = arith.mulf %broadcast_in_dim3A_1342, %mul3A_1353 : vector<64x200xf32>
    %mul3A_1355 = vector.broadcast %get3A_14 : vector<64x1xf32> to vector<64x200xf32>
    %mul3A_1356 = arith.mulf %broadcast_in_dim3A_1347, %mul3A_1355 : vector<64x200xf32>
    %add3A_1357 = arith.addf %mul3A_1354, %mul3A_1356 : vector<64x200xf32>
    %add3A_1358 = vector.broadcast %add3A_8 : vector<64x1xf32> to vector<64x200xf32>
    %add3A_1359 = arith.addf %add3A_1357, %add3A_1358 : vector<64x200xf32>
    %mul3A_1360 = arith.mulf %add3A_1359, %broadcast_in_dim3A_1352 : vector<64x200xf32>
    %swap3A_1361 = arith.constant 3264 : index
    %swap3A_1362 = arith.constant 0 : index
    %swap3A_1363 = vector.load %arg9[%swap3A_1361, %swap3A_1362] : memref<8192x200xf32, #tpu.memory_space<vmem>>, vector<64x200xf32>
    tpu.vector_store %arg9[%swap3A_1361, %swap3A_1362], %mul3A_1360 {strides = array<i32>} : memref<8192x200xf32, #tpu.memory_space<vmem>>, vector<64x200xf32>,
    %get3A_1364 = arith.constant 52 : index
    %get3A_1365 = arith.constant 0 : index
    %get3A_1366 = vector.load %arg1[%get3A_1364, %get3A_1365] : memref<128x200xf32, #tpu.memory_space<vmem>>, vector<1x200xf32>
    %broadcast_in_dim3A_1367 = vector.shape_cast %get3A_1366 : vector<1x200xf32> to vector<1x200xf32>
    %broadcast_in_dim3A_1368 = vector.broadcast %broadcast_in_dim3A_1367 : vector<1x200xf32> to vector<64x200xf32>
    %get3A_1369 = arith.constant 52 : index
    %get3A_1370 = arith.constant 0 : index
    %get3A_1371 = vector.load %arg2[%get3A_1369, %get3A_1370] : memref<128x200xf32, #tpu.memory_space<vmem>>, vector<1x200xf32>
    %broadcast_in_dim3A_1372 = vector.shape_cast %get3A_1371 : vector<1x200xf32> to vector<1x200xf32>
    %broadcast_in_dim3A_1373 = vector.broadcast %broadcast_in_dim3A_1372 : vector<1x200xf32> to vector<64x200xf32>
    %get3A_1374 = arith.constant 52 : index
    %get3A_1375 = arith.constant 0 : index
    %get3A_1376 = vector.load %arg3[%get3A_1374, %get3A_1375] : memref<128x200xf32, #tpu.memory_space<vmem>>, vector<1x200xf32>
    %broadcast_in_dim3A_1377 = vector.shape_cast %get3A_1376 : vector<1x200xf32> to vector<1x200xf32>
    %broadcast_in_dim3A_1378 = vector.broadcast %broadcast_in_dim3A_1377 : vector<1x200xf32> to vector<64x200xf32>
    %mul3A_1379 = vector.broadcast %get3A_11 : vector<64x1xf32> to vector<64x200xf32>
    %mul3A_1380 = arith.mulf %broadcast_in_dim3A_1368, %mul3A_1379 : vector<64x200xf32>
    %mul3A_1381 = vector.broadcast %get3A_14 : vector<64x1xf32> to vector<64x200xf32>
    %mul3A_1382 = arith.mulf %broadcast_in_dim3A_1373, %mul3A_1381 : vector<64x200xf32>
    %add3A_1383 = arith.addf %mul3A_1380, %mul3A_1382 : vector<64x200xf32>
    %add3A_1384 = vector.broadcast %add3A_8 : vector<64x1xf32> to vector<64x200xf32>
    %add3A_1385 = arith.addf %add3A_1383, %add3A_1384 : vector<64x200xf32>
    %mul3A_1386 = arith.mulf %add3A_1385, %broadcast_in_dim3A_1378 : vector<64x200xf32>
    %swap3A_1387 = arith.constant 3328 : index
    %swap3A_1388 = arith.constant 0 : index
    %swap3A_1389 = vector.load %arg9[%swap3A_1387, %swap3A_1388] : memref<8192x200xf32, #tpu.memory_space<vmem>>, vector<64x200xf32>
    tpu.vector_store %arg9[%swap3A_1387, %swap3A_1388], %mul3A_1386 {strides = array<i32>} : memref<8192x200xf32, #tpu.memory_space<vmem>>, vector<64x200xf32>,
    %get3A_1390 = arith.constant 53 : index
    %get3A_1391 = arith.constant 0 : index
    %get3A_1392 = vector.load %arg1[%get3A_1390, %get3A_1391] : memref<128x200xf32, #tpu.memory_space<vmem>>, vector<1x200xf32>
    %broadcast_in_dim3A_1393 = vector.shape_cast %get3A_1392 : vector<1x200xf32> to vector<1x200xf32>
    %broadcast_in_dim3A_1394 = vector.broadcast %broadcast_in_dim3A_1393 : vector<1x200xf32> to vector<64x200xf32>
    %get3A_1395 = arith.constant 53 : index
    %get3A_1396 = arith.constant 0 : index
    %get3A_1397 = vector.load %arg2[%get3A_1395, %get3A_1396] : memref<128x200xf32, #tpu.memory_space<vmem>>, vector<1x200xf32>
    %broadcast_in_dim3A_1398 = vector.shape_cast %get3A_1397 : vector<1x200xf32> to vector<1x200xf32>
    %broadcast_in_dim3A_1399 = vector.broadcast %broadcast_in_dim3A_1398 : vector<1x200xf32> to vector<64x200xf32>
    %get3A_1400 = arith.constant 53 : index
    %get3A_1401 = arith.constant 0 : index
    %get3A_1402 = vector.load %arg3[%get3A_1400, %get3A_1401] : memref<128x200xf32, #tpu.memory_space<vmem>>, vector<1x200xf32>
    %broadcast_in_dim3A_1403 = vector.shape_cast %get3A_1402 : vector<1x200xf32> to vector<1x200xf32>
    %broadcast_in_dim3A_1404 = vector.broadcast %broadcast_in_dim3A_1403 : vector<1x200xf32> to vector<64x200xf32>
    %mul3A_1405 = vector.broadcast %get3A_11 : vector<64x1xf32> to vector<64x200xf32>
    %mul3A_1406 = arith.mulf %broadcast_in_dim3A_1394, %mul3A_1405 : vector<64x200xf32>
    %mul3A_1407 = vector.broadcast %get3A_14 : vector<64x1xf32> to vector<64x200xf32>
    %mul3A_1408 = arith.mulf %broadcast_in_dim3A_1399, %mul3A_1407 : vector<64x200xf32>
    %add3A_1409 = arith.addf %mul3A_1406, %mul3A_1408 : vector<64x200xf32>
    %add3A_1410 = vector.broadcast %add3A_8 : vector<64x1xf32> to vector<64x200xf32>
    %add3A_1411 = arith.addf %add3A_1409, %add3A_1410 : vector<64x200xf32>
    %mul3A_1412 = arith.mulf %add3A_1411, %broadcast_in_dim3A_1404 : vector<64x200xf32>
    %swap3A_1413 = arith.constant 3392 : index
    %swap3A_1414 = arith.constant 0 : index
    %swap3A_1415 = vector.load %arg9[%swap3A_1413, %swap3A_1414] : memref<8192x200xf32, #tpu.memory_space<vmem>>, vector<64x200xf32>
    tpu.vector_store %arg9[%swap3A_1413, %swap3A_1414], %mul3A_1412 {strides = array<i32>} : memref<8192x200xf32, #tpu.memory_space<vmem>>, vector<64x200xf32>,
    %get3A_1416 = arith.constant 54 : index
    %get3A_1417 = arith.constant 0 : index
    %get3A_1418 = vector.load %arg1[%get3A_1416, %get3A_1417] : memref<128x200xf32, #tpu.memory_space<vmem>>, vector<1x200xf32>
    %broadcast_in_dim3A_1419 = vector.shape_cast %get3A_1418 : vector<1x200xf32> to vector<1x200xf32>
    %broadcast_in_dim3A_1420 = vector.broadcast %broadcast_in_dim3A_1419 : vector<1x200xf32> to vector<64x200xf32>
    %get3A_1421 = arith.constant 54 : index
    %get3A_1422 = arith.constant 0 : index
    %get3A_1423 = vector.load %arg2[%get3A_1421, %get3A_1422] : memref<128x200xf32, #tpu.memory_space<vmem>>, vector<1x200xf32>
    %broadcast_in_dim3A_1424 = vector.shape_cast %get3A_1423 : vector<1x200xf32> to vector<1x200xf32>
    %broadcast_in_dim3A_1425 = vector.broadcast %broadcast_in_dim3A_1424 : vector<1x200xf32> to vector<64x200xf32>
    %get3A_1426 = arith.constant 54 : index
    %get3A_1427 = arith.constant 0 : index
    %get3A_1428 = vector.load %arg3[%get3A_1426, %get3A_1427] : memref<128x200xf32, #tpu.memory_space<vmem>>, vector<1x200xf32>
    %broadcast_in_dim3A_1429 = vector.shape_cast %get3A_1428 : vector<1x200xf32> to vector<1x200xf32>
    %broadcast_in_dim3A_1430 = vector.broadcast %broadcast_in_dim3A_1429 : vector<1x200xf32> to vector<64x200xf32>
    %mul3A_1431 = vector.broadcast %get3A_11 : vector<64x1xf32> to vector<64x200xf32>
    %mul3A_1432 = arith.mulf %broadcast_in_dim3A_1420, %mul3A_1431 : vector<64x200xf32>
    %mul3A_1433 = vector.broadcast %get3A_14 : vector<64x1xf32> to vector<64x200xf32>
    %mul3A_1434 = arith.mulf %broadcast_in_dim3A_1425, %mul3A_1433 : vector<64x200xf32>
    %add3A_1435 = arith.addf %mul3A_1432, %mul3A_1434 : vector<64x200xf32>
    %add3A_1436 = vector.broadcast %add3A_8 : vector<64x1xf32> to vector<64x200xf32>
    %add3A_1437 = arith.addf %add3A_1435, %add3A_1436 : vector<64x200xf32>
    %mul3A_1438 = arith.mulf %add3A_1437, %broadcast_in_dim3A_1430 : vector<64x200xf32>
    %swap3A_1439 = arith.constant 3456 : index
    %swap3A_1440 = arith.constant 0 : index
    %swap3A_1441 = vector.load %arg9[%swap3A_1439, %swap3A_1440] : memref<8192x200xf32, #tpu.memory_space<vmem>>, vector<64x200xf32>
    tpu.vector_store %arg9[%swap3A_1439, %swap3A_1440], %mul3A_1438 {strides = array<i32>} : memref<8192x200xf32, #tpu.memory_space<vmem>>, vector<64x200xf32>,
    %get3A_1442 = arith.constant 55 : index
    %get3A_1443 = arith.constant 0 : index
    %get3A_1444 = vector.load %arg1[%get3A_1442, %get3A_1443] : memref<128x200xf32, #tpu.memory_space<vmem>>, vector<1x200xf32>
    %broadcast_in_dim3A_1445 = vector.shape_cast %get3A_1444 : vector<1x200xf32> to vector<1x200xf32>
    %broadcast_in_dim3A_1446 = vector.broadcast %broadcast_in_dim3A_1445 : vector<1x200xf32> to vector<64x200xf32>
    %get3A_1447 = arith.constant 55 : index
    %get3A_1448 = arith.constant 0 : index
    %get3A_1449 = vector.load %arg2[%get3A_1447, %get3A_1448] : memref<128x200xf32, #tpu.memory_space<vmem>>, vector<1x200xf32>
    %broadcast_in_dim3A_1450 = vector.shape_cast %get3A_1449 : vector<1x200xf32> to vector<1x200xf32>
    %broadcast_in_dim3A_1451 = vector.broadcast %broadcast_in_dim3A_1450 : vector<1x200xf32> to vector<64x200xf32>
    %get3A_1452 = arith.constant 55 : index
    %get3A_1453 = arith.constant 0 : index
    %get3A_1454 = vector.load %arg3[%get3A_1452, %get3A_1453] : memref<128x200xf32, #tpu.memory_space<vmem>>, vector<1x200xf32>
    %broadcast_in_dim3A_1455 = vector.shape_cast %get3A_1454 : vector<1x200xf32> to vector<1x200xf32>
    %broadcast_in_dim3A_1456 = vector.broadcast %broadcast_in_dim3A_1455 : vector<1x200xf32> to vector<64x200xf32>
    %mul3A_1457 = vector.broadcast %get3A_11 : vector<64x1xf32> to vector<64x200xf32>
    %mul3A_1458 = arith.mulf %broadcast_in_dim3A_1446, %mul3A_1457 : vector<64x200xf32>
    %mul3A_1459 = vector.broadcast %get3A_14 : vector<64x1xf32> to vector<64x200xf32>
    %mul3A_1460 = arith.mulf %broadcast_in_dim3A_1451, %mul3A_1459 : vector<64x200xf32>
    %add3A_1461 = arith.addf %mul3A_1458, %mul3A_1460 : vector<64x200xf32>
    %add3A_1462 = vector.broadcast %add3A_8 : vector<64x1xf32> to vector<64x200xf32>
    %add3A_1463 = arith.addf %add3A_1461, %add3A_1462 : vector<64x200xf32>
    %mul3A_1464 = arith.mulf %add3A_1463, %broadcast_in_dim3A_1456 : vector<64x200xf32>
    %swap3A_1465 = arith.constant 3520 : index
    %swap3A_1466 = arith.constant 0 : index
    %swap3A_1467 = vector.load %arg9[%swap3A_1465, %swap3A_1466] : memref<8192x200xf32, #tpu.memory_space<vmem>>, vector<64x200xf32>
    tpu.vector_store %arg9[%swap3A_1465, %swap3A_1466], %mul3A_1464 {strides = array<i32>} : memref<8192x200xf32, #tpu.memory_space<vmem>>, vector<64x200xf32>,
    %get3A_1468 = arith.constant 56 : index
    %get3A_1469 = arith.constant 0 : index
    %get3A_1470 = vector.load %arg1[%get3A_1468, %get3A_1469] : memref<128x200xf32, #tpu.memory_space<vmem>>, vector<1x200xf32>
    %broadcast_in_dim3A_1471 = vector.shape_cast %get3A_1470 : vector<1x200xf32> to vector<1x200xf32>
    %broadcast_in_dim3A_1472 = vector.broadcast %broadcast_in_dim3A_1471 : vector<1x200xf32> to vector<64x200xf32>
    %get3A_1473 = arith.constant 56 : index
    %get3A_1474 = arith.constant 0 : index
    %get3A_1475 = vector.load %arg2[%get3A_1473, %get3A_1474] : memref<128x200xf32, #tpu.memory_space<vmem>>, vector<1x200xf32>
    %broadcast_in_dim3A_1476 = vector.shape_cast %get3A_1475 : vector<1x200xf32> to vector<1x200xf32>
    %broadcast_in_dim3A_1477 = vector.broadcast %broadcast_in_dim3A_1476 : vector<1x200xf32> to vector<64x200xf32>
    %get3A_1478 = arith.constant 56 : index
    %get3A_1479 = arith.constant 0 : index
    %get3A_1480 = vector.load %arg3[%get3A_1478, %get3A_1479] : memref<128x200xf32, #tpu.memory_space<vmem>>, vector<1x200xf32>
    %broadcast_in_dim3A_1481 = vector.shape_cast %get3A_1480 : vector<1x200xf32> to vector<1x200xf32>
    %broadcast_in_dim3A_1482 = vector.broadcast %broadcast_in_dim3A_1481 : vector<1x200xf32> to vector<64x200xf32>
    %mul3A_1483 = vector.broadcast %get3A_11 : vector<64x1xf32> to vector<64x200xf32>
    %mul3A_1484 = arith.mulf %broadcast_in_dim3A_1472, %mul3A_1483 : vector<64x200xf32>
    %mul3A_1485 = vector.broadcast %get3A_14 : vector<64x1xf32> to vector<64x200xf32>
    %mul3A_1486 = arith.mulf %broadcast_in_dim3A_1477, %mul3A_1485 : vector<64x200xf32>
    %add3A_1487 = arith.addf %mul3A_1484, %mul3A_1486 : vector<64x200xf32>
    %add3A_1488 = vector.broadcast %add3A_8 : vector<64x1xf32> to vector<64x200xf32>
    %add3A_1489 = arith.addf %add3A_1487, %add3A_1488 : vector<64x200xf32>
    %mul3A_1490 = arith.mulf %add3A_1489, %broadcast_in_dim3A_1482 : vector<64x200xf32>
    %swap3A_1491 = arith.constant 3584 : index
    %swap3A_1492 = arith.constant 0 : index
    %swap3A_1493 = vector.load %arg9[%swap3A_1491, %swap3A_1492] : memref<8192x200xf32, #tpu.memory_space<vmem>>, vector<64x200xf32>
    tpu.vector_store %arg9[%swap3A_1491, %swap3A_1492], %mul3A_1490 {strides = array<i32>} : memref<8192x200xf32, #tpu.memory_space<vmem>>, vector<64x200xf32>,
    %get3A_1494 = arith.constant 57 : index
    %get3A_1495 = arith.constant 0 : index
    %get3A_1496 = vector.load %arg1[%get3A_1494, %get3A_1495] : memref<128x200xf32, #tpu.memory_space<vmem>>, vector<1x200xf32>
    %broadcast_in_dim3A_1497 = vector.shape_cast %get3A_1496 : vector<1x200xf32> to vector<1x200xf32>
    %broadcast_in_dim3A_1498 = vector.broadcast %broadcast_in_dim3A_1497 : vector<1x200xf32> to vector<64x200xf32>
    %get3A_1499 = arith.constant 57 : index
    %get3A_1500 = arith.constant 0 : index
    %get3A_1501 = vector.load %arg2[%get3A_1499, %get3A_1500] : memref<128x200xf32, #tpu.memory_space<vmem>>, vector<1x200xf32>
    %broadcast_in_dim3A_1502 = vector.shape_cast %get3A_1501 : vector<1x200xf32> to vector<1x200xf32>
    %broadcast_in_dim3A_1503 = vector.broadcast %broadcast_in_dim3A_1502 : vector<1x200xf32> to vector<64x200xf32>
    %get3A_1504 = arith.constant 57 : index
    %get3A_1505 = arith.constant 0 : index
    %get3A_1506 = vector.load %arg3[%get3A_1504, %get3A_1505] : memref<128x200xf32, #tpu.memory_space<vmem>>, vector<1x200xf32>
    %broadcast_in_dim3A_1507 = vector.shape_cast %get3A_1506 : vector<1x200xf32> to vector<1x200xf32>
    %broadcast_in_dim3A_1508 = vector.broadcast %broadcast_in_dim3A_1507 : vector<1x200xf32> to vector<64x200xf32>
    %mul3A_1509 = vector.broadcast %get3A_11 : vector<64x1xf32> to vector<64x200xf32>
    %mul3A_1510 = arith.mulf %broadcast_in_dim3A_1498, %mul3A_1509 : vector<64x200xf32>
    %mul3A_1511 = vector.broadcast %get3A_14 : vector<64x1xf32> to vector<64x200xf32>
    %mul3A_1512 = arith.mulf %broadcast_in_dim3A_1503, %mul3A_1511 : vector<64x200xf32>
    %add3A_1513 = arith.addf %mul3A_1510, %mul3A_1512 : vector<64x200xf32>
    %add3A_1514 = vector.broadcast %add3A_8 : vector<64x1xf32> to vector<64x200xf32>
    %add3A_1515 = arith.addf %add3A_1513, %add3A_1514 : vector<64x200xf32>
    %mul3A_1516 = arith.mulf %add3A_1515, %broadcast_in_dim3A_1508 : vector<64x200xf32>
    %swap3A_1517 = arith.constant 3648 : index
    %swap3A_1518 = arith.constant 0 : index
    %swap3A_1519 = vector.load %arg9[%swap3A_1517, %swap3A_1518] : memref<8192x200xf32, #tpu.memory_space<vmem>>, vector<64x200xf32>
    tpu.vector_store %arg9[%swap3A_1517, %swap3A_1518], %mul3A_1516 {strides = array<i32>} : memref<8192x200xf32, #tpu.memory_space<vmem>>, vector<64x200xf32>,
    %get3A_1520 = arith.constant 58 : index
    %get3A_1521 = arith.constant 0 : index
    %get3A_1522 = vector.load %arg1[%get3A_1520, %get3A_1521] : memref<128x200xf32, #tpu.memory_space<vmem>>, vector<1x200xf32>
    %broadcast_in_dim3A_1523 = vector.shape_cast %get3A_1522 : vector<1x200xf32> to vector<1x200xf32>
    %broadcast_in_dim3A_1524 = vector.broadcast %broadcast_in_dim3A_1523 : vector<1x200xf32> to vector<64x200xf32>
    %get3A_1525 = arith.constant 58 : index
    %get3A_1526 = arith.constant 0 : index
    %get3A_1527 = vector.load %arg2[%get3A_1525, %get3A_1526] : memref<128x200xf32, #tpu.memory_space<vmem>>, vector<1x200xf32>
    %broadcast_in_dim3A_1528 = vector.shape_cast %get3A_1527 : vector<1x200xf32> to vector<1x200xf32>
    %broadcast_in_dim3A_1529 = vector.broadcast %broadcast_in_dim3A_1528 : vector<1x200xf32> to vector<64x200xf32>
    %get3A_1530 = arith.constant 58 : index
    %get3A_1531 = arith.constant 0 : index
    %get3A_1532 = vector.load %arg3[%get3A_1530, %get3A_1531] : memref<128x200xf32, #tpu.memory_space<vmem>>, vector<1x200xf32>
    %broadcast_in_dim3A_1533 = vector.shape_cast %get3A_1532 : vector<1x200xf32> to vector<1x200xf32>
    %broadcast_in_dim3A_1534 = vector.broadcast %broadcast_in_dim3A_1533 : vector<1x200xf32> to vector<64x200xf32>
    %mul3A_1535 = vector.broadcast %get3A_11 : vector<64x1xf32> to vector<64x200xf32>
    %mul3A_1536 = arith.mulf %broadcast_in_dim3A_1524, %mul3A_1535 : vector<64x200xf32>
    %mul3A_1537 = vector.broadcast %get3A_14 : vector<64x1xf32> to vector<64x200xf32>
    %mul3A_1538 = arith.mulf %broadcast_in_dim3A_1529, %mul3A_1537 : vector<64x200xf32>
    %add3A_1539 = arith.addf %mul3A_1536, %mul3A_1538 : vector<64x200xf32>
    %add3A_1540 = vector.broadcast %add3A_8 : vector<64x1xf32> to vector<64x200xf32>
    %add3A_1541 = arith.addf %add3A_1539, %add3A_1540 : vector<64x200xf32>
    %mul3A_1542 = arith.mulf %add3A_1541, %broadcast_in_dim3A_1534 : vector<64x200xf32>
    %swap3A_1543 = arith.constant 3712 : index
    %swap3A_1544 = arith.constant 0 : index
    %swap3A_1545 = vector.load %arg9[%swap3A_1543, %swap3A_1544] : memref<8192x200xf32, #tpu.memory_space<vmem>>, vector<64x200xf32>
    tpu.vector_store %arg9[%swap3A_1543, %swap3A_1544], %mul3A_1542 {strides = array<i32>} : memref<8192x200xf32, #tpu.memory_space<vmem>>, vector<64x200xf32>,
    %get3A_1546 = arith.constant 59 : index
    %get3A_1547 = arith.constant 0 : index
    %get3A_1548 = vector.load %arg1[%get3A_1546, %get3A_1547] : memref<128x200xf32, #tpu.memory_space<vmem>>, vector<1x200xf32>
    %broadcast_in_dim3A_1549 = vector.shape_cast %get3A_1548 : vector<1x200xf32> to vector<1x200xf32>
    %broadcast_in_dim3A_1550 = vector.broadcast %broadcast_in_dim3A_1549 : vector<1x200xf32> to vector<64x200xf32>
    %get3A_1551 = arith.constant 59 : index
    %get3A_1552 = arith.constant 0 : index
    %get3A_1553 = vector.load %arg2[%get3A_1551, %get3A_1552] : memref<128x200xf32, #tpu.memory_space<vmem>>, vector<1x200xf32>
    %broadcast_in_dim3A_1554 = vector.shape_cast %get3A_1553 : vector<1x200xf32> to vector<1x200xf32>
    %broadcast_in_dim3A_1555 = vector.broadcast %broadcast_in_dim3A_1554 : vector<1x200xf32> to vector<64x200xf32>
    %get3A_1556 = arith.constant 59 : index
    %get3A_1557 = arith.constant 0 : index
    %get3A_1558 = vector.load %arg3[%get3A_1556, %get3A_1557] : memref<128x200xf32, #tpu.memory_space<vmem>>, vector<1x200xf32>
    %broadcast_in_dim3A_1559 = vector.shape_cast %get3A_1558 : vector<1x200xf32> to vector<1x200xf32>
    %broadcast_in_dim3A_1560 = vector.broadcast %broadcast_in_dim3A_1559 : vector<1x200xf32> to vector<64x200xf32>
    %mul3A_1561 = vector.broadcast %get3A_11 : vector<64x1xf32> to vector<64x200xf32>
    %mul3A_1562 = arith.mulf %broadcast_in_dim3A_1550, %mul3A_1561 : vector<64x200xf32>
    %mul3A_1563 = vector.broadcast %get3A_14 : vector<64x1xf32> to vector<64x200xf32>
    %mul3A_1564 = arith.mulf %broadcast_in_dim3A_1555, %mul3A_1563 : vector<64x200xf32>
    %add3A_1565 = arith.addf %mul3A_1562, %mul3A_1564 : vector<64x200xf32>
    %add3A_1566 = vector.broadcast %add3A_8 : vector<64x1xf32> to vector<64x200xf32>
    %add3A_1567 = arith.addf %add3A_1565, %add3A_1566 : vector<64x200xf32>
    %mul3A_1568 = arith.mulf %add3A_1567, %broadcast_in_dim3A_1560 : vector<64x200xf32>
    %swap3A_1569 = arith.constant 3776 : index
    %swap3A_1570 = arith.constant 0 : index
    %swap3A_1571 = vector.load %arg9[%swap3A_1569, %swap3A_1570] : memref<8192x200xf32, #tpu.memory_space<vmem>>, vector<64x200xf32>
    tpu.vector_store %arg9[%swap3A_1569, %swap3A_1570], %mul3A_1568 {strides = array<i32>} : memref<8192x200xf32, #tpu.memory_space<vmem>>, vector<64x200xf32>,
    %get3A_1572 = arith.constant 60 : index
    %get3A_1573 = arith.constant 0 : index
    %get3A_1574 = vector.load %arg1[%get3A_1572, %get3A_1573] : memref<128x200xf32, #tpu.memory_space<vmem>>, vector<1x200xf32>
    %broadcast_in_dim3A_1575 = vector.shape_cast %get3A_1574 : vector<1x200xf32> to vector<1x200xf32>
    %broadcast_in_dim3A_1576 = vector.broadcast %broadcast_in_dim3A_1575 : vector<1x200xf32> to vector<64x200xf32>
    %get3A_1577 = arith.constant 60 : index
    %get3A_1578 = arith.constant 0 : index
    %get3A_1579 = vector.load %arg2[%get3A_1577, %get3A_1578] : memref<128x200xf32, #tpu.memory_space<vmem>>, vector<1x200xf32>
    %broadcast_in_dim3A_1580 = vector.shape_cast %get3A_1579 : vector<1x200xf32> to vector<1x200xf32>
    %broadcast_in_dim3A_1581 = vector.broadcast %broadcast_in_dim3A_1580 : vector<1x200xf32> to vector<64x200xf32>
    %get3A_1582 = arith.constant 60 : index
    %get3A_1583 = arith.constant 0 : index
    %get3A_1584 = vector.load %arg3[%get3A_1582, %get3A_1583] : memref<128x200xf32, #tpu.memory_space<vmem>>, vector<1x200xf32>
    %broadcast_in_dim3A_1585 = vector.shape_cast %get3A_1584 : vector<1x200xf32> to vector<1x200xf32>
    %broadcast_in_dim3A_1586 = vector.broadcast %broadcast_in_dim3A_1585 : vector<1x200xf32> to vector<64x200xf32>
    %mul3A_1587 = vector.broadcast %get3A_11 : vector<64x1xf32> to vector<64x200xf32>
    %mul3A_1588 = arith.mulf %broadcast_in_dim3A_1576, %mul3A_1587 : vector<64x200xf32>
    %mul3A_1589 = vector.broadcast %get3A_14 : vector<64x1xf32> to vector<64x200xf32>
    %mul3A_1590 = arith.mulf %broadcast_in_dim3A_1581, %mul3A_1589 : vector<64x200xf32>
    %add3A_1591 = arith.addf %mul3A_1588, %mul3A_1590 : vector<64x200xf32>
    %add3A_1592 = vector.broadcast %add3A_8 : vector<64x1xf32> to vector<64x200xf32>
    %add3A_1593 = arith.addf %add3A_1591, %add3A_1592 : vector<64x200xf32>
    %mul3A_1594 = arith.mulf %add3A_1593, %broadcast_in_dim3A_1586 : vector<64x200xf32>
    %swap3A_1595 = arith.constant 3840 : index
    %swap3A_1596 = arith.constant 0 : index
    %swap3A_1597 = vector.load %arg9[%swap3A_1595, %swap3A_1596] : memref<8192x200xf32, #tpu.memory_space<vmem>>, vector<64x200xf32>
    tpu.vector_store %arg9[%swap3A_1595, %swap3A_1596], %mul3A_1594 {strides = array<i32>} : memref<8192x200xf32, #tpu.memory_space<vmem>>, vector<64x200xf32>,
    %get3A_1598 = arith.constant 61 : index
    %get3A_1599 = arith.constant 0 : index
    %get3A_1600 = vector.load %arg1[%get3A_1598, %get3A_1599] : memref<128x200xf32, #tpu.memory_space<vmem>>, vector<1x200xf32>
    %broadcast_in_dim3A_1601 = vector.shape_cast %get3A_1600 : vector<1x200xf32> to vector<1x200xf32>
    %broadcast_in_dim3A_1602 = vector.broadcast %broadcast_in_dim3A_1601 : vector<1x200xf32> to vector<64x200xf32>
    %get3A_1603 = arith.constant 61 : index
    %get3A_1604 = arith.constant 0 : index
    %get3A_1605 = vector.load %arg2[%get3A_1603, %get3A_1604] : memref<128x200xf32, #tpu.memory_space<vmem>>, vector<1x200xf32>
    %broadcast_in_dim3A_1606 = vector.shape_cast %get3A_1605 : vector<1x200xf32> to vector<1x200xf32>
    %broadcast_in_dim3A_1607 = vector.broadcast %broadcast_in_dim3A_1606 : vector<1x200xf32> to vector<64x200xf32>
    %get3A_1608 = arith.constant 61 : index
    %get3A_1609 = arith.constant 0 : index
    %get3A_1610 = vector.load %arg3[%get3A_1608, %get3A_1609] : memref<128x200xf32, #tpu.memory_space<vmem>>, vector<1x200xf32>
    %broadcast_in_dim3A_1611 = vector.shape_cast %get3A_1610 : vector<1x200xf32> to vector<1x200xf32>
    %broadcast_in_dim3A_1612 = vector.broadcast %broadcast_in_dim3A_1611 : vector<1x200xf32> to vector<64x200xf32>
    %mul3A_1613 = vector.broadcast %get3A_11 : vector<64x1xf32> to vector<64x200xf32>
    %mul3A_1614 = arith.mulf %broadcast_in_dim3A_1602, %mul3A_1613 : vector<64x200xf32>
    %mul3A_1615 = vector.broadcast %get3A_14 : vector<64x1xf32> to vector<64x200xf32>
    %mul3A_1616 = arith.mulf %broadcast_in_dim3A_1607, %mul3A_1615 : vector<64x200xf32>
    %add3A_1617 = arith.addf %mul3A_1614, %mul3A_1616 : vector<64x200xf32>
    %add3A_1618 = vector.broadcast %add3A_8 : vector<64x1xf32> to vector<64x200xf32>
    %add3A_1619 = arith.addf %add3A_1617, %add3A_1618 : vector<64x200xf32>
    %mul3A_1620 = arith.mulf %add3A_1619, %broadcast_in_dim3A_1612 : vector<64x200xf32>
    %swap3A_1621 = arith.constant 3904 : index
    %swap3A_1622 = arith.constant 0 : index
    %swap3A_1623 = vector.load %arg9[%swap3A_1621, %swap3A_1622] : memref<8192x200xf32, #tpu.memory_space<vmem>>, vector<64x200xf32>
    tpu.vector_store %arg9[%swap3A_1621, %swap3A_1622], %mul3A_1620 {strides = array<i32>} : memref<8192x200xf32, #tpu.memory_space<vmem>>, vector<64x200xf32>,
    %get3A_1624 = arith.constant 62 : index
    %get3A_1625 = arith.constant 0 : index
    %get3A_1626 = vector.load %arg1[%get3A_1624, %get3A_1625] : memref<128x200xf32, #tpu.memory_space<vmem>>, vector<1x200xf32>
    %broadcast_in_dim3A_1627 = vector.shape_cast %get3A_1626 : vector<1x200xf32> to vector<1x200xf32>
    %broadcast_in_dim3A_1628 = vector.broadcast %broadcast_in_dim3A_1627 : vector<1x200xf32> to vector<64x200xf32>
    %get3A_1629 = arith.constant 62 : index
    %get3A_1630 = arith.constant 0 : index
    %get3A_1631 = vector.load %arg2[%get3A_1629, %get3A_1630] : memref<128x200xf32, #tpu.memory_space<vmem>>, vector<1x200xf32>
    %broadcast_in_dim3A_1632 = vector.shape_cast %get3A_1631 : vector<1x200xf32> to vector<1x200xf32>
    %broadcast_in_dim3A_1633 = vector.broadcast %broadcast_in_dim3A_1632 : vector<1x200xf32> to vector<64x200xf32>
    %get3A_1634 = arith.constant 62 : index
    %get3A_1635 = arith.constant 0 : index
    %get3A_1636 = vector.load %arg3[%get3A_1634, %get3A_1635] : memref<128x200xf32, #tpu.memory_space<vmem>>, vector<1x200xf32>
    %broadcast_in_dim3A_1637 = vector.shape_cast %get3A_1636 : vector<1x200xf32> to vector<1x200xf32>
    %broadcast_in_dim3A_1638 = vector.broadcast %broadcast_in_dim3A_1637 : vector<1x200xf32> to vector<64x200xf32>
    %mul3A_1639 = vector.broadcast %get3A_11 : vector<64x1xf32> to vector<64x200xf32>
    %mul3A_1640 = arith.mulf %broadcast_in_dim3A_1628, %mul3A_1639 : vector<64x200xf32>
    %mul3A_1641 = vector.broadcast %get3A_14 : vector<64x1xf32> to vector<64x200xf32>
    %mul3A_1642 = arith.mulf %broadcast_in_dim3A_1633, %mul3A_1641 : vector<64x200xf32>
    %add3A_1643 = arith.addf %mul3A_1640, %mul3A_1642 : vector<64x200xf32>
    %add3A_1644 = vector.broadcast %add3A_8 : vector<64x1xf32> to vector<64x200xf32>
    %add3A_1645 = arith.addf %add3A_1643, %add3A_1644 : vector<64x200xf32>
    %mul3A_1646 = arith.mulf %add3A_1645, %broadcast_in_dim3A_1638 : vector<64x200xf32>
    %swap3A_1647 = arith.constant 3968 : index
    %swap3A_1648 = arith.constant 0 : index
    %swap3A_1649 = vector.load %arg9[%swap3A_1647, %swap3A_1648] : memref<8192x200xf32, #tpu.memory_space<vmem>>, vector<64x200xf32>
    tpu.vector_store %arg9[%swap3A_1647, %swap3A_1648], %mul3A_1646 {strides = array<i32>} : memref<8192x200xf32, #tpu.memory_space<vmem>>, vector<64x200xf32>,
    %get3A_1650 = arith.constant 63 : index
    %get3A_1651 = arith.constant 0 : index
    %get3A_1652 = vector.load %arg1[%get3A_1650, %get3A_1651] : memref<128x200xf32, #tpu.memory_space<vmem>>, vector<1x200xf32>
    %broadcast_in_dim3A_1653 = vector.shape_cast %get3A_1652 : vector<1x200xf32> to vector<1x200xf32>
    %broadcast_in_dim3A_1654 = vector.broadcast %broadcast_in_dim3A_1653 : vector<1x200xf32> to vector<64x200xf32>
    %get3A_1655 = arith.constant 63 : index
    %get3A_1656 = arith.constant 0 : index
    %get3A_1657 = vector.load %arg2[%get3A_1655, %get3A_1656] : memref<128x200xf32, #tpu.memory_space<vmem>>, vector<1x200xf32>
    %broadcast_in_dim3A_1658 = vector.shape_cast %get3A_1657 : vector<1x200xf32> to vector<1x200xf32>
    %broadcast_in_dim3A_1659 = vector.broadcast %broadcast_in_dim3A_1658 : vector<1x200xf32> to vector<64x200xf32>
    %get3A_1660 = arith.constant 63 : index
    %get3A_1661 = arith.constant 0 : index
    %get3A_1662 = vector.load %arg3[%get3A_1660, %get3A_1661] : memref<128x200xf32, #tpu.memory_space<vmem>>, vector<1x200xf32>
    %broadcast_in_dim3A_1663 = vector.shape_cast %get3A_1662 : vector<1x200xf32> to vector<1x200xf32>
    %broadcast_in_dim3A_1664 = vector.broadcast %broadcast_in_dim3A_1663 : vector<1x200xf32> to vector<64x200xf32>
    %mul3A_1665 = vector.broadcast %get3A_11 : vector<64x1xf32> to vector<64x200xf32>
    %mul3A_1666 = arith.mulf %broadcast_in_dim3A_1654, %mul3A_1665 : vector<64x200xf32>
    %mul3A_1667 = vector.broadcast %get3A_14 : vector<64x1xf32> to vector<64x200xf32>
    %mul3A_1668 = arith.mulf %broadcast_in_dim3A_1659, %mul3A_1667 : vector<64x200xf32>
    %add3A_1669 = arith.addf %mul3A_1666, %mul3A_1668 : vector<64x200xf32>
    %add3A_1670 = vector.broadcast %add3A_8 : vector<64x1xf32> to vector<64x200xf32>
    %add3A_1671 = arith.addf %add3A_1669, %add3A_1670 : vector<64x200xf32>
    %mul3A_1672 = arith.mulf %add3A_1671, %broadcast_in_dim3A_1664 : vector<64x200xf32>
    %swap3A_1673 = arith.constant 4032 : index
    %swap3A_1674 = arith.constant 0 : index
    %swap3A_1675 = vector.load %arg9[%swap3A_1673, %swap3A_1674] : memref<8192x200xf32, #tpu.memory_space<vmem>>, vector<64x200xf32>
    tpu.vector_store %arg9[%swap3A_1673, %swap3A_1674], %mul3A_1672 {strides = array<i32>} : memref<8192x200xf32, #tpu.memory_space<vmem>>, vector<64x200xf32>,
    %get3A_1676 = arith.constant 64 : index
    %get3A_1677 = arith.constant 0 : index
    %get3A_1678 = vector.load %arg1[%get3A_1676, %get3A_1677] : memref<128x200xf32, #tpu.memory_space<vmem>>, vector<1x200xf32>
    %broadcast_in_dim3A_1679 = vector.shape_cast %get3A_1678 : vector<1x200xf32> to vector<1x200xf32>
    %broadcast_in_dim3A_1680 = vector.broadcast %broadcast_in_dim3A_1679 : vector<1x200xf32> to vector<64x200xf32>
    %get3A_1681 = arith.constant 64 : index
    %get3A_1682 = arith.constant 0 : index
    %get3A_1683 = vector.load %arg2[%get3A_1681, %get3A_1682] : memref<128x200xf32, #tpu.memory_space<vmem>>, vector<1x200xf32>
    %broadcast_in_dim3A_1684 = vector.shape_cast %get3A_1683 : vector<1x200xf32> to vector<1x200xf32>
    %broadcast_in_dim3A_1685 = vector.broadcast %broadcast_in_dim3A_1684 : vector<1x200xf32> to vector<64x200xf32>
    %get3A_1686 = arith.constant 64 : index
    %get3A_1687 = arith.constant 0 : index
    %get3A_1688 = vector.load %arg3[%get3A_1686, %get3A_1687] : memref<128x200xf32, #tpu.memory_space<vmem>>, vector<1x200xf32>
    %broadcast_in_dim3A_1689 = vector.shape_cast %get3A_1688 : vector<1x200xf32> to vector<1x200xf32>
    %broadcast_in_dim3A_1690 = vector.broadcast %broadcast_in_dim3A_1689 : vector<1x200xf32> to vector<64x200xf32>
    %mul3A_1691 = vector.broadcast %get3A_11 : vector<64x1xf32> to vector<64x200xf32>
    %mul3A_1692 = arith.mulf %broadcast_in_dim3A_1680, %mul3A_1691 : vector<64x200xf32>
    %mul3A_1693 = vector.broadcast %get3A_14 : vector<64x1xf32> to vector<64x200xf32>
    %mul3A_1694 = arith.mulf %broadcast_in_dim3A_1685, %mul3A_1693 : vector<64x200xf32>
    %add3A_1695 = arith.addf %mul3A_1692, %mul3A_1694 : vector<64x200xf32>
    %add3A_1696 = vector.broadcast %add3A_8 : vector<64x1xf32> to vector<64x200xf32>
    %add3A_1697 = arith.addf %add3A_1695, %add3A_1696 : vector<64x200xf32>
    %mul3A_1698 = arith.mulf %add3A_1697, %broadcast_in_dim3A_1690 : vector<64x200xf32>
    %swap3A_1699 = arith.constant 4096 : index
    %swap3A_1700 = arith.constant 0 : index
    %swap3A_1701 = vector.load %arg9[%swap3A_1699, %swap3A_1700] : memref<8192x200xf32, #tpu.memory_space<vmem>>, vector<64x200xf32>
    tpu.vector_store %arg9[%swap3A_1699, %swap3A_1700], %mul3A_1698 {strides = array<i32>} : memref<8192x200xf32, #tpu.memory_space<vmem>>, vector<64x200xf32>,
    %get3A_1702 = arith.constant 65 : index
    %get3A_1703 = arith.constant 0 : index
    %get3A_1704 = vector.load %arg1[%get3A_1702, %get3A_1703] : memref<128x200xf32, #tpu.memory_space<vmem>>, vector<1x200xf32>
    %broadcast_in_dim3A_1705 = vector.shape_cast %get3A_1704 : vector<1x200xf32> to vector<1x200xf32>
    %broadcast_in_dim3A_1706 = vector.broadcast %broadcast_in_dim3A_1705 : vector<1x200xf32> to vector<64x200xf32>
    %get3A_1707 = arith.constant 65 : index
    %get3A_1708 = arith.constant 0 : index
    %get3A_1709 = vector.load %arg2[%get3A_1707, %get3A_1708] : memref<128x200xf32, #tpu.memory_space<vmem>>, vector<1x200xf32>
    %broadcast_in_dim3A_1710 = vector.shape_cast %get3A_1709 : vector<1x200xf32> to vector<1x200xf32>
    %broadcast_in_dim3A_1711 = vector.broadcast %broadcast_in_dim3A_1710 : vector<1x200xf32> to vector<64x200xf32>
    %get3A_1712 = arith.constant 65 : index
    %get3A_1713 = arith.constant 0 : index
    %get3A_1714 = vector.load %arg3[%get3A_1712, %get3A_1713] : memref<128x200xf32, #tpu.memory_space<vmem>>, vector<1x200xf32>
    %broadcast_in_dim3A_1715 = vector.shape_cast %get3A_1714 : vector<1x200xf32> to vector<1x200xf32>
    %broadcast_in_dim3A_1716 = vector.broadcast %broadcast_in_dim3A_1715 : vector<1x200xf32> to vector<64x200xf32>
    %mul3A_1717 = vector.broadcast %get3A_11 : vector<64x1xf32> to vector<64x200xf32>
    %mul3A_1718 = arith.mulf %broadcast_in_dim3A_1706, %mul3A_1717 : vector<64x200xf32>
    %mul3A_1719 = vector.broadcast %get3A_14 : vector<64x1xf32> to vector<64x200xf32>
    %mul3A_1720 = arith.mulf %broadcast_in_dim3A_1711, %mul3A_1719 : vector<64x200xf32>
    %add3A_1721 = arith.addf %mul3A_1718, %mul3A_1720 : vector<64x200xf32>
    %add3A_1722 = vector.broadcast %add3A_8 : vector<64x1xf32> to vector<64x200xf32>
    %add3A_1723 = arith.addf %add3A_1721, %add3A_1722 : vector<64x200xf32>
    %mul3A_1724 = arith.mulf %add3A_1723, %broadcast_in_dim3A_1716 : vector<64x200xf32>
    %swap3A_1725 = arith.constant 4160 : index
    %swap3A_1726 = arith.constant 0 : index
    %swap3A_1727 = vector.load %arg9[%swap3A_1725, %swap3A_1726] : memref<8192x200xf32, #tpu.memory_space<vmem>>, vector<64x200xf32>
    tpu.vector_store %arg9[%swap3A_1725, %swap3A_1726], %mul3A_1724 {strides = array<i32>} : memref<8192x200xf32, #tpu.memory_space<vmem>>, vector<64x200xf32>,
    %get3A_1728 = arith.constant 66 : index
    %get3A_1729 = arith.constant 0 : index
    %get3A_1730 = vector.load %arg1[%get3A_1728, %get3A_1729] : memref<128x200xf32, #tpu.memory_space<vmem>>, vector<1x200xf32>
    %broadcast_in_dim3A_1731 = vector.shape_cast %get3A_1730 : vector<1x200xf32> to vector<1x200xf32>
    %broadcast_in_dim3A_1732 = vector.broadcast %broadcast_in_dim3A_1731 : vector<1x200xf32> to vector<64x200xf32>
    %get3A_1733 = arith.constant 66 : index
    %get3A_1734 = arith.constant 0 : index
    %get3A_1735 = vector.load %arg2[%get3A_1733, %get3A_1734] : memref<128x200xf32, #tpu.memory_space<vmem>>, vector<1x200xf32>
    %broadcast_in_dim3A_1736 = vector.shape_cast %get3A_1735 : vector<1x200xf32> to vector<1x200xf32>
    %broadcast_in_dim3A_1737 = vector.broadcast %broadcast_in_dim3A_1736 : vector<1x200xf32> to vector<64x200xf32>
    %get3A_1738 = arith.constant 66 : index
    %get3A_1739 = arith.constant 0 : index
    %get3A_1740 = vector.load %arg3[%get3A_1738, %get3A_1739] : memref<128x200xf32, #tpu.memory_space<vmem>>, vector<1x200xf32>
    %broadcast_in_dim3A_1741 = vector.shape_cast %get3A_1740 : vector<1x200xf32> to vector<1x200xf32>
    %broadcast_in_dim3A_1742 = vector.broadcast %broadcast_in_dim3A_1741 : vector<1x200xf32> to vector<64x200xf32>
    %mul3A_1743 = vector.broadcast %get3A_11 : vector<64x1xf32> to vector<64x200xf32>
    %mul3A_1744 = arith.mulf %broadcast_in_dim3A_1732, %mul3A_1743 : vector<64x200xf32>
    %mul3A_1745 = vector.broadcast %get3A_14 : vector<64x1xf32> to vector<64x200xf32>
    %mul3A_1746 = arith.mulf %broadcast_in_dim3A_1737, %mul3A_1745 : vector<64x200xf32>
    %add3A_1747 = arith.addf %mul3A_1744, %mul3A_1746 : vector<64x200xf32>
    %add3A_1748 = vector.broadcast %add3A_8 : vector<64x1xf32> to vector<64x200xf32>
    %add3A_1749 = arith.addf %add3A_1747, %add3A_1748 : vector<64x200xf32>
    %mul3A_1750 = arith.mulf %add3A_1749, %broadcast_in_dim3A_1742 : vector<64x200xf32>
    %swap3A_1751 = arith.constant 4224 : index
    %swap3A_1752 = arith.constant 0 : index
    %swap3A_1753 = vector.load %arg9[%swap3A_1751, %swap3A_1752] : memref<8192x200xf32, #tpu.memory_space<vmem>>, vector<64x200xf32>
    tpu.vector_store %arg9[%swap3A_1751, %swap3A_1752], %mul3A_1750 {strides = array<i32>} : memref<8192x200xf32, #tpu.memory_space<vmem>>, vector<64x200xf32>,
    %get3A_1754 = arith.constant 67 : index
    %get3A_1755 = arith.constant 0 : index
    %get3A_1756 = vector.load %arg1[%get3A_1754, %get3A_1755] : memref<128x200xf32, #tpu.memory_space<vmem>>, vector<1x200xf32>
    %broadcast_in_dim3A_1757 = vector.shape_cast %get3A_1756 : vector<1x200xf32> to vector<1x200xf32>
    %broadcast_in_dim3A_1758 = vector.broadcast %broadcast_in_dim3A_1757 : vector<1x200xf32> to vector<64x200xf32>
    %get3A_1759 = arith.constant 67 : index
    %get3A_1760 = arith.constant 0 : index
    %get3A_1761 = vector.load %arg2[%get3A_1759, %get3A_1760] : memref<128x200xf32, #tpu.memory_space<vmem>>, vector<1x200xf32>
    %broadcast_in_dim3A_1762 = vector.shape_cast %get3A_1761 : vector<1x200xf32> to vector<1x200xf32>
    %broadcast_in_dim3A_1763 = vector.broadcast %broadcast_in_dim3A_1762 : vector<1x200xf32> to vector<64x200xf32>
    %get3A_1764 = arith.constant 67 : index
    %get3A_1765 = arith.constant 0 : index
    %get3A_1766 = vector.load %arg3[%get3A_1764, %get3A_1765] : memref<128x200xf32, #tpu.memory_space<vmem>>, vector<1x200xf32>
    %broadcast_in_dim3A_1767 = vector.shape_cast %get3A_1766 : vector<1x200xf32> to vector<1x200xf32>
    %broadcast_in_dim3A_1768 = vector.broadcast %broadcast_in_dim3A_1767 : vector<1x200xf32> to vector<64x200xf32>
    %mul3A_1769 = vector.broadcast %get3A_11 : vector<64x1xf32> to vector<64x200xf32>
    %mul3A_1770 = arith.mulf %broadcast_in_dim3A_1758, %mul3A_1769 : vector<64x200xf32>
    %mul3A_1771 = vector.broadcast %get3A_14 : vector<64x1xf32> to vector<64x200xf32>
    %mul3A_1772 = arith.mulf %broadcast_in_dim3A_1763, %mul3A_1771 : vector<64x200xf32>
    %add3A_1773 = arith.addf %mul3A_1770, %mul3A_1772 : vector<64x200xf32>
    %add3A_1774 = vector.broadcast %add3A_8 : vector<64x1xf32> to vector<64x200xf32>
    %add3A_1775 = arith.addf %add3A_1773, %add3A_1774 : vector<64x200xf32>
    %mul3A_1776 = arith.mulf %add3A_1775, %broadcast_in_dim3A_1768 : vector<64x200xf32>
    %swap3A_1777 = arith.constant 4288 : index
    %swap3A_1778 = arith.constant 0 : index
    %swap3A_1779 = vector.load %arg9[%swap3A_1777, %swap3A_1778] : memref<8192x200xf32, #tpu.memory_space<vmem>>, vector<64x200xf32>
    tpu.vector_store %arg9[%swap3A_1777, %swap3A_1778], %mul3A_1776 {strides = array<i32>} : memref<8192x200xf32, #tpu.memory_space<vmem>>, vector<64x200xf32>,
    %get3A_1780 = arith.constant 68 : index
    %get3A_1781 = arith.constant 0 : index
    %get3A_1782 = vector.load %arg1[%get3A_1780, %get3A_1781] : memref<128x200xf32, #tpu.memory_space<vmem>>, vector<1x200xf32>
    %broadcast_in_dim3A_1783 = vector.shape_cast %get3A_1782 : vector<1x200xf32> to vector<1x200xf32>
    %broadcast_in_dim3A_1784 = vector.broadcast %broadcast_in_dim3A_1783 : vector<1x200xf32> to vector<64x200xf32>
    %get3A_1785 = arith.constant 68 : index
    %get3A_1786 = arith.constant 0 : index
    %get3A_1787 = vector.load %arg2[%get3A_1785, %get3A_1786] : memref<128x200xf32, #tpu.memory_space<vmem>>, vector<1x200xf32>
    %broadcast_in_dim3A_1788 = vector.shape_cast %get3A_1787 : vector<1x200xf32> to vector<1x200xf32>
    %broadcast_in_dim3A_1789 = vector.broadcast %broadcast_in_dim3A_1788 : vector<1x200xf32> to vector<64x200xf32>
    %get3A_1790 = arith.constant 68 : index
    %get3A_1791 = arith.constant 0 : index
    %get3A_1792 = vector.load %arg3[%get3A_1790, %get3A_1791] : memref<128x200xf32, #tpu.memory_space<vmem>>, vector<1x200xf32>
    %broadcast_in_dim3A_1793 = vector.shape_cast %get3A_1792 : vector<1x200xf32> to vector<1x200xf32>
    %broadcast_in_dim3A_1794 = vector.broadcast %broadcast_in_dim3A_1793 : vector<1x200xf32> to vector<64x200xf32>
    %mul3A_1795 = vector.broadcast %get3A_11 : vector<64x1xf32> to vector<64x200xf32>
    %mul3A_1796 = arith.mulf %broadcast_in_dim3A_1784, %mul3A_1795 : vector<64x200xf32>
    %mul3A_1797 = vector.broadcast %get3A_14 : vector<64x1xf32> to vector<64x200xf32>
    %mul3A_1798 = arith.mulf %broadcast_in_dim3A_1789, %mul3A_1797 : vector<64x200xf32>
    %add3A_1799 = arith.addf %mul3A_1796, %mul3A_1798 : vector<64x200xf32>
    %add3A_1800 = vector.broadcast %add3A_8 : vector<64x1xf32> to vector<64x200xf32>
    %add3A_1801 = arith.addf %add3A_1799, %add3A_1800 : vector<64x200xf32>
    %mul3A_1802 = arith.mulf %add3A_1801, %broadcast_in_dim3A_1794 : vector<64x200xf32>
    %swap3A_1803 = arith.constant 4352 : index
    %swap3A_1804 = arith.constant 0 : index
    %swap3A_1805 = vector.load %arg9[%swap3A_1803, %swap3A_1804] : memref<8192x200xf32, #tpu.memory_space<vmem>>, vector<64x200xf32>
    tpu.vector_store %arg9[%swap3A_1803, %swap3A_1804], %mul3A_1802 {strides = array<i32>} : memref<8192x200xf32, #tpu.memory_space<vmem>>, vector<64x200xf32>,
    %get3A_1806 = arith.constant 69 : index
    %get3A_1807 = arith.constant 0 : index
    %get3A_1808 = vector.load %arg1[%get3A_1806, %get3A_1807] : memref<128x200xf32, #tpu.memory_space<vmem>>, vector<1x200xf32>
    %broadcast_in_dim3A_1809 = vector.shape_cast %get3A_1808 : vector<1x200xf32> to vector<1x200xf32>
    %broadcast_in_dim3A_1810 = vector.broadcast %broadcast_in_dim3A_1809 : vector<1x200xf32> to vector<64x200xf32>
    %get3A_1811 = arith.constant 69 : index
    %get3A_1812 = arith.constant 0 : index
    %get3A_1813 = vector.load %arg2[%get3A_1811, %get3A_1812] : memref<128x200xf32, #tpu.memory_space<vmem>>, vector<1x200xf32>
    %broadcast_in_dim3A_1814 = vector.shape_cast %get3A_1813 : vector<1x200xf32> to vector<1x200xf32>
    %broadcast_in_dim3A_1815 = vector.broadcast %broadcast_in_dim3A_1814 : vector<1x200xf32> to vector<64x200xf32>
    %get3A_1816 = arith.constant 69 : index
    %get3A_1817 = arith.constant 0 : index
    %get3A_1818 = vector.load %arg3[%get3A_1816, %get3A_1817] : memref<128x200xf32, #tpu.memory_space<vmem>>, vector<1x200xf32>
    %broadcast_in_dim3A_1819 = vector.shape_cast %get3A_1818 : vector<1x200xf32> to vector<1x200xf32>
    %broadcast_in_dim3A_1820 = vector.broadcast %broadcast_in_dim3A_1819 : vector<1x200xf32> to vector<64x200xf32>
    %mul3A_1821 = vector.broadcast %get3A_11 : vector<64x1xf32> to vector<64x200xf32>
    %mul3A_1822 = arith.mulf %broadcast_in_dim3A_1810, %mul3A_1821 : vector<64x200xf32>
    %mul3A_1823 = vector.broadcast %get3A_14 : vector<64x1xf32> to vector<64x200xf32>
    %mul3A_1824 = arith.mulf %broadcast_in_dim3A_1815, %mul3A_1823 : vector<64x200xf32>
    %add3A_1825 = arith.addf %mul3A_1822, %mul3A_1824 : vector<64x200xf32>
    %add3A_1826 = vector.broadcast %add3A_8 : vector<64x1xf32> to vector<64x200xf32>
    %add3A_1827 = arith.addf %add3A_1825, %add3A_1826 : vector<64x200xf32>
    %mul3A_1828 = arith.mulf %add3A_1827, %broadcast_in_dim3A_1820 : vector<64x200xf32>
    %swap3A_1829 = arith.constant 4416 : index
    %swap3A_1830 = arith.constant 0 : index
    %swap3A_1831 = vector.load %arg9[%swap3A_1829, %swap3A_1830] : memref<8192x200xf32, #tpu.memory_space<vmem>>, vector<64x200xf32>
    tpu.vector_store %arg9[%swap3A_1829, %swap3A_1830], %mul3A_1828 {strides = array<i32>} : memref<8192x200xf32, #tpu.memory_space<vmem>>, vector<64x200xf32>,
    %get3A_1832 = arith.constant 70 : index
    %get3A_1833 = arith.constant 0 : index
    %get3A_1834 = vector.load %arg1[%get3A_1832, %get3A_1833] : memref<128x200xf32, #tpu.memory_space<vmem>>, vector<1x200xf32>
    %broadcast_in_dim3A_1835 = vector.shape_cast %get3A_1834 : vector<1x200xf32> to vector<1x200xf32>
    %broadcast_in_dim3A_1836 = vector.broadcast %broadcast_in_dim3A_1835 : vector<1x200xf32> to vector<64x200xf32>
    %get3A_1837 = arith.constant 70 : index
    %get3A_1838 = arith.constant 0 : index
    %get3A_1839 = vector.load %arg2[%get3A_1837, %get3A_1838] : memref<128x200xf32, #tpu.memory_space<vmem>>, vector<1x200xf32>
    %broadcast_in_dim3A_1840 = vector.shape_cast %get3A_1839 : vector<1x200xf32> to vector<1x200xf32>
    %broadcast_in_dim3A_1841 = vector.broadcast %broadcast_in_dim3A_1840 : vector<1x200xf32> to vector<64x200xf32>
    %get3A_1842 = arith.constant 70 : index
    %get3A_1843 = arith.constant 0 : index
    %get3A_1844 = vector.load %arg3[%get3A_1842, %get3A_1843] : memref<128x200xf32, #tpu.memory_space<vmem>>, vector<1x200xf32>
    %broadcast_in_dim3A_1845 = vector.shape_cast %get3A_1844 : vector<1x200xf32> to vector<1x200xf32>
    %broadcast_in_dim3A_1846 = vector.broadcast %broadcast_in_dim3A_1845 : vector<1x200xf32> to vector<64x200xf32>
    %mul3A_1847 = vector.broadcast %get3A_11 : vector<64x1xf32> to vector<64x200xf32>
    %mul3A_1848 = arith.mulf %broadcast_in_dim3A_1836, %mul3A_1847 : vector<64x200xf32>
    %mul3A_1849 = vector.broadcast %get3A_14 : vector<64x1xf32> to vector<64x200xf32>
    %mul3A_1850 = arith.mulf %broadcast_in_dim3A_1841, %mul3A_1849 : vector<64x200xf32>
    %add3A_1851 = arith.addf %mul3A_1848, %mul3A_1850 : vector<64x200xf32>
    %add3A_1852 = vector.broadcast %add3A_8 : vector<64x1xf32> to vector<64x200xf32>
    %add3A_1853 = arith.addf %add3A_1851, %add3A_1852 : vector<64x200xf32>
    %mul3A_1854 = arith.mulf %add3A_1853, %broadcast_in_dim3A_1846 : vector<64x200xf32>
    %swap3A_1855 = arith.constant 4480 : index
    %swap3A_1856 = arith.constant 0 : index
    %swap3A_1857 = vector.load %arg9[%swap3A_1855, %swap3A_1856] : memref<8192x200xf32, #tpu.memory_space<vmem>>, vector<64x200xf32>
    tpu.vector_store %arg9[%swap3A_1855, %swap3A_1856], %mul3A_1854 {strides = array<i32>} : memref<8192x200xf32, #tpu.memory_space<vmem>>, vector<64x200xf32>,
    %get3A_1858 = arith.constant 71 : index
    %get3A_1859 = arith.constant 0 : index
    %get3A_1860 = vector.load %arg1[%get3A_1858, %get3A_1859] : memref<128x200xf32, #tpu.memory_space<vmem>>, vector<1x200xf32>
    %broadcast_in_dim3A_1861 = vector.shape_cast %get3A_1860 : vector<1x200xf32> to vector<1x200xf32>
    %broadcast_in_dim3A_1862 = vector.broadcast %broadcast_in_dim3A_1861 : vector<1x200xf32> to vector<64x200xf32>
    %get3A_1863 = arith.constant 71 : index
    %get3A_1864 = arith.constant 0 : index
    %get3A_1865 = vector.load %arg2[%get3A_1863, %get3A_1864] : memref<128x200xf32, #tpu.memory_space<vmem>>, vector<1x200xf32>
    %broadcast_in_dim3A_1866 = vector.shape_cast %get3A_1865 : vector<1x200xf32> to vector<1x200xf32>
    %broadcast_in_dim3A_1867 = vector.broadcast %broadcast_in_dim3A_1866 : vector<1x200xf32> to vector<64x200xf32>
    %get3A_1868 = arith.constant 71 : index
    %get3A_1869 = arith.constant 0 : index
    %get3A_1870 = vector.load %arg3[%get3A_1868, %get3A_1869] : memref<128x200xf32, #tpu.memory_space<vmem>>, vector<1x200xf32>
    %broadcast_in_dim3A_1871 = vector.shape_cast %get3A_1870 : vector<1x200xf32> to vector<1x200xf32>
    %broadcast_in_dim3A_1872 = vector.broadcast %broadcast_in_dim3A_1871 : vector<1x200xf32> to vector<64x200xf32>
    %mul3A_1873 = vector.broadcast %get3A_11 : vector<64x1xf32> to vector<64x200xf32>
    %mul3A_1874 = arith.mulf %broadcast_in_dim3A_1862, %mul3A_1873 : vector<64x200xf32>
    %mul3A_1875 = vector.broadcast %get3A_14 : vector<64x1xf32> to vector<64x200xf32>
    %mul3A_1876 = arith.mulf %broadcast_in_dim3A_1867, %mul3A_1875 : vector<64x200xf32>
    %add3A_1877 = arith.addf %mul3A_1874, %mul3A_1876 : vector<64x200xf32>
    %add3A_1878 = vector.broadcast %add3A_8 : vector<64x1xf32> to vector<64x200xf32>
    %add3A_1879 = arith.addf %add3A_1877, %add3A_1878 : vector<64x200xf32>
    %mul3A_1880 = arith.mulf %add3A_1879, %broadcast_in_dim3A_1872 : vector<64x200xf32>
    %swap3A_1881 = arith.constant 4544 : index
    %swap3A_1882 = arith.constant 0 : index
    %swap3A_1883 = vector.load %arg9[%swap3A_1881, %swap3A_1882] : memref<8192x200xf32, #tpu.memory_space<vmem>>, vector<64x200xf32>
    tpu.vector_store %arg9[%swap3A_1881, %swap3A_1882], %mul3A_1880 {strides = array<i32>} : memref<8192x200xf32, #tpu.memory_space<vmem>>, vector<64x200xf32>,
    %get3A_1884 = arith.constant 72 : index
    %get3A_1885 = arith.constant 0 : index
    %get3A_1886 = vector.load %arg1[%get3A_1884, %get3A_1885] : memref<128x200xf32, #tpu.memory_space<vmem>>, vector<1x200xf32>
    %broadcast_in_dim3A_1887 = vector.shape_cast %get3A_1886 : vector<1x200xf32> to vector<1x200xf32>
    %broadcast_in_dim3A_1888 = vector.broadcast %broadcast_in_dim3A_1887 : vector<1x200xf32> to vector<64x200xf32>
    %get3A_1889 = arith.constant 72 : index
    %get3A_1890 = arith.constant 0 : index
    %get3A_1891 = vector.load %arg2[%get3A_1889, %get3A_1890] : memref<128x200xf32, #tpu.memory_space<vmem>>, vector<1x200xf32>
    %broadcast_in_dim3A_1892 = vector.shape_cast %get3A_1891 : vector<1x200xf32> to vector<1x200xf32>
    %broadcast_in_dim3A_1893 = vector.broadcast %broadcast_in_dim3A_1892 : vector<1x200xf32> to vector<64x200xf32>
    %get3A_1894 = arith.constant 72 : index
    %get3A_1895 = arith.constant 0 : index
    %get3A_1896 = vector.load %arg3[%get3A_1894, %get3A_1895] : memref<128x200xf32, #tpu.memory_space<vmem>>, vector<1x200xf32>
    %broadcast_in_dim3A_1897 = vector.shape_cast %get3A_1896 : vector<1x200xf32> to vector<1x200xf32>
    %broadcast_in_dim3A_1898 = vector.broadcast %broadcast_in_dim3A_1897 : vector<1x200xf32> to vector<64x200xf32>
    %mul3A_1899 = vector.broadcast %get3A_11 : vector<64x1xf32> to vector<64x200xf32>
    %mul3A_1900 = arith.mulf %broadcast_in_dim3A_1888, %mul3A_1899 : vector<64x200xf32>
    %mul3A_1901 = vector.broadcast %get3A_14 : vector<64x1xf32> to vector<64x200xf32>
    %mul3A_1902 = arith.mulf %broadcast_in_dim3A_1893, %mul3A_1901 : vector<64x200xf32>
    %add3A_1903 = arith.addf %mul3A_1900, %mul3A_1902 : vector<64x200xf32>
    %add3A_1904 = vector.broadcast %add3A_8 : vector<64x1xf32> to vector<64x200xf32>
    %add3A_1905 = arith.addf %add3A_1903, %add3A_1904 : vector<64x200xf32>
    %mul3A_1906 = arith.mulf %add3A_1905, %broadcast_in_dim3A_1898 : vector<64x200xf32>
    %swap3A_1907 = arith.constant 4608 : index
    %swap3A_1908 = arith.constant 0 : index
    %swap3A_1909 = vector.load %arg9[%swap3A_1907, %swap3A_1908] : memref<8192x200xf32, #tpu.memory_space<vmem>>, vector<64x200xf32>
    tpu.vector_store %arg9[%swap3A_1907, %swap3A_1908], %mul3A_1906 {strides = array<i32>} : memref<8192x200xf32, #tpu.memory_space<vmem>>, vector<64x200xf32>,
    %get3A_1910 = arith.constant 73 : index
    %get3A_1911 = arith.constant 0 : index
    %get3A_1912 = vector.load %arg1[%get3A_1910, %get3A_1911] : memref<128x200xf32, #tpu.memory_space<vmem>>, vector<1x200xf32>
    %broadcast_in_dim3A_1913 = vector.shape_cast %get3A_1912 : vector<1x200xf32> to vector<1x200xf32>
    %broadcast_in_dim3A_1914 = vector.broadcast %broadcast_in_dim3A_1913 : vector<1x200xf32> to vector<64x200xf32>
    %get3A_1915 = arith.constant 73 : index
    %get3A_1916 = arith.constant 0 : index
    %get3A_1917 = vector.load %arg2[%get3A_1915, %get3A_1916] : memref<128x200xf32, #tpu.memory_space<vmem>>, vector<1x200xf32>
    %broadcast_in_dim3A_1918 = vector.shape_cast %get3A_1917 : vector<1x200xf32> to vector<1x200xf32>
    %broadcast_in_dim3A_1919 = vector.broadcast %broadcast_in_dim3A_1918 : vector<1x200xf32> to vector<64x200xf32>
    %get3A_1920 = arith.constant 73 : index
    %get3A_1921 = arith.constant 0 : index
    %get3A_1922 = vector.load %arg3[%get3A_1920, %get3A_1921] : memref<128x200xf32, #tpu.memory_space<vmem>>, vector<1x200xf32>
    %broadcast_in_dim3A_1923 = vector.shape_cast %get3A_1922 : vector<1x200xf32> to vector<1x200xf32>
    %broadcast_in_dim3A_1924 = vector.broadcast %broadcast_in_dim3A_1923 : vector<1x200xf32> to vector<64x200xf32>
    %mul3A_1925 = vector.broadcast %get3A_11 : vector<64x1xf32> to vector<64x200xf32>
    %mul3A_1926 = arith.mulf %broadcast_in_dim3A_1914, %mul3A_1925 : vector<64x200xf32>
    %mul3A_1927 = vector.broadcast %get3A_14 : vector<64x1xf32> to vector<64x200xf32>
    %mul3A_1928 = arith.mulf %broadcast_in_dim3A_1919, %mul3A_1927 : vector<64x200xf32>
    %add3A_1929 = arith.addf %mul3A_1926, %mul3A_1928 : vector<64x200xf32>
    %add3A_1930 = vector.broadcast %add3A_8 : vector<64x1xf32> to vector<64x200xf32>
    %add3A_1931 = arith.addf %add3A_1929, %add3A_1930 : vector<64x200xf32>
    %mul3A_1932 = arith.mulf %add3A_1931, %broadcast_in_dim3A_1924 : vector<64x200xf32>
    %swap3A_1933 = arith.constant 4672 : index
    %swap3A_1934 = arith.constant 0 : index
    %swap3A_1935 = vector.load %arg9[%swap3A_1933, %swap3A_1934] : memref<8192x200xf32, #tpu.memory_space<vmem>>, vector<64x200xf32>
    tpu.vector_store %arg9[%swap3A_1933, %swap3A_1934], %mul3A_1932 {strides = array<i32>} : memref<8192x200xf32, #tpu.memory_space<vmem>>, vector<64x200xf32>,
    %get3A_1936 = arith.constant 74 : index
    %get3A_1937 = arith.constant 0 : index
    %get3A_1938 = vector.load %arg1[%get3A_1936, %get3A_1937] : memref<128x200xf32, #tpu.memory_space<vmem>>, vector<1x200xf32>
    %broadcast_in_dim3A_1939 = vector.shape_cast %get3A_1938 : vector<1x200xf32> to vector<1x200xf32>
    %broadcast_in_dim3A_1940 = vector.broadcast %broadcast_in_dim3A_1939 : vector<1x200xf32> to vector<64x200xf32>
    %get3A_1941 = arith.constant 74 : index
    %get3A_1942 = arith.constant 0 : index
    %get3A_1943 = vector.load %arg2[%get3A_1941, %get3A_1942] : memref<128x200xf32, #tpu.memory_space<vmem>>, vector<1x200xf32>
    %broadcast_in_dim3A_1944 = vector.shape_cast %get3A_1943 : vector<1x200xf32> to vector<1x200xf32>
    %broadcast_in_dim3A_1945 = vector.broadcast %broadcast_in_dim3A_1944 : vector<1x200xf32> to vector<64x200xf32>
    %get3A_1946 = arith.constant 74 : index
    %get3A_1947 = arith.constant 0 : index
    %get3A_1948 = vector.load %arg3[%get3A_1946, %get3A_1947] : memref<128x200xf32, #tpu.memory_space<vmem>>, vector<1x200xf32>
    %broadcast_in_dim3A_1949 = vector.shape_cast %get3A_1948 : vector<1x200xf32> to vector<1x200xf32>
    %broadcast_in_dim3A_1950 = vector.broadcast %broadcast_in_dim3A_1949 : vector<1x200xf32> to vector<64x200xf32>
    %mul3A_1951 = vector.broadcast %get3A_11 : vector<64x1xf32> to vector<64x200xf32>
    %mul3A_1952 = arith.mulf %broadcast_in_dim3A_1940, %mul3A_1951 : vector<64x200xf32>
    %mul3A_1953 = vector.broadcast %get3A_14 : vector<64x1xf32> to vector<64x200xf32>
    %mul3A_1954 = arith.mulf %broadcast_in_dim3A_1945, %mul3A_1953 : vector<64x200xf32>
    %add3A_1955 = arith.addf %mul3A_1952, %mul3A_1954 : vector<64x200xf32>
    %add3A_1956 = vector.broadcast %add3A_8 : vector<64x1xf32> to vector<64x200xf32>
    %add3A_1957 = arith.addf %add3A_1955, %add3A_1956 : vector<64x200xf32>
    %mul3A_1958 = arith.mulf %add3A_1957, %broadcast_in_dim3A_1950 : vector<64x200xf32>
    %swap3A_1959 = arith.constant 4736 : index
    %swap3A_1960 = arith.constant 0 : index
    %swap3A_1961 = vector.load %arg9[%swap3A_1959, %swap3A_1960] : memref<8192x200xf32, #tpu.memory_space<vmem>>, vector<64x200xf32>
    tpu.vector_store %arg9[%swap3A_1959, %swap3A_1960], %mul3A_1958 {strides = array<i32>} : memref<8192x200xf32, #tpu.memory_space<vmem>>, vector<64x200xf32>,
    %get3A_1962 = arith.constant 75 : index
    %get3A_1963 = arith.constant 0 : index
    %get3A_1964 = vector.load %arg1[%get3A_1962, %get3A_1963] : memref<128x200xf32, #tpu.memory_space<vmem>>, vector<1x200xf32>
    %broadcast_in_dim3A_1965 = vector.shape_cast %get3A_1964 : vector<1x200xf32> to vector<1x200xf32>
    %broadcast_in_dim3A_1966 = vector.broadcast %broadcast_in_dim3A_1965 : vector<1x200xf32> to vector<64x200xf32>
    %get3A_1967 = arith.constant 75 : index
    %get3A_1968 = arith.constant 0 : index
    %get3A_1969 = vector.load %arg2[%get3A_1967, %get3A_1968] : memref<128x200xf32, #tpu.memory_space<vmem>>, vector<1x200xf32>
    %broadcast_in_dim3A_1970 = vector.shape_cast %get3A_1969 : vector<1x200xf32> to vector<1x200xf32>
    %broadcast_in_dim3A_1971 = vector.broadcast %broadcast_in_dim3A_1970 : vector<1x200xf32> to vector<64x200xf32>
    %get3A_1972 = arith.constant 75 : index
    %get3A_1973 = arith.constant 0 : index
    %get3A_1974 = vector.load %arg3[%get3A_1972, %get3A_1973] : memref<128x200xf32, #tpu.memory_space<vmem>>, vector<1x200xf32>
    %broadcast_in_dim3A_1975 = vector.shape_cast %get3A_1974 : vector<1x200xf32> to vector<1x200xf32>
    %broadcast_in_dim3A_1976 = vector.broadcast %broadcast_in_dim3A_1975 : vector<1x200xf32> to vector<64x200xf32>
    %mul3A_1977 = vector.broadcast %get3A_11 : vector<64x1xf32> to vector<64x200xf32>
    %mul3A_1978 = arith.mulf %broadcast_in_dim3A_1966, %mul3A_1977 : vector<64x200xf32>
    %mul3A_1979 = vector.broadcast %get3A_14 : vector<64x1xf32> to vector<64x200xf32>
    %mul3A_1980 = arith.mulf %broadcast_in_dim3A_1971, %mul3A_1979 : vector<64x200xf32>
    %add3A_1981 = arith.addf %mul3A_1978, %mul3A_1980 : vector<64x200xf32>
    %add3A_1982 = vector.broadcast %add3A_8 : vector<64x1xf32> to vector<64x200xf32>
    %add3A_1983 = arith.addf %add3A_1981, %add3A_1982 : vector<64x200xf32>
    %mul3A_1984 = arith.mulf %add3A_1983, %broadcast_in_dim3A_1976 : vector<64x200xf32>
    %swap3A_1985 = arith.constant 4800 : index
    %swap3A_1986 = arith.constant 0 : index
    %swap3A_1987 = vector.load %arg9[%swap3A_1985, %swap3A_1986] : memref<8192x200xf32, #tpu.memory_space<vmem>>, vector<64x200xf32>
    tpu.vector_store %arg9[%swap3A_1985, %swap3A_1986], %mul3A_1984 {strides = array<i32>} : memref<8192x200xf32, #tpu.memory_space<vmem>>, vector<64x200xf32>,
    %get3A_1988 = arith.constant 76 : index
    %get3A_1989 = arith.constant 0 : index
    %get3A_1990 = vector.load %arg1[%get3A_1988, %get3A_1989] : memref<128x200xf32, #tpu.memory_space<vmem>>, vector<1x200xf32>
    %broadcast_in_dim3A_1991 = vector.shape_cast %get3A_1990 : vector<1x200xf32> to vector<1x200xf32>
    %broadcast_in_dim3A_1992 = vector.broadcast %broadcast_in_dim3A_1991 : vector<1x200xf32> to vector<64x200xf32>
    %get3A_1993 = arith.constant 76 : index
    %get3A_1994 = arith.constant 0 : index
    %get3A_1995 = vector.load %arg2[%get3A_1993, %get3A_1994] : memref<128x200xf32, #tpu.memory_space<vmem>>, vector<1x200xf32>
    %broadcast_in_dim3A_1996 = vector.shape_cast %get3A_1995 : vector<1x200xf32> to vector<1x200xf32>
    %broadcast_in_dim3A_1997 = vector.broadcast %broadcast_in_dim3A_1996 : vector<1x200xf32> to vector<64x200xf32>
    %get3A_1998 = arith.constant 76 : index
    %get3A_1999 = arith.constant 0 : index
    %get3A_2000 = vector.load %arg3[%get3A_1998, %get3A_1999] : memref<128x200xf32, #tpu.memory_space<vmem>>, vector<1x200xf32>
    %broadcast_in_dim3A_2001 = vector.shape_cast %get3A_2000 : vector<1x200xf32> to vector<1x200xf32>
    %broadcast_in_dim3A_2002 = vector.broadcast %broadcast_in_dim3A_2001 : vector<1x200xf32> to vector<64x200xf32>
    %mul3A_2003 = vector.broadcast %get3A_11 : vector<64x1xf32> to vector<64x200xf32>
    %mul3A_2004 = arith.mulf %broadcast_in_dim3A_1992, %mul3A_2003 : vector<64x200xf32>
    %mul3A_2005 = vector.broadcast %get3A_14 : vector<64x1xf32> to vector<64x200xf32>
    %mul3A_2006 = arith.mulf %broadcast_in_dim3A_1997, %mul3A_2005 : vector<64x200xf32>
    %add3A_2007 = arith.addf %mul3A_2004, %mul3A_2006 : vector<64x200xf32>
    %add3A_2008 = vector.broadcast %add3A_8 : vector<64x1xf32> to vector<64x200xf32>
    %add3A_2009 = arith.addf %add3A_2007, %add3A_2008 : vector<64x200xf32>
    %mul3A_2010 = arith.mulf %add3A_2009, %broadcast_in_dim3A_2002 : vector<64x200xf32>
    %swap3A_2011 = arith.constant 4864 : index
    %swap3A_2012 = arith.constant 0 : index
    %swap3A_2013 = vector.load %arg9[%swap3A_2011, %swap3A_2012] : memref<8192x200xf32, #tpu.memory_space<vmem>>, vector<64x200xf32>
    tpu.vector_store %arg9[%swap3A_2011, %swap3A_2012], %mul3A_2010 {strides = array<i32>} : memref<8192x200xf32, #tpu.memory_space<vmem>>, vector<64x200xf32>,
    %get3A_2014 = arith.constant 77 : index
    %get3A_2015 = arith.constant 0 : index
    %get3A_2016 = vector.load %arg1[%get3A_2014, %get3A_2015] : memref<128x200xf32, #tpu.memory_space<vmem>>, vector<1x200xf32>
    %broadcast_in_dim3A_2017 = vector.shape_cast %get3A_2016 : vector<1x200xf32> to vector<1x200xf32>
    %broadcast_in_dim3A_2018 = vector.broadcast %broadcast_in_dim3A_2017 : vector<1x200xf32> to vector<64x200xf32>
    %get3A_2019 = arith.constant 77 : index
    %get3A_2020 = arith.constant 0 : index
    %get3A_2021 = vector.load %arg2[%get3A_2019, %get3A_2020] : memref<128x200xf32, #tpu.memory_space<vmem>>, vector<1x200xf32>
    %broadcast_in_dim3A_2022 = vector.shape_cast %get3A_2021 : vector<1x200xf32> to vector<1x200xf32>
    %broadcast_in_dim3A_2023 = vector.broadcast %broadcast_in_dim3A_2022 : vector<1x200xf32> to vector<64x200xf32>
    %get3A_2024 = arith.constant 77 : index
    %get3A_2025 = arith.constant 0 : index
    %get3A_2026 = vector.load %arg3[%get3A_2024, %get3A_2025] : memref<128x200xf32, #tpu.memory_space<vmem>>, vector<1x200xf32>
    %broadcast_in_dim3A_2027 = vector.shape_cast %get3A_2026 : vector<1x200xf32> to vector<1x200xf32>
    %broadcast_in_dim3A_2028 = vector.broadcast %broadcast_in_dim3A_2027 : vector<1x200xf32> to vector<64x200xf32>
    %mul3A_2029 = vector.broadcast %get3A_11 : vector<64x1xf32> to vector<64x200xf32>
    %mul3A_2030 = arith.mulf %broadcast_in_dim3A_2018, %mul3A_2029 : vector<64x200xf32>
    %mul3A_2031 = vector.broadcast %get3A_14 : vector<64x1xf32> to vector<64x200xf32>
    %mul3A_2032 = arith.mulf %broadcast_in_dim3A_2023, %mul3A_2031 : vector<64x200xf32>
    %add3A_2033 = arith.addf %mul3A_2030, %mul3A_2032 : vector<64x200xf32>
    %add3A_2034 = vector.broadcast %add3A_8 : vector<64x1xf32> to vector<64x200xf32>
    %add3A_2035 = arith.addf %add3A_2033, %add3A_2034 : vector<64x200xf32>
    %mul3A_2036 = arith.mulf %add3A_2035, %broadcast_in_dim3A_2028 : vector<64x200xf32>
    %swap3A_2037 = arith.constant 4928 : index
    %swap3A_2038 = arith.constant 0 : index
    %swap3A_2039 = vector.load %arg9[%swap3A_2037, %swap3A_2038] : memref<8192x200xf32, #tpu.memory_space<vmem>>, vector<64x200xf32>
    tpu.vector_store %arg9[%swap3A_2037, %swap3A_2038], %mul3A_2036 {strides = array<i32>} : memref<8192x200xf32, #tpu.memory_space<vmem>>, vector<64x200xf32>,
    %get3A_2040 = arith.constant 78 : index
    %get3A_2041 = arith.constant 0 : index
    %get3A_2042 = vector.load %arg1[%get3A_2040, %get3A_2041] : memref<128x200xf32, #tpu.memory_space<vmem>>, vector<1x200xf32>
    %broadcast_in_dim3A_2043 = vector.shape_cast %get3A_2042 : vector<1x200xf32> to vector<1x200xf32>
    %broadcast_in_dim3A_2044 = vector.broadcast %broadcast_in_dim3A_2043 : vector<1x200xf32> to vector<64x200xf32>
    %get3A_2045 = arith.constant 78 : index
    %get3A_2046 = arith.constant 0 : index
    %get3A_2047 = vector.load %arg2[%get3A_2045, %get3A_2046] : memref<128x200xf32, #tpu.memory_space<vmem>>, vector<1x200xf32>
    %broadcast_in_dim3A_2048 = vector.shape_cast %get3A_2047 : vector<1x200xf32> to vector<1x200xf32>
    %broadcast_in_dim3A_2049 = vector.broadcast %broadcast_in_dim3A_2048 : vector<1x200xf32> to vector<64x200xf32>
    %get3A_2050 = arith.constant 78 : index
    %get3A_2051 = arith.constant 0 : index
    %get3A_2052 = vector.load %arg3[%get3A_2050, %get3A_2051] : memref<128x200xf32, #tpu.memory_space<vmem>>, vector<1x200xf32>
    %broadcast_in_dim3A_2053 = vector.shape_cast %get3A_2052 : vector<1x200xf32> to vector<1x200xf32>
    %broadcast_in_dim3A_2054 = vector.broadcast %broadcast_in_dim3A_2053 : vector<1x200xf32> to vector<64x200xf32>
    %mul3A_2055 = vector.broadcast %get3A_11 : vector<64x1xf32> to vector<64x200xf32>
    %mul3A_2056 = arith.mulf %broadcast_in_dim3A_2044, %mul3A_2055 : vector<64x200xf32>
    %mul3A_2057 = vector.broadcast %get3A_14 : vector<64x1xf32> to vector<64x200xf32>
    %mul3A_2058 = arith.mulf %broadcast_in_dim3A_2049, %mul3A_2057 : vector<64x200xf32>
    %add3A_2059 = arith.addf %mul3A_2056, %mul3A_2058 : vector<64x200xf32>
    %add3A_2060 = vector.broadcast %add3A_8 : vector<64x1xf32> to vector<64x200xf32>
    %add3A_2061 = arith.addf %add3A_2059, %add3A_2060 : vector<64x200xf32>
    %mul3A_2062 = arith.mulf %add3A_2061, %broadcast_in_dim3A_2054 : vector<64x200xf32>
    %swap3A_2063 = arith.constant 4992 : index
    %swap3A_2064 = arith.constant 0 : index
    %swap3A_2065 = vector.load %arg9[%swap3A_2063, %swap3A_2064] : memref<8192x200xf32, #tpu.memory_space<vmem>>, vector<64x200xf32>
    tpu.vector_store %arg9[%swap3A_2063, %swap3A_2064], %mul3A_2062 {strides = array<i32>} : memref<8192x200xf32, #tpu.memory_space<vmem>>, vector<64x200xf32>,
    %get3A_2066 = arith.constant 79 : index
    %get3A_2067 = arith.constant 0 : index
    %get3A_2068 = vector.load %arg1[%get3A_2066, %get3A_2067] : memref<128x200xf32, #tpu.memory_space<vmem>>, vector<1x200xf32>
    %broadcast_in_dim3A_2069 = vector.shape_cast %get3A_2068 : vector<1x200xf32> to vector<1x200xf32>
    %broadcast_in_dim3A_2070 = vector.broadcast %broadcast_in_dim3A_2069 : vector<1x200xf32> to vector<64x200xf32>
    %get3A_2071 = arith.constant 79 : index
    %get3A_2072 = arith.constant 0 : index
    %get3A_2073 = vector.load %arg2[%get3A_2071, %get3A_2072] : memref<128x200xf32, #tpu.memory_space<vmem>>, vector<1x200xf32>
    %broadcast_in_dim3A_2074 = vector.shape_cast %get3A_2073 : vector<1x200xf32> to vector<1x200xf32>
    %broadcast_in_dim3A_2075 = vector.broadcast %broadcast_in_dim3A_2074 : vector<1x200xf32> to vector<64x200xf32>
    %get3A_2076 = arith.constant 79 : index
    %get3A_2077 = arith.constant 0 : index
    %get3A_2078 = vector.load %arg3[%get3A_2076, %get3A_2077] : memref<128x200xf32, #tpu.memory_space<vmem>>, vector<1x200xf32>
    %broadcast_in_dim3A_2079 = vector.shape_cast %get3A_2078 : vector<1x200xf32> to vector<1x200xf32>
    %broadcast_in_dim3A_2080 = vector.broadcast %broadcast_in_dim3A_2079 : vector<1x200xf32> to vector<64x200xf32>
    %mul3A_2081 = vector.broadcast %get3A_11 : vector<64x1xf32> to vector<64x200xf32>
    %mul3A_2082 = arith.mulf %broadcast_in_dim3A_2070, %mul3A_2081 : vector<64x200xf32>
    %mul3A_2083 = vector.broadcast %get3A_14 : vector<64x1xf32> to vector<64x200xf32>
    %mul3A_2084 = arith.mulf %broadcast_in_dim3A_2075, %mul3A_2083 : vector<64x200xf32>
    %add3A_2085 = arith.addf %mul3A_2082, %mul3A_2084 : vector<64x200xf32>
    %add3A_2086 = vector.broadcast %add3A_8 : vector<64x1xf32> to vector<64x200xf32>
    %add3A_2087 = arith.addf %add3A_2085, %add3A_2086 : vector<64x200xf32>
    %mul3A_2088 = arith.mulf %add3A_2087, %broadcast_in_dim3A_2080 : vector<64x200xf32>
    %swap3A_2089 = arith.constant 5056 : index
    %swap3A_2090 = arith.constant 0 : index
    %swap3A_2091 = vector.load %arg9[%swap3A_2089, %swap3A_2090] : memref<8192x200xf32, #tpu.memory_space<vmem>>, vector<64x200xf32>
    tpu.vector_store %arg9[%swap3A_2089, %swap3A_2090], %mul3A_2088 {strides = array<i32>} : memref<8192x200xf32, #tpu.memory_space<vmem>>, vector<64x200xf32>,
    %get3A_2092 = arith.constant 80 : index
    %get3A_2093 = arith.constant 0 : index
    %get3A_2094 = vector.load %arg1[%get3A_2092, %get3A_2093] : memref<128x200xf32, #tpu.memory_space<vmem>>, vector<1x200xf32>
    %broadcast_in_dim3A_2095 = vector.shape_cast %get3A_2094 : vector<1x200xf32> to vector<1x200xf32>
    %broadcast_in_dim3A_2096 = vector.broadcast %broadcast_in_dim3A_2095 : vector<1x200xf32> to vector<64x200xf32>
    %get3A_2097 = arith.constant 80 : index
    %get3A_2098 = arith.constant 0 : index
    %get3A_2099 = vector.load %arg2[%get3A_2097, %get3A_2098] : memref<128x200xf32, #tpu.memory_space<vmem>>, vector<1x200xf32>
    %broadcast_in_dim3A_2100 = vector.shape_cast %get3A_2099 : vector<1x200xf32> to vector<1x200xf32>
    %broadcast_in_dim3A_2101 = vector.broadcast %broadcast_in_dim3A_2100 : vector<1x200xf32> to vector<64x200xf32>
    %get3A_2102 = arith.constant 80 : index
    %get3A_2103 = arith.constant 0 : index
    %get3A_2104 = vector.load %arg3[%get3A_2102, %get3A_2103] : memref<128x200xf32, #tpu.memory_space<vmem>>, vector<1x200xf32>
    %broadcast_in_dim3A_2105 = vector.shape_cast %get3A_2104 : vector<1x200xf32> to vector<1x200xf32>
    %broadcast_in_dim3A_2106 = vector.broadcast %broadcast_in_dim3A_2105 : vector<1x200xf32> to vector<64x200xf32>
    %mul3A_2107 = vector.broadcast %get3A_11 : vector<64x1xf32> to vector<64x200xf32>
    %mul3A_2108 = arith.mulf %broadcast_in_dim3A_2096, %mul3A_2107 : vector<64x200xf32>
    %mul3A_2109 = vector.broadcast %get3A_14 : vector<64x1xf32> to vector<64x200xf32>
    %mul3A_2110 = arith.mulf %broadcast_in_dim3A_2101, %mul3A_2109 : vector<64x200xf32>
    %add3A_2111 = arith.addf %mul3A_2108, %mul3A_2110 : vector<64x200xf32>
    %add3A_2112 = vector.broadcast %add3A_8 : vector<64x1xf32> to vector<64x200xf32>
    %add3A_2113 = arith.addf %add3A_2111, %add3A_2112 : vector<64x200xf32>
    %mul3A_2114 = arith.mulf %add3A_2113, %broadcast_in_dim3A_2106 : vector<64x200xf32>
    %swap3A_2115 = arith.constant 5120 : index
    %swap3A_2116 = arith.constant 0 : index
    %swap3A_2117 = vector.load %arg9[%swap3A_2115, %swap3A_2116] : memref<8192x200xf32, #tpu.memory_space<vmem>>, vector<64x200xf32>
    tpu.vector_store %arg9[%swap3A_2115, %swap3A_2116], %mul3A_2114 {strides = array<i32>} : memref<8192x200xf32, #tpu.memory_space<vmem>>, vector<64x200xf32>,
    %get3A_2118 = arith.constant 81 : index
    %get3A_2119 = arith.constant 0 : index
    %get3A_2120 = vector.load %arg1[%get3A_2118, %get3A_2119] : memref<128x200xf32, #tpu.memory_space<vmem>>, vector<1x200xf32>
    %broadcast_in_dim3A_2121 = vector.shape_cast %get3A_2120 : vector<1x200xf32> to vector<1x200xf32>
    %broadcast_in_dim3A_2122 = vector.broadcast %broadcast_in_dim3A_2121 : vector<1x200xf32> to vector<64x200xf32>
    %get3A_2123 = arith.constant 81 : index
    %get3A_2124 = arith.constant 0 : index
    %get3A_2125 = vector.load %arg2[%get3A_2123, %get3A_2124] : memref<128x200xf32, #tpu.memory_space<vmem>>, vector<1x200xf32>
    %broadcast_in_dim3A_2126 = vector.shape_cast %get3A_2125 : vector<1x200xf32> to vector<1x200xf32>
    %broadcast_in_dim3A_2127 = vector.broadcast %broadcast_in_dim3A_2126 : vector<1x200xf32> to vector<64x200xf32>
    %get3A_2128 = arith.constant 81 : index
    %get3A_2129 = arith.constant 0 : index
    %get3A_2130 = vector.load %arg3[%get3A_2128, %get3A_2129] : memref<128x200xf32, #tpu.memory_space<vmem>>, vector<1x200xf32>
    %broadcast_in_dim3A_2131 = vector.shape_cast %get3A_2130 : vector<1x200xf32> to vector<1x200xf32>
    %broadcast_in_dim3A_2132 = vector.broadcast %broadcast_in_dim3A_2131 : vector<1x200xf32> to vector<64x200xf32>
    %mul3A_2133 = vector.broadcast %get3A_11 : vector<64x1xf32> to vector<64x200xf32>
    %mul3A_2134 = arith.mulf %broadcast_in_dim3A_2122, %mul3A_2133 : vector<64x200xf32>
    %mul3A_2135 = vector.broadcast %get3A_14 : vector<64x1xf32> to vector<64x200xf32>
    %mul3A_2136 = arith.mulf %broadcast_in_dim3A_2127, %mul3A_2135 : vector<64x200xf32>
    %add3A_2137 = arith.addf %mul3A_2134, %mul3A_2136 : vector<64x200xf32>
    %add3A_2138 = vector.broadcast %add3A_8 : vector<64x1xf32> to vector<64x200xf32>
    %add3A_2139 = arith.addf %add3A_2137, %add3A_2138 : vector<64x200xf32>
    %mul3A_2140 = arith.mulf %add3A_2139, %broadcast_in_dim3A_2132 : vector<64x200xf32>
    %swap3A_2141 = arith.constant 5184 : index
    %swap3A_2142 = arith.constant 0 : index
    %swap3A_2143 = vector.load %arg9[%swap3A_2141, %swap3A_2142] : memref<8192x200xf32, #tpu.memory_space<vmem>>, vector<64x200xf32>
    tpu.vector_store %arg9[%swap3A_2141, %swap3A_2142], %mul3A_2140 {strides = array<i32>} : memref<8192x200xf32, #tpu.memory_space<vmem>>, vector<64x200xf32>,
    %get3A_2144 = arith.constant 82 : index
    %get3A_2145 = arith.constant 0 : index
    %get3A_2146 = vector.load %arg1[%get3A_2144, %get3A_2145] : memref<128x200xf32, #tpu.memory_space<vmem>>, vector<1x200xf32>
    %broadcast_in_dim3A_2147 = vector.shape_cast %get3A_2146 : vector<1x200xf32> to vector<1x200xf32>
    %broadcast_in_dim3A_2148 = vector.broadcast %broadcast_in_dim3A_2147 : vector<1x200xf32> to vector<64x200xf32>
    %get3A_2149 = arith.constant 82 : index
    %get3A_2150 = arith.constant 0 : index
    %get3A_2151 = vector.load %arg2[%get3A_2149, %get3A_2150] : memref<128x200xf32, #tpu.memory_space<vmem>>, vector<1x200xf32>
    %broadcast_in_dim3A_2152 = vector.shape_cast %get3A_2151 : vector<1x200xf32> to vector<1x200xf32>
    %broadcast_in_dim3A_2153 = vector.broadcast %broadcast_in_dim3A_2152 : vector<1x200xf32> to vector<64x200xf32>
    %get3A_2154 = arith.constant 82 : index
    %get3A_2155 = arith.constant 0 : index
    %get3A_2156 = vector.load %arg3[%get3A_2154, %get3A_2155] : memref<128x200xf32, #tpu.memory_space<vmem>>, vector<1x200xf32>
    %broadcast_in_dim3A_2157 = vector.shape_cast %get3A_2156 : vector<1x200xf32> to vector<1x200xf32>
    %broadcast_in_dim3A_2158 = vector.broadcast %broadcast_in_dim3A_2157 : vector<1x200xf32> to vector<64x200xf32>
    %mul3A_2159 = vector.broadcast %get3A_11 : vector<64x1xf32> to vector<64x200xf32>
    %mul3A_2160 = arith.mulf %broadcast_in_dim3A_2148, %mul3A_2159 : vector<64x200xf32>
    %mul3A_2161 = vector.broadcast %get3A_14 : vector<64x1xf32> to vector<64x200xf32>
    %mul3A_2162 = arith.mulf %broadcast_in_dim3A_2153, %mul3A_2161 : vector<64x200xf32>
    %add3A_2163 = arith.addf %mul3A_2160, %mul3A_2162 : vector<64x200xf32>
    %add3A_2164 = vector.broadcast %add3A_8 : vector<64x1xf32> to vector<64x200xf32>
    %add3A_2165 = arith.addf %add3A_2163, %add3A_2164 : vector<64x200xf32>
    %mul3A_2166 = arith.mulf %add3A_2165, %broadcast_in_dim3A_2158 : vector<64x200xf32>
    %swap3A_2167 = arith.constant 5248 : index
    %swap3A_2168 = arith.constant 0 : index
    %swap3A_2169 = vector.load %arg9[%swap3A_2167, %swap3A_2168] : memref<8192x200xf32, #tpu.memory_space<vmem>>, vector<64x200xf32>
    tpu.vector_store %arg9[%swap3A_2167, %swap3A_2168], %mul3A_2166 {strides = array<i32>} : memref<8192x200xf32, #tpu.memory_space<vmem>>, vector<64x200xf32>,
    %get3A_2170 = arith.constant 83 : index
    %get3A_2171 = arith.constant 0 : index
    %get3A_2172 = vector.load %arg1[%get3A_2170, %get3A_2171] : memref<128x200xf32, #tpu.memory_space<vmem>>, vector<1x200xf32>
    %broadcast_in_dim3A_2173 = vector.shape_cast %get3A_2172 : vector<1x200xf32> to vector<1x200xf32>
    %broadcast_in_dim3A_2174 = vector.broadcast %broadcast_in_dim3A_2173 : vector<1x200xf32> to vector<64x200xf32>
    %get3A_2175 = arith.constant 83 : index
    %get3A_2176 = arith.constant 0 : index
    %get3A_2177 = vector.load %arg2[%get3A_2175, %get3A_2176] : memref<128x200xf32, #tpu.memory_space<vmem>>, vector<1x200xf32>
    %broadcast_in_dim3A_2178 = vector.shape_cast %get3A_2177 : vector<1x200xf32> to vector<1x200xf32>
    %broadcast_in_dim3A_2179 = vector.broadcast %broadcast_in_dim3A_2178 : vector<1x200xf32> to vector<64x200xf32>
    %get3A_2180 = arith.constant 83 : index
    %get3A_2181 = arith.constant 0 : index
    %get3A_2182 = vector.load %arg3[%get3A_2180, %get3A_2181] : memref<128x200xf32, #tpu.memory_space<vmem>>, vector<1x200xf32>
    %broadcast_in_dim3A_2183 = vector.shape_cast %get3A_2182 : vector<1x200xf32> to vector<1x200xf32>
    %broadcast_in_dim3A_2184 = vector.broadcast %broadcast_in_dim3A_2183 : vector<1x200xf32> to vector<64x200xf32>
    %mul3A_2185 = vector.broadcast %get3A_11 : vector<64x1xf32> to vector<64x200xf32>
    %mul3A_2186 = arith.mulf %broadcast_in_dim3A_2174, %mul3A_2185 : vector<64x200xf32>
    %mul3A_2187 = vector.broadcast %get3A_14 : vector<64x1xf32> to vector<64x200xf32>
    %mul3A_2188 = arith.mulf %broadcast_in_dim3A_2179, %mul3A_2187 : vector<64x200xf32>
    %add3A_2189 = arith.addf %mul3A_2186, %mul3A_2188 : vector<64x200xf32>
    %add3A_2190 = vector.broadcast %add3A_8 : vector<64x1xf32> to vector<64x200xf32>
    %add3A_2191 = arith.addf %add3A_2189, %add3A_2190 : vector<64x200xf32>
    %mul3A_2192 = arith.mulf %add3A_2191, %broadcast_in_dim3A_2184 : vector<64x200xf32>
    %swap3A_2193 = arith.constant 5312 : index
    %swap3A_2194 = arith.constant 0 : index
    %swap3A_2195 = vector.load %arg9[%swap3A_2193, %swap3A_2194] : memref<8192x200xf32, #tpu.memory_space<vmem>>, vector<64x200xf32>
    tpu.vector_store %arg9[%swap3A_2193, %swap3A_2194], %mul3A_2192 {strides = array<i32>} : memref<8192x200xf32, #tpu.memory_space<vmem>>, vector<64x200xf32>,
    %get3A_2196 = arith.constant 84 : index
    %get3A_2197 = arith.constant 0 : index
    %get3A_2198 = vector.load %arg1[%get3A_2196, %get3A_2197] : memref<128x200xf32, #tpu.memory_space<vmem>>, vector<1x200xf32>
    %broadcast_in_dim3A_2199 = vector.shape_cast %get3A_2198 : vector<1x200xf32> to vector<1x200xf32>
    %broadcast_in_dim3A_2200 = vector.broadcast %broadcast_in_dim3A_2199 : vector<1x200xf32> to vector<64x200xf32>
    %get3A_2201 = arith.constant 84 : index
    %get3A_2202 = arith.constant 0 : index
    %get3A_2203 = vector.load %arg2[%get3A_2201, %get3A_2202] : memref<128x200xf32, #tpu.memory_space<vmem>>, vector<1x200xf32>
    %broadcast_in_dim3A_2204 = vector.shape_cast %get3A_2203 : vector<1x200xf32> to vector<1x200xf32>
    %broadcast_in_dim3A_2205 = vector.broadcast %broadcast_in_dim3A_2204 : vector<1x200xf32> to vector<64x200xf32>
    %get3A_2206 = arith.constant 84 : index
    %get3A_2207 = arith.constant 0 : index
    %get3A_2208 = vector.load %arg3[%get3A_2206, %get3A_2207] : memref<128x200xf32, #tpu.memory_space<vmem>>, vector<1x200xf32>
    %broadcast_in_dim3A_2209 = vector.shape_cast %get3A_2208 : vector<1x200xf32> to vector<1x200xf32>
    %broadcast_in_dim3A_2210 = vector.broadcast %broadcast_in_dim3A_2209 : vector<1x200xf32> to vector<64x200xf32>
    %mul3A_2211 = vector.broadcast %get3A_11 : vector<64x1xf32> to vector<64x200xf32>
    %mul3A_2212 = arith.mulf %broadcast_in_dim3A_2200, %mul3A_2211 : vector<64x200xf32>
    %mul3A_2213 = vector.broadcast %get3A_14 : vector<64x1xf32> to vector<64x200xf32>
    %mul3A_2214 = arith.mulf %broadcast_in_dim3A_2205, %mul3A_2213 : vector<64x200xf32>
    %add3A_2215 = arith.addf %mul3A_2212, %mul3A_2214 : vector<64x200xf32>
    %add3A_2216 = vector.broadcast %add3A_8 : vector<64x1xf32> to vector<64x200xf32>
    %add3A_2217 = arith.addf %add3A_2215, %add3A_2216 : vector<64x200xf32>
    %mul3A_2218 = arith.mulf %add3A_2217, %broadcast_in_dim3A_2210 : vector<64x200xf32>
    %swap3A_2219 = arith.constant 5376 : index
    %swap3A_2220 = arith.constant 0 : index
    %swap3A_2221 = vector.load %arg9[%swap3A_2219, %swap3A_2220] : memref<8192x200xf32, #tpu.memory_space<vmem>>, vector<64x200xf32>
    tpu.vector_store %arg9[%swap3A_2219, %swap3A_2220], %mul3A_2218 {strides = array<i32>} : memref<8192x200xf32, #tpu.memory_space<vmem>>, vector<64x200xf32>,
    %get3A_2222 = arith.constant 85 : index
    %get3A_2223 = arith.constant 0 : index
    %get3A_2224 = vector.load %arg1[%get3A_2222, %get3A_2223] : memref<128x200xf32, #tpu.memory_space<vmem>>, vector<1x200xf32>
    %broadcast_in_dim3A_2225 = vector.shape_cast %get3A_2224 : vector<1x200xf32> to vector<1x200xf32>
    %broadcast_in_dim3A_2226 = vector.broadcast %broadcast_in_dim3A_2225 : vector<1x200xf32> to vector<64x200xf32>
    %get3A_2227 = arith.constant 85 : index
    %get3A_2228 = arith.constant 0 : index
    %get3A_2229 = vector.load %arg2[%get3A_2227, %get3A_2228] : memref<128x200xf32, #tpu.memory_space<vmem>>, vector<1x200xf32>
    %broadcast_in_dim3A_2230 = vector.shape_cast %get3A_2229 : vector<1x200xf32> to vector<1x200xf32>
    %broadcast_in_dim3A_2231 = vector.broadcast %broadcast_in_dim3A_2230 : vector<1x200xf32> to vector<64x200xf32>
    %get3A_2232 = arith.constant 85 : index
    %get3A_2233 = arith.constant 0 : index
    %get3A_2234 = vector.load %arg3[%get3A_2232, %get3A_2233] : memref<128x200xf32, #tpu.memory_space<vmem>>, vector<1x200xf32>
    %broadcast_in_dim3A_2235 = vector.shape_cast %get3A_2234 : vector<1x200xf32> to vector<1x200xf32>
    %broadcast_in_dim3A_2236 = vector.broadcast %broadcast_in_dim3A_2235 : vector<1x200xf32> to vector<64x200xf32>
    %mul3A_2237 = vector.broadcast %get3A_11 : vector<64x1xf32> to vector<64x200xf32>
    %mul3A_2238 = arith.mulf %broadcast_in_dim3A_2226, %mul3A_2237 : vector<64x200xf32>
    %mul3A_2239 = vector.broadcast %get3A_14 : vector<64x1xf32> to vector<64x200xf32>
    %mul3A_2240 = arith.mulf %broadcast_in_dim3A_2231, %mul3A_2239 : vector<64x200xf32>
    %add3A_2241 = arith.addf %mul3A_2238, %mul3A_2240 : vector<64x200xf32>
    %add3A_2242 = vector.broadcast %add3A_8 : vector<64x1xf32> to vector<64x200xf32>
    %add3A_2243 = arith.addf %add3A_2241, %add3A_2242 : vector<64x200xf32>
    %mul3A_2244 = arith.mulf %add3A_2243, %broadcast_in_dim3A_2236 : vector<64x200xf32>
    %swap3A_2245 = arith.constant 5440 : index
    %swap3A_2246 = arith.constant 0 : index
    %swap3A_2247 = vector.load %arg9[%swap3A_2245, %swap3A_2246] : memref<8192x200xf32, #tpu.memory_space<vmem>>, vector<64x200xf32>
    tpu.vector_store %arg9[%swap3A_2245, %swap3A_2246], %mul3A_2244 {strides = array<i32>} : memref<8192x200xf32, #tpu.memory_space<vmem>>, vector<64x200xf32>,
    %get3A_2248 = arith.constant 86 : index
    %get3A_2249 = arith.constant 0 : index
    %get3A_2250 = vector.load %arg1[%get3A_2248, %get3A_2249] : memref<128x200xf32, #tpu.memory_space<vmem>>, vector<1x200xf32>
    %broadcast_in_dim3A_2251 = vector.shape_cast %get3A_2250 : vector<1x200xf32> to vector<1x200xf32>
    %broadcast_in_dim3A_2252 = vector.broadcast %broadcast_in_dim3A_2251 : vector<1x200xf32> to vector<64x200xf32>
    %get3A_2253 = arith.constant 86 : index
    %get3A_2254 = arith.constant 0 : index
    %get3A_2255 = vector.load %arg2[%get3A_2253, %get3A_2254] : memref<128x200xf32, #tpu.memory_space<vmem>>, vector<1x200xf32>
    %broadcast_in_dim3A_2256 = vector.shape_cast %get3A_2255 : vector<1x200xf32> to vector<1x200xf32>
    %broadcast_in_dim3A_2257 = vector.broadcast %broadcast_in_dim3A_2256 : vector<1x200xf32> to vector<64x200xf32>
    %get3A_2258 = arith.constant 86 : index
    %get3A_2259 = arith.constant 0 : index
    %get3A_2260 = vector.load %arg3[%get3A_2258, %get3A_2259] : memref<128x200xf32, #tpu.memory_space<vmem>>, vector<1x200xf32>
    %broadcast_in_dim3A_2261 = vector.shape_cast %get3A_2260 : vector<1x200xf32> to vector<1x200xf32>
    %broadcast_in_dim3A_2262 = vector.broadcast %broadcast_in_dim3A_2261 : vector<1x200xf32> to vector<64x200xf32>
    %mul3A_2263 = vector.broadcast %get3A_11 : vector<64x1xf32> to vector<64x200xf32>
    %mul3A_2264 = arith.mulf %broadcast_in_dim3A_2252, %mul3A_2263 : vector<64x200xf32>
    %mul3A_2265 = vector.broadcast %get3A_14 : vector<64x1xf32> to vector<64x200xf32>
    %mul3A_2266 = arith.mulf %broadcast_in_dim3A_2257, %mul3A_2265 : vector<64x200xf32>
    %add3A_2267 = arith.addf %mul3A_2264, %mul3A_2266 : vector<64x200xf32>
    %add3A_2268 = vector.broadcast %add3A_8 : vector<64x1xf32> to vector<64x200xf32>
    %add3A_2269 = arith.addf %add3A_2267, %add3A_2268 : vector<64x200xf32>
    %mul3A_2270 = arith.mulf %add3A_2269, %broadcast_in_dim3A_2262 : vector<64x200xf32>
    %swap3A_2271 = arith.constant 5504 : index
    %swap3A_2272 = arith.constant 0 : index
    %swap3A_2273 = vector.load %arg9[%swap3A_2271, %swap3A_2272] : memref<8192x200xf32, #tpu.memory_space<vmem>>, vector<64x200xf32>
    tpu.vector_store %arg9[%swap3A_2271, %swap3A_2272], %mul3A_2270 {strides = array<i32>} : memref<8192x200xf32, #tpu.memory_space<vmem>>, vector<64x200xf32>,
    %get3A_2274 = arith.constant 87 : index
    %get3A_2275 = arith.constant 0 : index
    %get3A_2276 = vector.load %arg1[%get3A_2274, %get3A_2275] : memref<128x200xf32, #tpu.memory_space<vmem>>, vector<1x200xf32>
    %broadcast_in_dim3A_2277 = vector.shape_cast %get3A_2276 : vector<1x200xf32> to vector<1x200xf32>
    %broadcast_in_dim3A_2278 = vector.broadcast %broadcast_in_dim3A_2277 : vector<1x200xf32> to vector<64x200xf32>
    %get3A_2279 = arith.constant 87 : index
    %get3A_2280 = arith.constant 0 : index
    %get3A_2281 = vector.load %arg2[%get3A_2279, %get3A_2280] : memref<128x200xf32, #tpu.memory_space<vmem>>, vector<1x200xf32>
    %broadcast_in_dim3A_2282 = vector.shape_cast %get3A_2281 : vector<1x200xf32> to vector<1x200xf32>
    %broadcast_in_dim3A_2283 = vector.broadcast %broadcast_in_dim3A_2282 : vector<1x200xf32> to vector<64x200xf32>
    %get3A_2284 = arith.constant 87 : index
    %get3A_2285 = arith.constant 0 : index
    %get3A_2286 = vector.load %arg3[%get3A_2284, %get3A_2285] : memref<128x200xf32, #tpu.memory_space<vmem>>, vector<1x200xf32>
    %broadcast_in_dim3A_2287 = vector.shape_cast %get3A_2286 : vector<1x200xf32> to vector<1x200xf32>
    %broadcast_in_dim3A_2288 = vector.broadcast %broadcast_in_dim3A_2287 : vector<1x200xf32> to vector<64x200xf32>
    %mul3A_2289 = vector.broadcast %get3A_11 : vector<64x1xf32> to vector<64x200xf32>
    %mul3A_2290 = arith.mulf %broadcast_in_dim3A_2278, %mul3A_2289 : vector<64x200xf32>
    %mul3A_2291 = vector.broadcast %get3A_14 : vector<64x1xf32> to vector<64x200xf32>
    %mul3A_2292 = arith.mulf %broadcast_in_dim3A_2283, %mul3A_2291 : vector<64x200xf32>
    %add3A_2293 = arith.addf %mul3A_2290, %mul3A_2292 : vector<64x200xf32>
    %add3A_2294 = vector.broadcast %add3A_8 : vector<64x1xf32> to vector<64x200xf32>
    %add3A_2295 = arith.addf %add3A_2293, %add3A_2294 : vector<64x200xf32>
    %mul3A_2296 = arith.mulf %add3A_2295, %broadcast_in_dim3A_2288 : vector<64x200xf32>
    %swap3A_2297 = arith.constant 5568 : index
    %swap3A_2298 = arith.constant 0 : index
    %swap3A_2299 = vector.load %arg9[%swap3A_2297, %swap3A_2298] : memref<8192x200xf32, #tpu.memory_space<vmem>>, vector<64x200xf32>
    tpu.vector_store %arg9[%swap3A_2297, %swap3A_2298], %mul3A_2296 {strides = array<i32>} : memref<8192x200xf32, #tpu.memory_space<vmem>>, vector<64x200xf32>,
    %get3A_2300 = arith.constant 88 : index
    %get3A_2301 = arith.constant 0 : index
    %get3A_2302 = vector.load %arg1[%get3A_2300, %get3A_2301] : memref<128x200xf32, #tpu.memory_space<vmem>>, vector<1x200xf32>
    %broadcast_in_dim3A_2303 = vector.shape_cast %get3A_2302 : vector<1x200xf32> to vector<1x200xf32>
    %broadcast_in_dim3A_2304 = vector.broadcast %broadcast_in_dim3A_2303 : vector<1x200xf32> to vector<64x200xf32>
    %get3A_2305 = arith.constant 88 : index
    %get3A_2306 = arith.constant 0 : index
    %get3A_2307 = vector.load %arg2[%get3A_2305, %get3A_2306] : memref<128x200xf32, #tpu.memory_space<vmem>>, vector<1x200xf32>
    %broadcast_in_dim3A_2308 = vector.shape_cast %get3A_2307 : vector<1x200xf32> to vector<1x200xf32>
    %broadcast_in_dim3A_2309 = vector.broadcast %broadcast_in_dim3A_2308 : vector<1x200xf32> to vector<64x200xf32>
    %get3A_2310 = arith.constant 88 : index
    %get3A_2311 = arith.constant 0 : index
    %get3A_2312 = vector.load %arg3[%get3A_2310, %get3A_2311] : memref<128x200xf32, #tpu.memory_space<vmem>>, vector<1x200xf32>
    %broadcast_in_dim3A_2313 = vector.shape_cast %get3A_2312 : vector<1x200xf32> to vector<1x200xf32>
    %broadcast_in_dim3A_2314 = vector.broadcast %broadcast_in_dim3A_2313 : vector<1x200xf32> to vector<64x200xf32>
    %mul3A_2315 = vector.broadcast %get3A_11 : vector<64x1xf32> to vector<64x200xf32>
    %mul3A_2316 = arith.mulf %broadcast_in_dim3A_2304, %mul3A_2315 : vector<64x200xf32>
    %mul3A_2317 = vector.broadcast %get3A_14 : vector<64x1xf32> to vector<64x200xf32>
    %mul3A_2318 = arith.mulf %broadcast_in_dim3A_2309, %mul3A_2317 : vector<64x200xf32>
    %add3A_2319 = arith.addf %mul3A_2316, %mul3A_2318 : vector<64x200xf32>
    %add3A_2320 = vector.broadcast %add3A_8 : vector<64x1xf32> to vector<64x200xf32>
    %add3A_2321 = arith.addf %add3A_2319, %add3A_2320 : vector<64x200xf32>
    %mul3A_2322 = arith.mulf %add3A_2321, %broadcast_in_dim3A_2314 : vector<64x200xf32>
    %swap3A_2323 = arith.constant 5632 : index
    %swap3A_2324 = arith.constant 0 : index
    %swap3A_2325 = vector.load %arg9[%swap3A_2323, %swap3A_2324] : memref<8192x200xf32, #tpu.memory_space<vmem>>, vector<64x200xf32>
    tpu.vector_store %arg9[%swap3A_2323, %swap3A_2324], %mul3A_2322 {strides = array<i32>} : memref<8192x200xf32, #tpu.memory_space<vmem>>, vector<64x200xf32>,
    %get3A_2326 = arith.constant 89 : index
    %get3A_2327 = arith.constant 0 : index
    %get3A_2328 = vector.load %arg1[%get3A_2326, %get3A_2327] : memref<128x200xf32, #tpu.memory_space<vmem>>, vector<1x200xf32>
    %broadcast_in_dim3A_2329 = vector.shape_cast %get3A_2328 : vector<1x200xf32> to vector<1x200xf32>
    %broadcast_in_dim3A_2330 = vector.broadcast %broadcast_in_dim3A_2329 : vector<1x200xf32> to vector<64x200xf32>
    %get3A_2331 = arith.constant 89 : index
    %get3A_2332 = arith.constant 0 : index
    %get3A_2333 = vector.load %arg2[%get3A_2331, %get3A_2332] : memref<128x200xf32, #tpu.memory_space<vmem>>, vector<1x200xf32>
    %broadcast_in_dim3A_2334 = vector.shape_cast %get3A_2333 : vector<1x200xf32> to vector<1x200xf32>
    %broadcast_in_dim3A_2335 = vector.broadcast %broadcast_in_dim3A_2334 : vector<1x200xf32> to vector<64x200xf32>
    %get3A_2336 = arith.constant 89 : index
    %get3A_2337 = arith.constant 0 : index
    %get3A_2338 = vector.load %arg3[%get3A_2336, %get3A_2337] : memref<128x200xf32, #tpu.memory_space<vmem>>, vector<1x200xf32>
    %broadcast_in_dim3A_2339 = vector.shape_cast %get3A_2338 : vector<1x200xf32> to vector<1x200xf32>
    %broadcast_in_dim3A_2340 = vector.broadcast %broadcast_in_dim3A_2339 : vector<1x200xf32> to vector<64x200xf32>
    %mul3A_2341 = vector.broadcast %get3A_11 : vector<64x1xf32> to vector<64x200xf32>
    %mul3A_2342 = arith.mulf %broadcast_in_dim3A_2330, %mul3A_2341 : vector<64x200xf32>
    %mul3A_2343 = vector.broadcast %get3A_14 : vector<64x1xf32> to vector<64x200xf32>
    %mul3A_2344 = arith.mulf %broadcast_in_dim3A_2335, %mul3A_2343 : vector<64x200xf32>
    %add3A_2345 = arith.addf %mul3A_2342, %mul3A_2344 : vector<64x200xf32>
    %add3A_2346 = vector.broadcast %add3A_8 : vector<64x1xf32> to vector<64x200xf32>
    %add3A_2347 = arith.addf %add3A_2345, %add3A_2346 : vector<64x200xf32>
    %mul3A_2348 = arith.mulf %add3A_2347, %broadcast_in_dim3A_2340 : vector<64x200xf32>
    %swap3A_2349 = arith.constant 5696 : index
    %swap3A_2350 = arith.constant 0 : index
    %swap3A_2351 = vector.load %arg9[%swap3A_2349, %swap3A_2350] : memref<8192x200xf32, #tpu.memory_space<vmem>>, vector<64x200xf32>
    tpu.vector_store %arg9[%swap3A_2349, %swap3A_2350], %mul3A_2348 {strides = array<i32>} : memref<8192x200xf32, #tpu.memory_space<vmem>>, vector<64x200xf32>,
    %get3A_2352 = arith.constant 90 : index
    %get3A_2353 = arith.constant 0 : index
    %get3A_2354 = vector.load %arg1[%get3A_2352, %get3A_2353] : memref<128x200xf32, #tpu.memory_space<vmem>>, vector<1x200xf32>
    %broadcast_in_dim3A_2355 = vector.shape_cast %get3A_2354 : vector<1x200xf32> to vector<1x200xf32>
    %broadcast_in_dim3A_2356 = vector.broadcast %broadcast_in_dim3A_2355 : vector<1x200xf32> to vector<64x200xf32>
    %get3A_2357 = arith.constant 90 : index
    %get3A_2358 = arith.constant 0 : index
    %get3A_2359 = vector.load %arg2[%get3A_2357, %get3A_2358] : memref<128x200xf32, #tpu.memory_space<vmem>>, vector<1x200xf32>
    %broadcast_in_dim3A_2360 = vector.shape_cast %get3A_2359 : vector<1x200xf32> to vector<1x200xf32>
    %broadcast_in_dim3A_2361 = vector.broadcast %broadcast_in_dim3A_2360 : vector<1x200xf32> to vector<64x200xf32>
    %get3A_2362 = arith.constant 90 : index
    %get3A_2363 = arith.constant 0 : index
    %get3A_2364 = vector.load %arg3[%get3A_2362, %get3A_2363] : memref<128x200xf32, #tpu.memory_space<vmem>>, vector<1x200xf32>
    %broadcast_in_dim3A_2365 = vector.shape_cast %get3A_2364 : vector<1x200xf32> to vector<1x200xf32>
    %broadcast_in_dim3A_2366 = vector.broadcast %broadcast_in_dim3A_2365 : vector<1x200xf32> to vector<64x200xf32>
    %mul3A_2367 = vector.broadcast %get3A_11 : vector<64x1xf32> to vector<64x200xf32>
    %mul3A_2368 = arith.mulf %broadcast_in_dim3A_2356, %mul3A_2367 : vector<64x200xf32>
    %mul3A_2369 = vector.broadcast %get3A_14 : vector<64x1xf32> to vector<64x200xf32>
    %mul3A_2370 = arith.mulf %broadcast_in_dim3A_2361, %mul3A_2369 : vector<64x200xf32>
    %add3A_2371 = arith.addf %mul3A_2368, %mul3A_2370 : vector<64x200xf32>
    %add3A_2372 = vector.broadcast %add3A_8 : vector<64x1xf32> to vector<64x200xf32>
    %add3A_2373 = arith.addf %add3A_2371, %add3A_2372 : vector<64x200xf32>
    %mul3A_2374 = arith.mulf %add3A_2373, %broadcast_in_dim3A_2366 : vector<64x200xf32>
    %swap3A_2375 = arith.constant 5760 : index
    %swap3A_2376 = arith.constant 0 : index
    %swap3A_2377 = vector.load %arg9[%swap3A_2375, %swap3A_2376] : memref<8192x200xf32, #tpu.memory_space<vmem>>, vector<64x200xf32>
    tpu.vector_store %arg9[%swap3A_2375, %swap3A_2376], %mul3A_2374 {strides = array<i32>} : memref<8192x200xf32, #tpu.memory_space<vmem>>, vector<64x200xf32>,
    %get3A_2378 = arith.constant 91 : index
    %get3A_2379 = arith.constant 0 : index
    %get3A_2380 = vector.load %arg1[%get3A_2378, %get3A_2379] : memref<128x200xf32, #tpu.memory_space<vmem>>, vector<1x200xf32>
    %broadcast_in_dim3A_2381 = vector.shape_cast %get3A_2380 : vector<1x200xf32> to vector<1x200xf32>
    %broadcast_in_dim3A_2382 = vector.broadcast %broadcast_in_dim3A_2381 : vector<1x200xf32> to vector<64x200xf32>
    %get3A_2383 = arith.constant 91 : index
    %get3A_2384 = arith.constant 0 : index
    %get3A_2385 = vector.load %arg2[%get3A_2383, %get3A_2384] : memref<128x200xf32, #tpu.memory_space<vmem>>, vector<1x200xf32>
    %broadcast_in_dim3A_2386 = vector.shape_cast %get3A_2385 : vector<1x200xf32> to vector<1x200xf32>
    %broadcast_in_dim3A_2387 = vector.broadcast %broadcast_in_dim3A_2386 : vector<1x200xf32> to vector<64x200xf32>
    %get3A_2388 = arith.constant 91 : index
    %get3A_2389 = arith.constant 0 : index
    %get3A_2390 = vector.load %arg3[%get3A_2388, %get3A_2389] : memref<128x200xf32, #tpu.memory_space<vmem>>, vector<1x200xf32>
    %broadcast_in_dim3A_2391 = vector.shape_cast %get3A_2390 : vector<1x200xf32> to vector<1x200xf32>
    %broadcast_in_dim3A_2392 = vector.broadcast %broadcast_in_dim3A_2391 : vector<1x200xf32> to vector<64x200xf32>
    %mul3A_2393 = vector.broadcast %get3A_11 : vector<64x1xf32> to vector<64x200xf32>
    %mul3A_2394 = arith.mulf %broadcast_in_dim3A_2382, %mul3A_2393 : vector<64x200xf32>
    %mul3A_2395 = vector.broadcast %get3A_14 : vector<64x1xf32> to vector<64x200xf32>
    %mul3A_2396 = arith.mulf %broadcast_in_dim3A_2387, %mul3A_2395 : vector<64x200xf32>
    %add3A_2397 = arith.addf %mul3A_2394, %mul3A_2396 : vector<64x200xf32>
    %add3A_2398 = vector.broadcast %add3A_8 : vector<64x1xf32> to vector<64x200xf32>
    %add3A_2399 = arith.addf %add3A_2397, %add3A_2398 : vector<64x200xf32>
    %mul3A_2400 = arith.mulf %add3A_2399, %broadcast_in_dim3A_2392 : vector<64x200xf32>
    %swap3A_2401 = arith.constant 5824 : index
    %swap3A_2402 = arith.constant 0 : index
    %swap3A_2403 = vector.load %arg9[%swap3A_2401, %swap3A_2402] : memref<8192x200xf32, #tpu.memory_space<vmem>>, vector<64x200xf32>
    tpu.vector_store %arg9[%swap3A_2401, %swap3A_2402], %mul3A_2400 {strides = array<i32>} : memref<8192x200xf32, #tpu.memory_space<vmem>>, vector<64x200xf32>,
    %get3A_2404 = arith.constant 92 : index
    %get3A_2405 = arith.constant 0 : index
    %get3A_2406 = vector.load %arg1[%get3A_2404, %get3A_2405] : memref<128x200xf32, #tpu.memory_space<vmem>>, vector<1x200xf32>
    %broadcast_in_dim3A_2407 = vector.shape_cast %get3A_2406 : vector<1x200xf32> to vector<1x200xf32>
    %broadcast_in_dim3A_2408 = vector.broadcast %broadcast_in_dim3A_2407 : vector<1x200xf32> to vector<64x200xf32>
    %get3A_2409 = arith.constant 92 : index
    %get3A_2410 = arith.constant 0 : index
    %get3A_2411 = vector.load %arg2[%get3A_2409, %get3A_2410] : memref<128x200xf32, #tpu.memory_space<vmem>>, vector<1x200xf32>
    %broadcast_in_dim3A_2412 = vector.shape_cast %get3A_2411 : vector<1x200xf32> to vector<1x200xf32>
    %broadcast_in_dim3A_2413 = vector.broadcast %broadcast_in_dim3A_2412 : vector<1x200xf32> to vector<64x200xf32>
    %get3A_2414 = arith.constant 92 : index
    %get3A_2415 = arith.constant 0 : index
    %get3A_2416 = vector.load %arg3[%get3A_2414, %get3A_2415] : memref<128x200xf32, #tpu.memory_space<vmem>>, vector<1x200xf32>
    %broadcast_in_dim3A_2417 = vector.shape_cast %get3A_2416 : vector<1x200xf32> to vector<1x200xf32>
    %broadcast_in_dim3A_2418 = vector.broadcast %broadcast_in_dim3A_2417 : vector<1x200xf32> to vector<64x200xf32>
    %mul3A_2419 = vector.broadcast %get3A_11 : vector<64x1xf32> to vector<64x200xf32>
    %mul3A_2420 = arith.mulf %broadcast_in_dim3A_2408, %mul3A_2419 : vector<64x200xf32>
    %mul3A_2421 = vector.broadcast %get3A_14 : vector<64x1xf32> to vector<64x200xf32>
    %mul3A_2422 = arith.mulf %broadcast_in_dim3A_2413, %mul3A_2421 : vector<64x200xf32>
    %add3A_2423 = arith.addf %mul3A_2420, %mul3A_2422 : vector<64x200xf32>
    %add3A_2424 = vector.broadcast %add3A_8 : vector<64x1xf32> to vector<64x200xf32>
    %add3A_2425 = arith.addf %add3A_2423, %add3A_2424 : vector<64x200xf32>
    %mul3A_2426 = arith.mulf %add3A_2425, %broadcast_in_dim3A_2418 : vector<64x200xf32>
    %swap3A_2427 = arith.constant 5888 : index
    %swap3A_2428 = arith.constant 0 : index
    %swap3A_2429 = vector.load %arg9[%swap3A_2427, %swap3A_2428] : memref<8192x200xf32, #tpu.memory_space<vmem>>, vector<64x200xf32>
    tpu.vector_store %arg9[%swap3A_2427, %swap3A_2428], %mul3A_2426 {strides = array<i32>} : memref<8192x200xf32, #tpu.memory_space<vmem>>, vector<64x200xf32>,
    %get3A_2430 = arith.constant 93 : index
    %get3A_2431 = arith.constant 0 : index
    %get3A_2432 = vector.load %arg1[%get3A_2430, %get3A_2431] : memref<128x200xf32, #tpu.memory_space<vmem>>, vector<1x200xf32>
    %broadcast_in_dim3A_2433 = vector.shape_cast %get3A_2432 : vector<1x200xf32> to vector<1x200xf32>
    %broadcast_in_dim3A_2434 = vector.broadcast %broadcast_in_dim3A_2433 : vector<1x200xf32> to vector<64x200xf32>
    %get3A_2435 = arith.constant 93 : index
    %get3A_2436 = arith.constant 0 : index
    %get3A_2437 = vector.load %arg2[%get3A_2435, %get3A_2436] : memref<128x200xf32, #tpu.memory_space<vmem>>, vector<1x200xf32>
    %broadcast_in_dim3A_2438 = vector.shape_cast %get3A_2437 : vector<1x200xf32> to vector<1x200xf32>
    %broadcast_in_dim3A_2439 = vector.broadcast %broadcast_in_dim3A_2438 : vector<1x200xf32> to vector<64x200xf32>
    %get3A_2440 = arith.constant 93 : index
    %get3A_2441 = arith.constant 0 : index
    %get3A_2442 = vector.load %arg3[%get3A_2440, %get3A_2441] : memref<128x200xf32, #tpu.memory_space<vmem>>, vector<1x200xf32>
    %broadcast_in_dim3A_2443 = vector.shape_cast %get3A_2442 : vector<1x200xf32> to vector<1x200xf32>
    %broadcast_in_dim3A_2444 = vector.broadcast %broadcast_in_dim3A_2443 : vector<1x200xf32> to vector<64x200xf32>
    %mul3A_2445 = vector.broadcast %get3A_11 : vector<64x1xf32> to vector<64x200xf32>
    %mul3A_2446 = arith.mulf %broadcast_in_dim3A_2434, %mul3A_2445 : vector<64x200xf32>
    %mul3A_2447 = vector.broadcast %get3A_14 : vector<64x1xf32> to vector<64x200xf32>
    %mul3A_2448 = arith.mulf %broadcast_in_dim3A_2439, %mul3A_2447 : vector<64x200xf32>
    %add3A_2449 = arith.addf %mul3A_2446, %mul3A_2448 : vector<64x200xf32>
    %add3A_2450 = vector.broadcast %add3A_8 : vector<64x1xf32> to vector<64x200xf32>
    %add3A_2451 = arith.addf %add3A_2449, %add3A_2450 : vector<64x200xf32>
    %mul3A_2452 = arith.mulf %add3A_2451, %broadcast_in_dim3A_2444 : vector<64x200xf32>
    %swap3A_2453 = arith.constant 5952 : index
    %swap3A_2454 = arith.constant 0 : index
    %swap3A_2455 = vector.load %arg9[%swap3A_2453, %swap3A_2454] : memref<8192x200xf32, #tpu.memory_space<vmem>>, vector<64x200xf32>
    tpu.vector_store %arg9[%swap3A_2453, %swap3A_2454], %mul3A_2452 {strides = array<i32>} : memref<8192x200xf32, #tpu.memory_space<vmem>>, vector<64x200xf32>,
    %get3A_2456 = arith.constant 94 : index
    %get3A_2457 = arith.constant 0 : index
    %get3A_2458 = vector.load %arg1[%get3A_2456, %get3A_2457] : memref<128x200xf32, #tpu.memory_space<vmem>>, vector<1x200xf32>
    %broadcast_in_dim3A_2459 = vector.shape_cast %get3A_2458 : vector<1x200xf32> to vector<1x200xf32>
    %broadcast_in_dim3A_2460 = vector.broadcast %broadcast_in_dim3A_2459 : vector<1x200xf32> to vector<64x200xf32>
    %get3A_2461 = arith.constant 94 : index
    %get3A_2462 = arith.constant 0 : index
    %get3A_2463 = vector.load %arg2[%get3A_2461, %get3A_2462] : memref<128x200xf32, #tpu.memory_space<vmem>>, vector<1x200xf32>
    %broadcast_in_dim3A_2464 = vector.shape_cast %get3A_2463 : vector<1x200xf32> to vector<1x200xf32>
    %broadcast_in_dim3A_2465 = vector.broadcast %broadcast_in_dim3A_2464 : vector<1x200xf32> to vector<64x200xf32>
    %get3A_2466 = arith.constant 94 : index
    %get3A_2467 = arith.constant 0 : index
    %get3A_2468 = vector.load %arg3[%get3A_2466, %get3A_2467] : memref<128x200xf32, #tpu.memory_space<vmem>>, vector<1x200xf32>
    %broadcast_in_dim3A_2469 = vector.shape_cast %get3A_2468 : vector<1x200xf32> to vector<1x200xf32>
    %broadcast_in_dim3A_2470 = vector.broadcast %broadcast_in_dim3A_2469 : vector<1x200xf32> to vector<64x200xf32>
    %mul3A_2471 = vector.broadcast %get3A_11 : vector<64x1xf32> to vector<64x200xf32>
    %mul3A_2472 = arith.mulf %broadcast_in_dim3A_2460, %mul3A_2471 : vector<64x200xf32>
    %mul3A_2473 = vector.broadcast %get3A_14 : vector<64x1xf32> to vector<64x200xf32>
    %mul3A_2474 = arith.mulf %broadcast_in_dim3A_2465, %mul3A_2473 : vector<64x200xf32>
    %add3A_2475 = arith.addf %mul3A_2472, %mul3A_2474 : vector<64x200xf32>
    %add3A_2476 = vector.broadcast %add3A_8 : vector<64x1xf32> to vector<64x200xf32>
    %add3A_2477 = arith.addf %add3A_2475, %add3A_2476 : vector<64x200xf32>
    %mul3A_2478 = arith.mulf %add3A_2477, %broadcast_in_dim3A_2470 : vector<64x200xf32>
    %swap3A_2479 = arith.constant 6016 : index
    %swap3A_2480 = arith.constant 0 : index
    %swap3A_2481 = vector.load %arg9[%swap3A_2479, %swap3A_2480] : memref<8192x200xf32, #tpu.memory_space<vmem>>, vector<64x200xf32>
    tpu.vector_store %arg9[%swap3A_2479, %swap3A_2480], %mul3A_2478 {strides = array<i32>} : memref<8192x200xf32, #tpu.memory_space<vmem>>, vector<64x200xf32>,
    %get3A_2482 = arith.constant 95 : index
    %get3A_2483 = arith.constant 0 : index
    %get3A_2484 = vector.load %arg1[%get3A_2482, %get3A_2483] : memref<128x200xf32, #tpu.memory_space<vmem>>, vector<1x200xf32>
    %broadcast_in_dim3A_2485 = vector.shape_cast %get3A_2484 : vector<1x200xf32> to vector<1x200xf32>
    %broadcast_in_dim3A_2486 = vector.broadcast %broadcast_in_dim3A_2485 : vector<1x200xf32> to vector<64x200xf32>
    %get3A_2487 = arith.constant 95 : index
    %get3A_2488 = arith.constant 0 : index
    %get3A_2489 = vector.load %arg2[%get3A_2487, %get3A_2488] : memref<128x200xf32, #tpu.memory_space<vmem>>, vector<1x200xf32>
    %broadcast_in_dim3A_2490 = vector.shape_cast %get3A_2489 : vector<1x200xf32> to vector<1x200xf32>
    %broadcast_in_dim3A_2491 = vector.broadcast %broadcast_in_dim3A_2490 : vector<1x200xf32> to vector<64x200xf32>
    %get3A_2492 = arith.constant 95 : index
    %get3A_2493 = arith.constant 0 : index
    %get3A_2494 = vector.load %arg3[%get3A_2492, %get3A_2493] : memref<128x200xf32, #tpu.memory_space<vmem>>, vector<1x200xf32>
    %broadcast_in_dim3A_2495 = vector.shape_cast %get3A_2494 : vector<1x200xf32> to vector<1x200xf32>
    %broadcast_in_dim3A_2496 = vector.broadcast %broadcast_in_dim3A_2495 : vector<1x200xf32> to vector<64x200xf32>
    %mul3A_2497 = vector.broadcast %get3A_11 : vector<64x1xf32> to vector<64x200xf32>
    %mul3A_2498 = arith.mulf %broadcast_in_dim3A_2486, %mul3A_2497 : vector<64x200xf32>
    %mul3A_2499 = vector.broadcast %get3A_14 : vector<64x1xf32> to vector<64x200xf32>
    %mul3A_2500 = arith.mulf %broadcast_in_dim3A_2491, %mul3A_2499 : vector<64x200xf32>
    %add3A_2501 = arith.addf %mul3A_2498, %mul3A_2500 : vector<64x200xf32>
    %add3A_2502 = vector.broadcast %add3A_8 : vector<64x1xf32> to vector<64x200xf32>
    %add3A_2503 = arith.addf %add3A_2501, %add3A_2502 : vector<64x200xf32>
    %mul3A_2504 = arith.mulf %add3A_2503, %broadcast_in_dim3A_2496 : vector<64x200xf32>
    %swap3A_2505 = arith.constant 6080 : index
    %swap3A_2506 = arith.constant 0 : index
    %swap3A_2507 = vector.load %arg9[%swap3A_2505, %swap3A_2506] : memref<8192x200xf32, #tpu.memory_space<vmem>>, vector<64x200xf32>
    tpu.vector_store %arg9[%swap3A_2505, %swap3A_2506], %mul3A_2504 {strides = array<i32>} : memref<8192x200xf32, #tpu.memory_space<vmem>>, vector<64x200xf32>,
    %get3A_2508 = arith.constant 96 : index
    %get3A_2509 = arith.constant 0 : index
    %get3A_2510 = vector.load %arg1[%get3A_2508, %get3A_2509] : memref<128x200xf32, #tpu.memory_space<vmem>>, vector<1x200xf32>
    %broadcast_in_dim3A_2511 = vector.shape_cast %get3A_2510 : vector<1x200xf32> to vector<1x200xf32>
    %broadcast_in_dim3A_2512 = vector.broadcast %broadcast_in_dim3A_2511 : vector<1x200xf32> to vector<64x200xf32>
    %get3A_2513 = arith.constant 96 : index
    %get3A_2514 = arith.constant 0 : index
    %get3A_2515 = vector.load %arg2[%get3A_2513, %get3A_2514] : memref<128x200xf32, #tpu.memory_space<vmem>>, vector<1x200xf32>
    %broadcast_in_dim3A_2516 = vector.shape_cast %get3A_2515 : vector<1x200xf32> to vector<1x200xf32>
    %broadcast_in_dim3A_2517 = vector.broadcast %broadcast_in_dim3A_2516 : vector<1x200xf32> to vector<64x200xf32>
    %get3A_2518 = arith.constant 96 : index
    %get3A_2519 = arith.constant 0 : index
    %get3A_2520 = vector.load %arg3[%get3A_2518, %get3A_2519] : memref<128x200xf32, #tpu.memory_space<vmem>>, vector<1x200xf32>
    %broadcast_in_dim3A_2521 = vector.shape_cast %get3A_2520 : vector<1x200xf32> to vector<1x200xf32>
    %broadcast_in_dim3A_2522 = vector.broadcast %broadcast_in_dim3A_2521 : vector<1x200xf32> to vector<64x200xf32>
    %mul3A_2523 = vector.broadcast %get3A_11 : vector<64x1xf32> to vector<64x200xf32>
    %mul3A_2524 = arith.mulf %broadcast_in_dim3A_2512, %mul3A_2523 : vector<64x200xf32>
    %mul3A_2525 = vector.broadcast %get3A_14 : vector<64x1xf32> to vector<64x200xf32>
    %mul3A_2526 = arith.mulf %broadcast_in_dim3A_2517, %mul3A_2525 : vector<64x200xf32>
    %add3A_2527 = arith.addf %mul3A_2524, %mul3A_2526 : vector<64x200xf32>
    %add3A_2528 = vector.broadcast %add3A_8 : vector<64x1xf32> to vector<64x200xf32>
    %add3A_2529 = arith.addf %add3A_2527, %add3A_2528 : vector<64x200xf32>
    %mul3A_2530 = arith.mulf %add3A_2529, %broadcast_in_dim3A_2522 : vector<64x200xf32>
    %swap3A_2531 = arith.constant 6144 : index
    %swap3A_2532 = arith.constant 0 : index
    %swap3A_2533 = vector.load %arg9[%swap3A_2531, %swap3A_2532] : memref<8192x200xf32, #tpu.memory_space<vmem>>, vector<64x200xf32>
    tpu.vector_store %arg9[%swap3A_2531, %swap3A_2532], %mul3A_2530 {strides = array<i32>} : memref<8192x200xf32, #tpu.memory_space<vmem>>, vector<64x200xf32>,
    %get3A_2534 = arith.constant 97 : index
    %get3A_2535 = arith.constant 0 : index
    %get3A_2536 = vector.load %arg1[%get3A_2534, %get3A_2535] : memref<128x200xf32, #tpu.memory_space<vmem>>, vector<1x200xf32>
    %broadcast_in_dim3A_2537 = vector.shape_cast %get3A_2536 : vector<1x200xf32> to vector<1x200xf32>
    %broadcast_in_dim3A_2538 = vector.broadcast %broadcast_in_dim3A_2537 : vector<1x200xf32> to vector<64x200xf32>
    %get3A_2539 = arith.constant 97 : index
    %get3A_2540 = arith.constant 0 : index
    %get3A_2541 = vector.load %arg2[%get3A_2539, %get3A_2540] : memref<128x200xf32, #tpu.memory_space<vmem>>, vector<1x200xf32>
    %broadcast_in_dim3A_2542 = vector.shape_cast %get3A_2541 : vector<1x200xf32> to vector<1x200xf32>
    %broadcast_in_dim3A_2543 = vector.broadcast %broadcast_in_dim3A_2542 : vector<1x200xf32> to vector<64x200xf32>
    %get3A_2544 = arith.constant 97 : index
    %get3A_2545 = arith.constant 0 : index
    %get3A_2546 = vector.load %arg3[%get3A_2544, %get3A_2545] : memref<128x200xf32, #tpu.memory_space<vmem>>, vector<1x200xf32>
    %broadcast_in_dim3A_2547 = vector.shape_cast %get3A_2546 : vector<1x200xf32> to vector<1x200xf32>
    %broadcast_in_dim3A_2548 = vector.broadcast %broadcast_in_dim3A_2547 : vector<1x200xf32> to vector<64x200xf32>
    %mul3A_2549 = vector.broadcast %get3A_11 : vector<64x1xf32> to vector<64x200xf32>
    %mul3A_2550 = arith.mulf %broadcast_in_dim3A_2538, %mul3A_2549 : vector<64x200xf32>
    %mul3A_2551 = vector.broadcast %get3A_14 : vector<64x1xf32> to vector<64x200xf32>
    %mul3A_2552 = arith.mulf %broadcast_in_dim3A_2543, %mul3A_2551 : vector<64x200xf32>
    %add3A_2553 = arith.addf %mul3A_2550, %mul3A_2552 : vector<64x200xf32>
    %add3A_2554 = vector.broadcast %add3A_8 : vector<64x1xf32> to vector<64x200xf32>
    %add3A_2555 = arith.addf %add3A_2553, %add3A_2554 : vector<64x200xf32>
    %mul3A_2556 = arith.mulf %add3A_2555, %broadcast_in_dim3A_2548 : vector<64x200xf32>
    %swap3A_2557 = arith.constant 6208 : index
    %swap3A_2558 = arith.constant 0 : index
    %swap3A_2559 = vector.load %arg9[%swap3A_2557, %swap3A_2558] : memref<8192x200xf32, #tpu.memory_space<vmem>>, vector<64x200xf32>
    tpu.vector_store %arg9[%swap3A_2557, %swap3A_2558], %mul3A_2556 {strides = array<i32>} : memref<8192x200xf32, #tpu.memory_space<vmem>>, vector<64x200xf32>,
    %get3A_2560 = arith.constant 98 : index
    %get3A_2561 = arith.constant 0 : index
    %get3A_2562 = vector.load %arg1[%get3A_2560, %get3A_2561] : memref<128x200xf32, #tpu.memory_space<vmem>>, vector<1x200xf32>
    %broadcast_in_dim3A_2563 = vector.shape_cast %get3A_2562 : vector<1x200xf32> to vector<1x200xf32>
    %broadcast_in_dim3A_2564 = vector.broadcast %broadcast_in_dim3A_2563 : vector<1x200xf32> to vector<64x200xf32>
    %get3A_2565 = arith.constant 98 : index
    %get3A_2566 = arith.constant 0 : index
    %get3A_2567 = vector.load %arg2[%get3A_2565, %get3A_2566] : memref<128x200xf32, #tpu.memory_space<vmem>>, vector<1x200xf32>
    %broadcast_in_dim3A_2568 = vector.shape_cast %get3A_2567 : vector<1x200xf32> to vector<1x200xf32>
    %broadcast_in_dim3A_2569 = vector.broadcast %broadcast_in_dim3A_2568 : vector<1x200xf32> to vector<64x200xf32>
    %get3A_2570 = arith.constant 98 : index
    %get3A_2571 = arith.constant 0 : index
    %get3A_2572 = vector.load %arg3[%get3A_2570, %get3A_2571] : memref<128x200xf32, #tpu.memory_space<vmem>>, vector<1x200xf32>
    %broadcast_in_dim3A_2573 = vector.shape_cast %get3A_2572 : vector<1x200xf32> to vector<1x200xf32>
    %broadcast_in_dim3A_2574 = vector.broadcast %broadcast_in_dim3A_2573 : vector<1x200xf32> to vector<64x200xf32>
    %mul3A_2575 = vector.broadcast %get3A_11 : vector<64x1xf32> to vector<64x200xf32>
    %mul3A_2576 = arith.mulf %broadcast_in_dim3A_2564, %mul3A_2575 : vector<64x200xf32>
    %mul3A_2577 = vector.broadcast %get3A_14 : vector<64x1xf32> to vector<64x200xf32>
    %mul3A_2578 = arith.mulf %broadcast_in_dim3A_2569, %mul3A_2577 : vector<64x200xf32>
    %add3A_2579 = arith.addf %mul3A_2576, %mul3A_2578 : vector<64x200xf32>
    %add3A_2580 = vector.broadcast %add3A_8 : vector<64x1xf32> to vector<64x200xf32>
    %add3A_2581 = arith.addf %add3A_2579, %add3A_2580 : vector<64x200xf32>
    %mul3A_2582 = arith.mulf %add3A_2581, %broadcast_in_dim3A_2574 : vector<64x200xf32>
    %swap3A_2583 = arith.constant 6272 : index
    %swap3A_2584 = arith.constant 0 : index
    %swap3A_2585 = vector.load %arg9[%swap3A_2583, %swap3A_2584] : memref<8192x200xf32, #tpu.memory_space<vmem>>, vector<64x200xf32>
    tpu.vector_store %arg9[%swap3A_2583, %swap3A_2584], %mul3A_2582 {strides = array<i32>} : memref<8192x200xf32, #tpu.memory_space<vmem>>, vector<64x200xf32>,
    %get3A_2586 = arith.constant 99 : index
    %get3A_2587 = arith.constant 0 : index
    %get3A_2588 = vector.load %arg1[%get3A_2586, %get3A_2587] : memref<128x200xf32, #tpu.memory_space<vmem>>, vector<1x200xf32>
    %broadcast_in_dim3A_2589 = vector.shape_cast %get3A_2588 : vector<1x200xf32> to vector<1x200xf32>
    %broadcast_in_dim3A_2590 = vector.broadcast %broadcast_in_dim3A_2589 : vector<1x200xf32> to vector<64x200xf32>
    %get3A_2591 = arith.constant 99 : index
    %get3A_2592 = arith.constant 0 : index
    %get3A_2593 = vector.load %arg2[%get3A_2591, %get3A_2592] : memref<128x200xf32, #tpu.memory_space<vmem>>, vector<1x200xf32>
    %broadcast_in_dim3A_2594 = vector.shape_cast %get3A_2593 : vector<1x200xf32> to vector<1x200xf32>
    %broadcast_in_dim3A_2595 = vector.broadcast %broadcast_in_dim3A_2594 : vector<1x200xf32> to vector<64x200xf32>
    %get3A_2596 = arith.constant 99 : index
    %get3A_2597 = arith.constant 0 : index
    %get3A_2598 = vector.load %arg3[%get3A_2596, %get3A_2597] : memref<128x200xf32, #tpu.memory_space<vmem>>, vector<1x200xf32>
    %broadcast_in_dim3A_2599 = vector.shape_cast %get3A_2598 : vector<1x200xf32> to vector<1x200xf32>
    %broadcast_in_dim3A_2600 = vector.broadcast %broadcast_in_dim3A_2599 : vector<1x200xf32> to vector<64x200xf32>
    %mul3A_2601 = vector.broadcast %get3A_11 : vector<64x1xf32> to vector<64x200xf32>
    %mul3A_2602 = arith.mulf %broadcast_in_dim3A_2590, %mul3A_2601 : vector<64x200xf32>
    %mul3A_2603 = vector.broadcast %get3A_14 : vector<64x1xf32> to vector<64x200xf32>
    %mul3A_2604 = arith.mulf %broadcast_in_dim3A_2595, %mul3A_2603 : vector<64x200xf32>
    %add3A_2605 = arith.addf %mul3A_2602, %mul3A_2604 : vector<64x200xf32>
    %add3A_2606 = vector.broadcast %add3A_8 : vector<64x1xf32> to vector<64x200xf32>
    %add3A_2607 = arith.addf %add3A_2605, %add3A_2606 : vector<64x200xf32>
    %mul3A_2608 = arith.mulf %add3A_2607, %broadcast_in_dim3A_2600 : vector<64x200xf32>
    %swap3A_2609 = arith.constant 6336 : index
    %swap3A_2610 = arith.constant 0 : index
    %swap3A_2611 = vector.load %arg9[%swap3A_2609, %swap3A_2610] : memref<8192x200xf32, #tpu.memory_space<vmem>>, vector<64x200xf32>
    tpu.vector_store %arg9[%swap3A_2609, %swap3A_2610], %mul3A_2608 {strides = array<i32>} : memref<8192x200xf32, #tpu.memory_space<vmem>>, vector<64x200xf32>,
    %get3A_2612 = arith.constant 100 : index
    %get3A_2613 = arith.constant 0 : index
    %get3A_2614 = vector.load %arg1[%get3A_2612, %get3A_2613] : memref<128x200xf32, #tpu.memory_space<vmem>>, vector<1x200xf32>
    %broadcast_in_dim3A_2615 = vector.shape_cast %get3A_2614 : vector<1x200xf32> to vector<1x200xf32>
    %broadcast_in_dim3A_2616 = vector.broadcast %broadcast_in_dim3A_2615 : vector<1x200xf32> to vector<64x200xf32>
    %get3A_2617 = arith.constant 100 : index
    %get3A_2618 = arith.constant 0 : index
    %get3A_2619 = vector.load %arg2[%get3A_2617, %get3A_2618] : memref<128x200xf32, #tpu.memory_space<vmem>>, vector<1x200xf32>
    %broadcast_in_dim3A_2620 = vector.shape_cast %get3A_2619 : vector<1x200xf32> to vector<1x200xf32>
    %broadcast_in_dim3A_2621 = vector.broadcast %broadcast_in_dim3A_2620 : vector<1x200xf32> to vector<64x200xf32>
    %get3A_2622 = arith.constant 100 : index
    %get3A_2623 = arith.constant 0 : index
    %get3A_2624 = vector.load %arg3[%get3A_2622, %get3A_2623] : memref<128x200xf32, #tpu.memory_space<vmem>>, vector<1x200xf32>
    %broadcast_in_dim3A_2625 = vector.shape_cast %get3A_2624 : vector<1x200xf32> to vector<1x200xf32>
    %broadcast_in_dim3A_2626 = vector.broadcast %broadcast_in_dim3A_2625 : vector<1x200xf32> to vector<64x200xf32>
    %mul3A_2627 = vector.broadcast %get3A_11 : vector<64x1xf32> to vector<64x200xf32>
    %mul3A_2628 = arith.mulf %broadcast_in_dim3A_2616, %mul3A_2627 : vector<64x200xf32>
    %mul3A_2629 = vector.broadcast %get3A_14 : vector<64x1xf32> to vector<64x200xf32>
    %mul3A_2630 = arith.mulf %broadcast_in_dim3A_2621, %mul3A_2629 : vector<64x200xf32>
    %add3A_2631 = arith.addf %mul3A_2628, %mul3A_2630 : vector<64x200xf32>
    %add3A_2632 = vector.broadcast %add3A_8 : vector<64x1xf32> to vector<64x200xf32>
    %add3A_2633 = arith.addf %add3A_2631, %add3A_2632 : vector<64x200xf32>
    %mul3A_2634 = arith.mulf %add3A_2633, %broadcast_in_dim3A_2626 : vector<64x200xf32>
    %swap3A_2635 = arith.constant 6400 : index
    %swap3A_2636 = arith.constant 0 : index
    %swap3A_2637 = vector.load %arg9[%swap3A_2635, %swap3A_2636] : memref<8192x200xf32, #tpu.memory_space<vmem>>, vector<64x200xf32>
    tpu.vector_store %arg9[%swap3A_2635, %swap3A_2636], %mul3A_2634 {strides = array<i32>} : memref<8192x200xf32, #tpu.memory_space<vmem>>, vector<64x200xf32>,
    %get3A_2638 = arith.constant 101 : index
    %get3A_2639 = arith.constant 0 : index
    %get3A_2640 = vector.load %arg1[%get3A_2638, %get3A_2639] : memref<128x200xf32, #tpu.memory_space<vmem>>, vector<1x200xf32>
    %broadcast_in_dim3A_2641 = vector.shape_cast %get3A_2640 : vector<1x200xf32> to vector<1x200xf32>
    %broadcast_in_dim3A_2642 = vector.broadcast %broadcast_in_dim3A_2641 : vector<1x200xf32> to vector<64x200xf32>
    %get3A_2643 = arith.constant 101 : index
    %get3A_2644 = arith.constant 0 : index
    %get3A_2645 = vector.load %arg2[%get3A_2643, %get3A_2644] : memref<128x200xf32, #tpu.memory_space<vmem>>, vector<1x200xf32>
    %broadcast_in_dim3A_2646 = vector.shape_cast %get3A_2645 : vector<1x200xf32> to vector<1x200xf32>
    %broadcast_in_dim3A_2647 = vector.broadcast %broadcast_in_dim3A_2646 : vector<1x200xf32> to vector<64x200xf32>
    %get3A_2648 = arith.constant 101 : index
    %get3A_2649 = arith.constant 0 : index
    %get3A_2650 = vector.load %arg3[%get3A_2648, %get3A_2649] : memref<128x200xf32, #tpu.memory_space<vmem>>, vector<1x200xf32>
    %broadcast_in_dim3A_2651 = vector.shape_cast %get3A_2650 : vector<1x200xf32> to vector<1x200xf32>
    %broadcast_in_dim3A_2652 = vector.broadcast %broadcast_in_dim3A_2651 : vector<1x200xf32> to vector<64x200xf32>
    %mul3A_2653 = vector.broadcast %get3A_11 : vector<64x1xf32> to vector<64x200xf32>
    %mul3A_2654 = arith.mulf %broadcast_in_dim3A_2642, %mul3A_2653 : vector<64x200xf32>
    %mul3A_2655 = vector.broadcast %get3A_14 : vector<64x1xf32> to vector<64x200xf32>
    %mul3A_2656 = arith.mulf %broadcast_in_dim3A_2647, %mul3A_2655 : vector<64x200xf32>
    %add3A_2657 = arith.addf %mul3A_2654, %mul3A_2656 : vector<64x200xf32>
    %add3A_2658 = vector.broadcast %add3A_8 : vector<64x1xf32> to vector<64x200xf32>
    %add3A_2659 = arith.addf %add3A_2657, %add3A_2658 : vector<64x200xf32>
    %mul3A_2660 = arith.mulf %add3A_2659, %broadcast_in_dim3A_2652 : vector<64x200xf32>
    %swap3A_2661 = arith.constant 6464 : index
    %swap3A_2662 = arith.constant 0 : index
    %swap3A_2663 = vector.load %arg9[%swap3A_2661, %swap3A_2662] : memref<8192x200xf32, #tpu.memory_space<vmem>>, vector<64x200xf32>
    tpu.vector_store %arg9[%swap3A_2661, %swap3A_2662], %mul3A_2660 {strides = array<i32>} : memref<8192x200xf32, #tpu.memory_space<vmem>>, vector<64x200xf32>,
    %get3A_2664 = arith.constant 102 : index
    %get3A_2665 = arith.constant 0 : index
    %get3A_2666 = vector.load %arg1[%get3A_2664, %get3A_2665] : memref<128x200xf32, #tpu.memory_space<vmem>>, vector<1x200xf32>
    %broadcast_in_dim3A_2667 = vector.shape_cast %get3A_2666 : vector<1x200xf32> to vector<1x200xf32>
    %broadcast_in_dim3A_2668 = vector.broadcast %broadcast_in_dim3A_2667 : vector<1x200xf32> to vector<64x200xf32>
    %get3A_2669 = arith.constant 102 : index
    %get3A_2670 = arith.constant 0 : index
    %get3A_2671 = vector.load %arg2[%get3A_2669, %get3A_2670] : memref<128x200xf32, #tpu.memory_space<vmem>>, vector<1x200xf32>
    %broadcast_in_dim3A_2672 = vector.shape_cast %get3A_2671 : vector<1x200xf32> to vector<1x200xf32>
    %broadcast_in_dim3A_2673 = vector.broadcast %broadcast_in_dim3A_2672 : vector<1x200xf32> to vector<64x200xf32>
    %get3A_2674 = arith.constant 102 : index
    %get3A_2675 = arith.constant 0 : index
    %get3A_2676 = vector.load %arg3[%get3A_2674, %get3A_2675] : memref<128x200xf32, #tpu.memory_space<vmem>>, vector<1x200xf32>
    %broadcast_in_dim3A_2677 = vector.shape_cast %get3A_2676 : vector<1x200xf32> to vector<1x200xf32>
    %broadcast_in_dim3A_2678 = vector.broadcast %broadcast_in_dim3A_2677 : vector<1x200xf32> to vector<64x200xf32>
    %mul3A_2679 = vector.broadcast %get3A_11 : vector<64x1xf32> to vector<64x200xf32>
    %mul3A_2680 = arith.mulf %broadcast_in_dim3A_2668, %mul3A_2679 : vector<64x200xf32>
    %mul3A_2681 = vector.broadcast %get3A_14 : vector<64x1xf32> to vector<64x200xf32>
    %mul3A_2682 = arith.mulf %broadcast_in_dim3A_2673, %mul3A_2681 : vector<64x200xf32>
    %add3A_2683 = arith.addf %mul3A_2680, %mul3A_2682 : vector<64x200xf32>
    %add3A_2684 = vector.broadcast %add3A_8 : vector<64x1xf32> to vector<64x200xf32>
    %add3A_2685 = arith.addf %add3A_2683, %add3A_2684 : vector<64x200xf32>
    %mul3A_2686 = arith.mulf %add3A_2685, %broadcast_in_dim3A_2678 : vector<64x200xf32>
    %swap3A_2687 = arith.constant 6528 : index
    %swap3A_2688 = arith.constant 0 : index
    %swap3A_2689 = vector.load %arg9[%swap3A_2687, %swap3A_2688] : memref<8192x200xf32, #tpu.memory_space<vmem>>, vector<64x200xf32>
    tpu.vector_store %arg9[%swap3A_2687, %swap3A_2688], %mul3A_2686 {strides = array<i32>} : memref<8192x200xf32, #tpu.memory_space<vmem>>, vector<64x200xf32>,
    %get3A_2690 = arith.constant 103 : index
    %get3A_2691 = arith.constant 0 : index
    %get3A_2692 = vector.load %arg1[%get3A_2690, %get3A_2691] : memref<128x200xf32, #tpu.memory_space<vmem>>, vector<1x200xf32>
    %broadcast_in_dim3A_2693 = vector.shape_cast %get3A_2692 : vector<1x200xf32> to vector<1x200xf32>
    %broadcast_in_dim3A_2694 = vector.broadcast %broadcast_in_dim3A_2693 : vector<1x200xf32> to vector<64x200xf32>
    %get3A_2695 = arith.constant 103 : index
    %get3A_2696 = arith.constant 0 : index
    %get3A_2697 = vector.load %arg2[%get3A_2695, %get3A_2696] : memref<128x200xf32, #tpu.memory_space<vmem>>, vector<1x200xf32>
    %broadcast_in_dim3A_2698 = vector.shape_cast %get3A_2697 : vector<1x200xf32> to vector<1x200xf32>
    %broadcast_in_dim3A_2699 = vector.broadcast %broadcast_in_dim3A_2698 : vector<1x200xf32> to vector<64x200xf32>
    %get3A_2700 = arith.constant 103 : index
    %get3A_2701 = arith.constant 0 : index
    %get3A_2702 = vector.load %arg3[%get3A_2700, %get3A_2701] : memref<128x200xf32, #tpu.memory_space<vmem>>, vector<1x200xf32>
    %broadcast_in_dim3A_2703 = vector.shape_cast %get3A_2702 : vector<1x200xf32> to vector<1x200xf32>
    %broadcast_in_dim3A_2704 = vector.broadcast %broadcast_in_dim3A_2703 : vector<1x200xf32> to vector<64x200xf32>
    %mul3A_2705 = vector.broadcast %get3A_11 : vector<64x1xf32> to vector<64x200xf32>
    %mul3A_2706 = arith.mulf %broadcast_in_dim3A_2694, %mul3A_2705 : vector<64x200xf32>
    %mul3A_2707 = vector.broadcast %get3A_14 : vector<64x1xf32> to vector<64x200xf32>
    %mul3A_2708 = arith.mulf %broadcast_in_dim3A_2699, %mul3A_2707 : vector<64x200xf32>
    %add3A_2709 = arith.addf %mul3A_2706, %mul3A_2708 : vector<64x200xf32>
    %add3A_2710 = vector.broadcast %add3A_8 : vector<64x1xf32> to vector<64x200xf32>
    %add3A_2711 = arith.addf %add3A_2709, %add3A_2710 : vector<64x200xf32>
    %mul3A_2712 = arith.mulf %add3A_2711, %broadcast_in_dim3A_2704 : vector<64x200xf32>
    %swap3A_2713 = arith.constant 6592 : index
    %swap3A_2714 = arith.constant 0 : index
    %swap3A_2715 = vector.load %arg9[%swap3A_2713, %swap3A_2714] : memref<8192x200xf32, #tpu.memory_space<vmem>>, vector<64x200xf32>
    tpu.vector_store %arg9[%swap3A_2713, %swap3A_2714], %mul3A_2712 {strides = array<i32>} : memref<8192x200xf32, #tpu.memory_space<vmem>>, vector<64x200xf32>,
    %get3A_2716 = arith.constant 104 : index
    %get3A_2717 = arith.constant 0 : index
    %get3A_2718 = vector.load %arg1[%get3A_2716, %get3A_2717] : memref<128x200xf32, #tpu.memory_space<vmem>>, vector<1x200xf32>
    %broadcast_in_dim3A_2719 = vector.shape_cast %get3A_2718 : vector<1x200xf32> to vector<1x200xf32>
    %broadcast_in_dim3A_2720 = vector.broadcast %broadcast_in_dim3A_2719 : vector<1x200xf32> to vector<64x200xf32>
    %get3A_2721 = arith.constant 104 : index
    %get3A_2722 = arith.constant 0 : index
    %get3A_2723 = vector.load %arg2[%get3A_2721, %get3A_2722] : memref<128x200xf32, #tpu.memory_space<vmem>>, vector<1x200xf32>
    %broadcast_in_dim3A_2724 = vector.shape_cast %get3A_2723 : vector<1x200xf32> to vector<1x200xf32>
    %broadcast_in_dim3A_2725 = vector.broadcast %broadcast_in_dim3A_2724 : vector<1x200xf32> to vector<64x200xf32>
    %get3A_2726 = arith.constant 104 : index
    %get3A_2727 = arith.constant 0 : index
    %get3A_2728 = vector.load %arg3[%get3A_2726, %get3A_2727] : memref<128x200xf32, #tpu.memory_space<vmem>>, vector<1x200xf32>
    %broadcast_in_dim3A_2729 = vector.shape_cast %get3A_2728 : vector<1x200xf32> to vector<1x200xf32>
    %broadcast_in_dim3A_2730 = vector.broadcast %broadcast_in_dim3A_2729 : vector<1x200xf32> to vector<64x200xf32>
    %mul3A_2731 = vector.broadcast %get3A_11 : vector<64x1xf32> to vector<64x200xf32>
    %mul3A_2732 = arith.mulf %broadcast_in_dim3A_2720, %mul3A_2731 : vector<64x200xf32>
    %mul3A_2733 = vector.broadcast %get3A_14 : vector<64x1xf32> to vector<64x200xf32>
    %mul3A_2734 = arith.mulf %broadcast_in_dim3A_2725, %mul3A_2733 : vector<64x200xf32>
    %add3A_2735 = arith.addf %mul3A_2732, %mul3A_2734 : vector<64x200xf32>
    %add3A_2736 = vector.broadcast %add3A_8 : vector<64x1xf32> to vector<64x200xf32>
    %add3A_2737 = arith.addf %add3A_2735, %add3A_2736 : vector<64x200xf32>
    %mul3A_2738 = arith.mulf %add3A_2737, %broadcast_in_dim3A_2730 : vector<64x200xf32>
    %swap3A_2739 = arith.constant 6656 : index
    %swap3A_2740 = arith.constant 0 : index
    %swap3A_2741 = vector.load %arg9[%swap3A_2739, %swap3A_2740] : memref<8192x200xf32, #tpu.memory_space<vmem>>, vector<64x200xf32>
    tpu.vector_store %arg9[%swap3A_2739, %swap3A_2740], %mul3A_2738 {strides = array<i32>} : memref<8192x200xf32, #tpu.memory_space<vmem>>, vector<64x200xf32>,
    %get3A_2742 = arith.constant 105 : index
    %get3A_2743 = arith.constant 0 : index
    %get3A_2744 = vector.load %arg1[%get3A_2742, %get3A_2743] : memref<128x200xf32, #tpu.memory_space<vmem>>, vector<1x200xf32>
    %broadcast_in_dim3A_2745 = vector.shape_cast %get3A_2744 : vector<1x200xf32> to vector<1x200xf32>
    %broadcast_in_dim3A_2746 = vector.broadcast %broadcast_in_dim3A_2745 : vector<1x200xf32> to vector<64x200xf32>
    %get3A_2747 = arith.constant 105 : index
    %get3A_2748 = arith.constant 0 : index
    %get3A_2749 = vector.load %arg2[%get3A_2747, %get3A_2748] : memref<128x200xf32, #tpu.memory_space<vmem>>, vector<1x200xf32>
    %broadcast_in_dim3A_2750 = vector.shape_cast %get3A_2749 : vector<1x200xf32> to vector<1x200xf32>
    %broadcast_in_dim3A_2751 = vector.broadcast %broadcast_in_dim3A_2750 : vector<1x200xf32> to vector<64x200xf32>
    %get3A_2752 = arith.constant 105 : index
    %get3A_2753 = arith.constant 0 : index
    %get3A_2754 = vector.load %arg3[%get3A_2752, %get3A_2753] : memref<128x200xf32, #tpu.memory_space<vmem>>, vector<1x200xf32>
    %broadcast_in_dim3A_2755 = vector.shape_cast %get3A_2754 : vector<1x200xf32> to vector<1x200xf32>
    %broadcast_in_dim3A_2756 = vector.broadcast %broadcast_in_dim3A_2755 : vector<1x200xf32> to vector<64x200xf32>
    %mul3A_2757 = vector.broadcast %get3A_11 : vector<64x1xf32> to vector<64x200xf32>
    %mul3A_2758 = arith.mulf %broadcast_in_dim3A_2746, %mul3A_2757 : vector<64x200xf32>
    %mul3A_2759 = vector.broadcast %get3A_14 : vector<64x1xf32> to vector<64x200xf32>
    %mul3A_2760 = arith.mulf %broadcast_in_dim3A_2751, %mul3A_2759 : vector<64x200xf32>
    %add3A_2761 = arith.addf %mul3A_2758, %mul3A_2760 : vector<64x200xf32>
    %add3A_2762 = vector.broadcast %add3A_8 : vector<64x1xf32> to vector<64x200xf32>
    %add3A_2763 = arith.addf %add3A_2761, %add3A_2762 : vector<64x200xf32>
    %mul3A_2764 = arith.mulf %add3A_2763, %broadcast_in_dim3A_2756 : vector<64x200xf32>
    %swap3A_2765 = arith.constant 6720 : index
    %swap3A_2766 = arith.constant 0 : index
    %swap3A_2767 = vector.load %arg9[%swap3A_2765, %swap3A_2766] : memref<8192x200xf32, #tpu.memory_space<vmem>>, vector<64x200xf32>
    tpu.vector_store %arg9[%swap3A_2765, %swap3A_2766], %mul3A_2764 {strides = array<i32>} : memref<8192x200xf32, #tpu.memory_space<vmem>>, vector<64x200xf32>,
    %get3A_2768 = arith.constant 106 : index
    %get3A_2769 = arith.constant 0 : index
    %get3A_2770 = vector.load %arg1[%get3A_2768, %get3A_2769] : memref<128x200xf32, #tpu.memory_space<vmem>>, vector<1x200xf32>
    %broadcast_in_dim3A_2771 = vector.shape_cast %get3A_2770 : vector<1x200xf32> to vector<1x200xf32>
    %broadcast_in_dim3A_2772 = vector.broadcast %broadcast_in_dim3A_2771 : vector<1x200xf32> to vector<64x200xf32>
    %get3A_2773 = arith.constant 106 : index
    %get3A_2774 = arith.constant 0 : index
    %get3A_2775 = vector.load %arg2[%get3A_2773, %get3A_2774] : memref<128x200xf32, #tpu.memory_space<vmem>>, vector<1x200xf32>
    %broadcast_in_dim3A_2776 = vector.shape_cast %get3A_2775 : vector<1x200xf32> to vector<1x200xf32>
    %broadcast_in_dim3A_2777 = vector.broadcast %broadcast_in_dim3A_2776 : vector<1x200xf32> to vector<64x200xf32>
    %get3A_2778 = arith.constant 106 : index
    %get3A_2779 = arith.constant 0 : index
    %get3A_2780 = vector.load %arg3[%get3A_2778, %get3A_2779] : memref<128x200xf32, #tpu.memory_space<vmem>>, vector<1x200xf32>
    %broadcast_in_dim3A_2781 = vector.shape_cast %get3A_2780 : vector<1x200xf32> to vector<1x200xf32>
    %broadcast_in_dim3A_2782 = vector.broadcast %broadcast_in_dim3A_2781 : vector<1x200xf32> to vector<64x200xf32>
    %mul3A_2783 = vector.broadcast %get3A_11 : vector<64x1xf32> to vector<64x200xf32>
    %mul3A_2784 = arith.mulf %broadcast_in_dim3A_2772, %mul3A_2783 : vector<64x200xf32>
    %mul3A_2785 = vector.broadcast %get3A_14 : vector<64x1xf32> to vector<64x200xf32>
    %mul3A_2786 = arith.mulf %broadcast_in_dim3A_2777, %mul3A_2785 : vector<64x200xf32>
    %add3A_2787 = arith.addf %mul3A_2784, %mul3A_2786 : vector<64x200xf32>
    %add3A_2788 = vector.broadcast %add3A_8 : vector<64x1xf32> to vector<64x200xf32>
    %add3A_2789 = arith.addf %add3A_2787, %add3A_2788 : vector<64x200xf32>
    %mul3A_2790 = arith.mulf %add3A_2789, %broadcast_in_dim3A_2782 : vector<64x200xf32>
    %swap3A_2791 = arith.constant 6784 : index
    %swap3A_2792 = arith.constant 0 : index
    %swap3A_2793 = vector.load %arg9[%swap3A_2791, %swap3A_2792] : memref<8192x200xf32, #tpu.memory_space<vmem>>, vector<64x200xf32>
    tpu.vector_store %arg9[%swap3A_2791, %swap3A_2792], %mul3A_2790 {strides = array<i32>} : memref<8192x200xf32, #tpu.memory_space<vmem>>, vector<64x200xf32>,
    %get3A_2794 = arith.constant 107 : index
    %get3A_2795 = arith.constant 0 : index
    %get3A_2796 = vector.load %arg1[%get3A_2794, %get3A_2795] : memref<128x200xf32, #tpu.memory_space<vmem>>, vector<1x200xf32>
    %broadcast_in_dim3A_2797 = vector.shape_cast %get3A_2796 : vector<1x200xf32> to vector<1x200xf32>
    %broadcast_in_dim3A_2798 = vector.broadcast %broadcast_in_dim3A_2797 : vector<1x200xf32> to vector<64x200xf32>
    %get3A_2799 = arith.constant 107 : index
    %get3A_2800 = arith.constant 0 : index
    %get3A_2801 = vector.load %arg2[%get3A_2799, %get3A_2800] : memref<128x200xf32, #tpu.memory_space<vmem>>, vector<1x200xf32>
    %broadcast_in_dim3A_2802 = vector.shape_cast %get3A_2801 : vector<1x200xf32> to vector<1x200xf32>
    %broadcast_in_dim3A_2803 = vector.broadcast %broadcast_in_dim3A_2802 : vector<1x200xf32> to vector<64x200xf32>
    %get3A_2804 = arith.constant 107 : index
    %get3A_2805 = arith.constant 0 : index
    %get3A_2806 = vector.load %arg3[%get3A_2804, %get3A_2805] : memref<128x200xf32, #tpu.memory_space<vmem>>, vector<1x200xf32>
    %broadcast_in_dim3A_2807 = vector.shape_cast %get3A_2806 : vector<1x200xf32> to vector<1x200xf32>
    %broadcast_in_dim3A_2808 = vector.broadcast %broadcast_in_dim3A_2807 : vector<1x200xf32> to vector<64x200xf32>
    %mul3A_2809 = vector.broadcast %get3A_11 : vector<64x1xf32> to vector<64x200xf32>
    %mul3A_2810 = arith.mulf %broadcast_in_dim3A_2798, %mul3A_2809 : vector<64x200xf32>
    %mul3A_2811 = vector.broadcast %get3A_14 : vector<64x1xf32> to vector<64x200xf32>
    %mul3A_2812 = arith.mulf %broadcast_in_dim3A_2803, %mul3A_2811 : vector<64x200xf32>
    %add3A_2813 = arith.addf %mul3A_2810, %mul3A_2812 : vector<64x200xf32>
    %add3A_2814 = vector.broadcast %add3A_8 : vector<64x1xf32> to vector<64x200xf32>
    %add3A_2815 = arith.addf %add3A_2813, %add3A_2814 : vector<64x200xf32>
    %mul3A_2816 = arith.mulf %add3A_2815, %broadcast_in_dim3A_2808 : vector<64x200xf32>
    %swap3A_2817 = arith.constant 6848 : index
    %swap3A_2818 = arith.constant 0 : index
    %swap3A_2819 = vector.load %arg9[%swap3A_2817, %swap3A_2818] : memref<8192x200xf32, #tpu.memory_space<vmem>>, vector<64x200xf32>
    tpu.vector_store %arg9[%swap3A_2817, %swap3A_2818], %mul3A_2816 {strides = array<i32>} : memref<8192x200xf32, #tpu.memory_space<vmem>>, vector<64x200xf32>,
    %get3A_2820 = arith.constant 108 : index
    %get3A_2821 = arith.constant 0 : index
    %get3A_2822 = vector.load %arg1[%get3A_2820, %get3A_2821] : memref<128x200xf32, #tpu.memory_space<vmem>>, vector<1x200xf32>
    %broadcast_in_dim3A_2823 = vector.shape_cast %get3A_2822 : vector<1x200xf32> to vector<1x200xf32>
    %broadcast_in_dim3A_2824 = vector.broadcast %broadcast_in_dim3A_2823 : vector<1x200xf32> to vector<64x200xf32>
    %get3A_2825 = arith.constant 108 : index
    %get3A_2826 = arith.constant 0 : index
    %get3A_2827 = vector.load %arg2[%get3A_2825, %get3A_2826] : memref<128x200xf32, #tpu.memory_space<vmem>>, vector<1x200xf32>
    %broadcast_in_dim3A_2828 = vector.shape_cast %get3A_2827 : vector<1x200xf32> to vector<1x200xf32>
    %broadcast_in_dim3A_2829 = vector.broadcast %broadcast_in_dim3A_2828 : vector<1x200xf32> to vector<64x200xf32>
    %get3A_2830 = arith.constant 108 : index
    %get3A_2831 = arith.constant 0 : index
    %get3A_2832 = vector.load %arg3[%get3A_2830, %get3A_2831] : memref<128x200xf32, #tpu.memory_space<vmem>>, vector<1x200xf32>
    %broadcast_in_dim3A_2833 = vector.shape_cast %get3A_2832 : vector<1x200xf32> to vector<1x200xf32>
    %broadcast_in_dim3A_2834 = vector.broadcast %broadcast_in_dim3A_2833 : vector<1x200xf32> to vector<64x200xf32>
    %mul3A_2835 = vector.broadcast %get3A_11 : vector<64x1xf32> to vector<64x200xf32>
    %mul3A_2836 = arith.mulf %broadcast_in_dim3A_2824, %mul3A_2835 : vector<64x200xf32>
    %mul3A_2837 = vector.broadcast %get3A_14 : vector<64x1xf32> to vector<64x200xf32>
    %mul3A_2838 = arith.mulf %broadcast_in_dim3A_2829, %mul3A_2837 : vector<64x200xf32>
    %add3A_2839 = arith.addf %mul3A_2836, %mul3A_2838 : vector<64x200xf32>
    %add3A_2840 = vector.broadcast %add3A_8 : vector<64x1xf32> to vector<64x200xf32>
    %add3A_2841 = arith.addf %add3A_2839, %add3A_2840 : vector<64x200xf32>
    %mul3A_2842 = arith.mulf %add3A_2841, %broadcast_in_dim3A_2834 : vector<64x200xf32>
    %swap3A_2843 = arith.constant 6912 : index
    %swap3A_2844 = arith.constant 0 : index
    %swap3A_2845 = vector.load %arg9[%swap3A_2843, %swap3A_2844] : memref<8192x200xf32, #tpu.memory_space<vmem>>, vector<64x200xf32>
    tpu.vector_store %arg9[%swap3A_2843, %swap3A_2844], %mul3A_2842 {strides = array<i32>} : memref<8192x200xf32, #tpu.memory_space<vmem>>, vector<64x200xf32>,
    %get3A_2846 = arith.constant 109 : index
    %get3A_2847 = arith.constant 0 : index
    %get3A_2848 = vector.load %arg1[%get3A_2846, %get3A_2847] : memref<128x200xf32, #tpu.memory_space<vmem>>, vector<1x200xf32>
    %broadcast_in_dim3A_2849 = vector.shape_cast %get3A_2848 : vector<1x200xf32> to vector<1x200xf32>
    %broadcast_in_dim3A_2850 = vector.broadcast %broadcast_in_dim3A_2849 : vector<1x200xf32> to vector<64x200xf32>
    %get3A_2851 = arith.constant 109 : index
    %get3A_2852 = arith.constant 0 : index
    %get3A_2853 = vector.load %arg2[%get3A_2851, %get3A_2852] : memref<128x200xf32, #tpu.memory_space<vmem>>, vector<1x200xf32>
    %broadcast_in_dim3A_2854 = vector.shape_cast %get3A_2853 : vector<1x200xf32> to vector<1x200xf32>
    %broadcast_in_dim3A_2855 = vector.broadcast %broadcast_in_dim3A_2854 : vector<1x200xf32> to vector<64x200xf32>
    %get3A_2856 = arith.constant 109 : index
    %get3A_2857 = arith.constant 0 : index
    %get3A_2858 = vector.load %arg3[%get3A_2856, %get3A_2857] : memref<128x200xf32, #tpu.memory_space<vmem>>, vector<1x200xf32>
    %broadcast_in_dim3A_2859 = vector.shape_cast %get3A_2858 : vector<1x200xf32> to vector<1x200xf32>
    %broadcast_in_dim3A_2860 = vector.broadcast %broadcast_in_dim3A_2859 : vector<1x200xf32> to vector<64x200xf32>
    %mul3A_2861 = vector.broadcast %get3A_11 : vector<64x1xf32> to vector<64x200xf32>
    %mul3A_2862 = arith.mulf %broadcast_in_dim3A_2850, %mul3A_2861 : vector<64x200xf32>
    %mul3A_2863 = vector.broadcast %get3A_14 : vector<64x1xf32> to vector<64x200xf32>
    %mul3A_2864 = arith.mulf %broadcast_in_dim3A_2855, %mul3A_2863 : vector<64x200xf32>
    %add3A_2865 = arith.addf %mul3A_2862, %mul3A_2864 : vector<64x200xf32>
    %add3A_2866 = vector.broadcast %add3A_8 : vector<64x1xf32> to vector<64x200xf32>
    %add3A_2867 = arith.addf %add3A_2865, %add3A_2866 : vector<64x200xf32>
    %mul3A_2868 = arith.mulf %add3A_2867, %broadcast_in_dim3A_2860 : vector<64x200xf32>
    %swap3A_2869 = arith.constant 6976 : index
    %swap3A_2870 = arith.constant 0 : index
    %swap3A_2871 = vector.load %arg9[%swap3A_2869, %swap3A_2870] : memref<8192x200xf32, #tpu.memory_space<vmem>>, vector<64x200xf32>
    tpu.vector_store %arg9[%swap3A_2869, %swap3A_2870], %mul3A_2868 {strides = array<i32>} : memref<8192x200xf32, #tpu.memory_space<vmem>>, vector<64x200xf32>,
    %get3A_2872 = arith.constant 110 : index
    %get3A_2873 = arith.constant 0 : index
    %get3A_2874 = vector.load %arg1[%get3A_2872, %get3A_2873] : memref<128x200xf32, #tpu.memory_space<vmem>>, vector<1x200xf32>
    %broadcast_in_dim3A_2875 = vector.shape_cast %get3A_2874 : vector<1x200xf32> to vector<1x200xf32>
    %broadcast_in_dim3A_2876 = vector.broadcast %broadcast_in_dim3A_2875 : vector<1x200xf32> to vector<64x200xf32>
    %get3A_2877 = arith.constant 110 : index
    %get3A_2878 = arith.constant 0 : index
    %get3A_2879 = vector.load %arg2[%get3A_2877, %get3A_2878] : memref<128x200xf32, #tpu.memory_space<vmem>>, vector<1x200xf32>
    %broadcast_in_dim3A_2880 = vector.shape_cast %get3A_2879 : vector<1x200xf32> to vector<1x200xf32>
    %broadcast_in_dim3A_2881 = vector.broadcast %broadcast_in_dim3A_2880 : vector<1x200xf32> to vector<64x200xf32>
    %get3A_2882 = arith.constant 110 : index
    %get3A_2883 = arith.constant 0 : index
    %get3A_2884 = vector.load %arg3[%get3A_2882, %get3A_2883] : memref<128x200xf32, #tpu.memory_space<vmem>>, vector<1x200xf32>
    %broadcast_in_dim3A_2885 = vector.shape_cast %get3A_2884 : vector<1x200xf32> to vector<1x200xf32>
    %broadcast_in_dim3A_2886 = vector.broadcast %broadcast_in_dim3A_2885 : vector<1x200xf32> to vector<64x200xf32>
    %mul3A_2887 = vector.broadcast %get3A_11 : vector<64x1xf32> to vector<64x200xf32>
    %mul3A_2888 = arith.mulf %broadcast_in_dim3A_2876, %mul3A_2887 : vector<64x200xf32>
    %mul3A_2889 = vector.broadcast %get3A_14 : vector<64x1xf32> to vector<64x200xf32>
    %mul3A_2890 = arith.mulf %broadcast_in_dim3A_2881, %mul3A_2889 : vector<64x200xf32>
    %add3A_2891 = arith.addf %mul3A_2888, %mul3A_2890 : vector<64x200xf32>
    %add3A_2892 = vector.broadcast %add3A_8 : vector<64x1xf32> to vector<64x200xf32>
    %add3A_2893 = arith.addf %add3A_2891, %add3A_2892 : vector<64x200xf32>
    %mul3A_2894 = arith.mulf %add3A_2893, %broadcast_in_dim3A_2886 : vector<64x200xf32>
    %swap3A_2895 = arith.constant 7040 : index
    %swap3A_2896 = arith.constant 0 : index
    %swap3A_2897 = vector.load %arg9[%swap3A_2895, %swap3A_2896] : memref<8192x200xf32, #tpu.memory_space<vmem>>, vector<64x200xf32>
    tpu.vector_store %arg9[%swap3A_2895, %swap3A_2896], %mul3A_2894 {strides = array<i32>} : memref<8192x200xf32, #tpu.memory_space<vmem>>, vector<64x200xf32>,
    %get3A_2898 = arith.constant 111 : index
    %get3A_2899 = arith.constant 0 : index
    %get3A_2900 = vector.load %arg1[%get3A_2898, %get3A_2899] : memref<128x200xf32, #tpu.memory_space<vmem>>, vector<1x200xf32>
    %broadcast_in_dim3A_2901 = vector.shape_cast %get3A_2900 : vector<1x200xf32> to vector<1x200xf32>
    %broadcast_in_dim3A_2902 = vector.broadcast %broadcast_in_dim3A_2901 : vector<1x200xf32> to vector<64x200xf32>
    %get3A_2903 = arith.constant 111 : index
    %get3A_2904 = arith.constant 0 : index
    %get3A_2905 = vector.load %arg2[%get3A_2903, %get3A_2904] : memref<128x200xf32, #tpu.memory_space<vmem>>, vector<1x200xf32>
    %broadcast_in_dim3A_2906 = vector.shape_cast %get3A_2905 : vector<1x200xf32> to vector<1x200xf32>
    %broadcast_in_dim3A_2907 = vector.broadcast %broadcast_in_dim3A_2906 : vector<1x200xf32> to vector<64x200xf32>
    %get3A_2908 = arith.constant 111 : index
    %get3A_2909 = arith.constant 0 : index
    %get3A_2910 = vector.load %arg3[%get3A_2908, %get3A_2909] : memref<128x200xf32, #tpu.memory_space<vmem>>, vector<1x200xf32>
    %broadcast_in_dim3A_2911 = vector.shape_cast %get3A_2910 : vector<1x200xf32> to vector<1x200xf32>
    %broadcast_in_dim3A_2912 = vector.broadcast %broadcast_in_dim3A_2911 : vector<1x200xf32> to vector<64x200xf32>
    %mul3A_2913 = vector.broadcast %get3A_11 : vector<64x1xf32> to vector<64x200xf32>
    %mul3A_2914 = arith.mulf %broadcast_in_dim3A_2902, %mul3A_2913 : vector<64x200xf32>
    %mul3A_2915 = vector.broadcast %get3A_14 : vector<64x1xf32> to vector<64x200xf32>
    %mul3A_2916 = arith.mulf %broadcast_in_dim3A_2907, %mul3A_2915 : vector<64x200xf32>
    %add3A_2917 = arith.addf %mul3A_2914, %mul3A_2916 : vector<64x200xf32>
    %add3A_2918 = vector.broadcast %add3A_8 : vector<64x1xf32> to vector<64x200xf32>
    %add3A_2919 = arith.addf %add3A_2917, %add3A_2918 : vector<64x200xf32>
    %mul3A_2920 = arith.mulf %add3A_2919, %broadcast_in_dim3A_2912 : vector<64x200xf32>
    %swap3A_2921 = arith.constant 7104 : index
    %swap3A_2922 = arith.constant 0 : index
    %swap3A_2923 = vector.load %arg9[%swap3A_2921, %swap3A_2922] : memref<8192x200xf32, #tpu.memory_space<vmem>>, vector<64x200xf32>
    tpu.vector_store %arg9[%swap3A_2921, %swap3A_2922], %mul3A_2920 {strides = array<i32>} : memref<8192x200xf32, #tpu.memory_space<vmem>>, vector<64x200xf32>,
    %get3A_2924 = arith.constant 112 : index
    %get3A_2925 = arith.constant 0 : index
    %get3A_2926 = vector.load %arg1[%get3A_2924, %get3A_2925] : memref<128x200xf32, #tpu.memory_space<vmem>>, vector<1x200xf32>
    %broadcast_in_dim3A_2927 = vector.shape_cast %get3A_2926 : vector<1x200xf32> to vector<1x200xf32>
    %broadcast_in_dim3A_2928 = vector.broadcast %broadcast_in_dim3A_2927 : vector<1x200xf32> to vector<64x200xf32>
    %get3A_2929 = arith.constant 112 : index
    %get3A_2930 = arith.constant 0 : index
    %get3A_2931 = vector.load %arg2[%get3A_2929, %get3A_2930] : memref<128x200xf32, #tpu.memory_space<vmem>>, vector<1x200xf32>
    %broadcast_in_dim3A_2932 = vector.shape_cast %get3A_2931 : vector<1x200xf32> to vector<1x200xf32>
    %broadcast_in_dim3A_2933 = vector.broadcast %broadcast_in_dim3A_2932 : vector<1x200xf32> to vector<64x200xf32>
    %get3A_2934 = arith.constant 112 : index
    %get3A_2935 = arith.constant 0 : index
    %get3A_2936 = vector.load %arg3[%get3A_2934, %get3A_2935] : memref<128x200xf32, #tpu.memory_space<vmem>>, vector<1x200xf32>
    %broadcast_in_dim3A_2937 = vector.shape_cast %get3A_2936 : vector<1x200xf32> to vector<1x200xf32>
    %broadcast_in_dim3A_2938 = vector.broadcast %broadcast_in_dim3A_2937 : vector<1x200xf32> to vector<64x200xf32>
    %mul3A_2939 = vector.broadcast %get3A_11 : vector<64x1xf32> to vector<64x200xf32>
    %mul3A_2940 = arith.mulf %broadcast_in_dim3A_2928, %mul3A_2939 : vector<64x200xf32>
    %mul3A_2941 = vector.broadcast %get3A_14 : vector<64x1xf32> to vector<64x200xf32>
    %mul3A_2942 = arith.mulf %broadcast_in_dim3A_2933, %mul3A_2941 : vector<64x200xf32>
    %add3A_2943 = arith.addf %mul3A_2940, %mul3A_2942 : vector<64x200xf32>
    %add3A_2944 = vector.broadcast %add3A_8 : vector<64x1xf32> to vector<64x200xf32>
    %add3A_2945 = arith.addf %add3A_2943, %add3A_2944 : vector<64x200xf32>
    %mul3A_2946 = arith.mulf %add3A_2945, %broadcast_in_dim3A_2938 : vector<64x200xf32>
    %swap3A_2947 = arith.constant 7168 : index
    %swap3A_2948 = arith.constant 0 : index
    %swap3A_2949 = vector.load %arg9[%swap3A_2947, %swap3A_2948] : memref<8192x200xf32, #tpu.memory_space<vmem>>, vector<64x200xf32>
    tpu.vector_store %arg9[%swap3A_2947, %swap3A_2948], %mul3A_2946 {strides = array<i32>} : memref<8192x200xf32, #tpu.memory_space<vmem>>, vector<64x200xf32>,
    %get3A_2950 = arith.constant 113 : index
    %get3A_2951 = arith.constant 0 : index
    %get3A_2952 = vector.load %arg1[%get3A_2950, %get3A_2951] : memref<128x200xf32, #tpu.memory_space<vmem>>, vector<1x200xf32>
    %broadcast_in_dim3A_2953 = vector.shape_cast %get3A_2952 : vector<1x200xf32> to vector<1x200xf32>
    %broadcast_in_dim3A_2954 = vector.broadcast %broadcast_in_dim3A_2953 : vector<1x200xf32> to vector<64x200xf32>
    %get3A_2955 = arith.constant 113 : index
    %get3A_2956 = arith.constant 0 : index
    %get3A_2957 = vector.load %arg2[%get3A_2955, %get3A_2956] : memref<128x200xf32, #tpu.memory_space<vmem>>, vector<1x200xf32>
    %broadcast_in_dim3A_2958 = vector.shape_cast %get3A_2957 : vector<1x200xf32> to vector<1x200xf32>
    %broadcast_in_dim3A_2959 = vector.broadcast %broadcast_in_dim3A_2958 : vector<1x200xf32> to vector<64x200xf32>
    %get3A_2960 = arith.constant 113 : index
    %get3A_2961 = arith.constant 0 : index
    %get3A_2962 = vector.load %arg3[%get3A_2960, %get3A_2961] : memref<128x200xf32, #tpu.memory_space<vmem>>, vector<1x200xf32>
    %broadcast_in_dim3A_2963 = vector.shape_cast %get3A_2962 : vector<1x200xf32> to vector<1x200xf32>
    %broadcast_in_dim3A_2964 = vector.broadcast %broadcast_in_dim3A_2963 : vector<1x200xf32> to vector<64x200xf32>
    %mul3A_2965 = vector.broadcast %get3A_11 : vector<64x1xf32> to vector<64x200xf32>
    %mul3A_2966 = arith.mulf %broadcast_in_dim3A_2954, %mul3A_2965 : vector<64x200xf32>
    %mul3A_2967 = vector.broadcast %get3A_14 : vector<64x1xf32> to vector<64x200xf32>
    %mul3A_2968 = arith.mulf %broadcast_in_dim3A_2959, %mul3A_2967 : vector<64x200xf32>
    %add3A_2969 = arith.addf %mul3A_2966, %mul3A_2968 : vector<64x200xf32>
    %add3A_2970 = vector.broadcast %add3A_8 : vector<64x1xf32> to vector<64x200xf32>
    %add3A_2971 = arith.addf %add3A_2969, %add3A_2970 : vector<64x200xf32>
    %mul3A_2972 = arith.mulf %add3A_2971, %broadcast_in_dim3A_2964 : vector<64x200xf32>
    %swap3A_2973 = arith.constant 7232 : index
    %swap3A_2974 = arith.constant 0 : index
    %swap3A_2975 = vector.load %arg9[%swap3A_2973, %swap3A_2974] : memref<8192x200xf32, #tpu.memory_space<vmem>>, vector<64x200xf32>
    tpu.vector_store %arg9[%swap3A_2973, %swap3A_2974], %mul3A_2972 {strides = array<i32>} : memref<8192x200xf32, #tpu.memory_space<vmem>>, vector<64x200xf32>,
    %get3A_2976 = arith.constant 114 : index
    %get3A_2977 = arith.constant 0 : index
    %get3A_2978 = vector.load %arg1[%get3A_2976, %get3A_2977] : memref<128x200xf32, #tpu.memory_space<vmem>>, vector<1x200xf32>
    %broadcast_in_dim3A_2979 = vector.shape_cast %get3A_2978 : vector<1x200xf32> to vector<1x200xf32>
    %broadcast_in_dim3A_2980 = vector.broadcast %broadcast_in_dim3A_2979 : vector<1x200xf32> to vector<64x200xf32>
    %get3A_2981 = arith.constant 114 : index
    %get3A_2982 = arith.constant 0 : index
    %get3A_2983 = vector.load %arg2[%get3A_2981, %get3A_2982] : memref<128x200xf32, #tpu.memory_space<vmem>>, vector<1x200xf32>
    %broadcast_in_dim3A_2984 = vector.shape_cast %get3A_2983 : vector<1x200xf32> to vector<1x200xf32>
    %broadcast_in_dim3A_2985 = vector.broadcast %broadcast_in_dim3A_2984 : vector<1x200xf32> to vector<64x200xf32>
    %get3A_2986 = arith.constant 114 : index
    %get3A_2987 = arith.constant 0 : index
    %get3A_2988 = vector.load %arg3[%get3A_2986, %get3A_2987] : memref<128x200xf32, #tpu.memory_space<vmem>>, vector<1x200xf32>
    %broadcast_in_dim3A_2989 = vector.shape_cast %get3A_2988 : vector<1x200xf32> to vector<1x200xf32>
    %broadcast_in_dim3A_2990 = vector.broadcast %broadcast_in_dim3A_2989 : vector<1x200xf32> to vector<64x200xf32>
    %mul3A_2991 = vector.broadcast %get3A_11 : vector<64x1xf32> to vector<64x200xf32>
    %mul3A_2992 = arith.mulf %broadcast_in_dim3A_2980, %mul3A_2991 : vector<64x200xf32>
    %mul3A_2993 = vector.broadcast %get3A_14 : vector<64x1xf32> to vector<64x200xf32>
    %mul3A_2994 = arith.mulf %broadcast_in_dim3A_2985, %mul3A_2993 : vector<64x200xf32>
    %add3A_2995 = arith.addf %mul3A_2992, %mul3A_2994 : vector<64x200xf32>
    %add3A_2996 = vector.broadcast %add3A_8 : vector<64x1xf32> to vector<64x200xf32>
    %add3A_2997 = arith.addf %add3A_2995, %add3A_2996 : vector<64x200xf32>
    %mul3A_2998 = arith.mulf %add3A_2997, %broadcast_in_dim3A_2990 : vector<64x200xf32>
    %swap3A_2999 = arith.constant 7296 : index
    %swap3A_3000 = arith.constant 0 : index
    %swap3A_3001 = vector.load %arg9[%swap3A_2999, %swap3A_3000] : memref<8192x200xf32, #tpu.memory_space<vmem>>, vector<64x200xf32>
    tpu.vector_store %arg9[%swap3A_2999, %swap3A_3000], %mul3A_2998 {strides = array<i32>} : memref<8192x200xf32, #tpu.memory_space<vmem>>, vector<64x200xf32>,
    %get3A_3002 = arith.constant 115 : index
    %get3A_3003 = arith.constant 0 : index
    %get3A_3004 = vector.load %arg1[%get3A_3002, %get3A_3003] : memref<128x200xf32, #tpu.memory_space<vmem>>, vector<1x200xf32>
    %broadcast_in_dim3A_3005 = vector.shape_cast %get3A_3004 : vector<1x200xf32> to vector<1x200xf32>
    %broadcast_in_dim3A_3006 = vector.broadcast %broadcast_in_dim3A_3005 : vector<1x200xf32> to vector<64x200xf32>
    %get3A_3007 = arith.constant 115 : index
    %get3A_3008 = arith.constant 0 : index
    %get3A_3009 = vector.load %arg2[%get3A_3007, %get3A_3008] : memref<128x200xf32, #tpu.memory_space<vmem>>, vector<1x200xf32>
    %broadcast_in_dim3A_3010 = vector.shape_cast %get3A_3009 : vector<1x200xf32> to vector<1x200xf32>
    %broadcast_in_dim3A_3011 = vector.broadcast %broadcast_in_dim3A_3010 : vector<1x200xf32> to vector<64x200xf32>
    %get3A_3012 = arith.constant 115 : index
    %get3A_3013 = arith.constant 0 : index
    %get3A_3014 = vector.load %arg3[%get3A_3012, %get3A_3013] : memref<128x200xf32, #tpu.memory_space<vmem>>, vector<1x200xf32>
    %broadcast_in_dim3A_3015 = vector.shape_cast %get3A_3014 : vector<1x200xf32> to vector<1x200xf32>
    %broadcast_in_dim3A_3016 = vector.broadcast %broadcast_in_dim3A_3015 : vector<1x200xf32> to vector<64x200xf32>
    %mul3A_3017 = vector.broadcast %get3A_11 : vector<64x1xf32> to vector<64x200xf32>
    %mul3A_3018 = arith.mulf %broadcast_in_dim3A_3006, %mul3A_3017 : vector<64x200xf32>
    %mul3A_3019 = vector.broadcast %get3A_14 : vector<64x1xf32> to vector<64x200xf32>
    %mul3A_3020 = arith.mulf %broadcast_in_dim3A_3011, %mul3A_3019 : vector<64x200xf32>
    %add3A_3021 = arith.addf %mul3A_3018, %mul3A_3020 : vector<64x200xf32>
    %add3A_3022 = vector.broadcast %add3A_8 : vector<64x1xf32> to vector<64x200xf32>
    %add3A_3023 = arith.addf %add3A_3021, %add3A_3022 : vector<64x200xf32>
    %mul3A_3024 = arith.mulf %add3A_3023, %broadcast_in_dim3A_3016 : vector<64x200xf32>
    %swap3A_3025 = arith.constant 7360 : index
    %swap3A_3026 = arith.constant 0 : index
    %swap3A_3027 = vector.load %arg9[%swap3A_3025, %swap3A_3026] : memref<8192x200xf32, #tpu.memory_space<vmem>>, vector<64x200xf32>
    tpu.vector_store %arg9[%swap3A_3025, %swap3A_3026], %mul3A_3024 {strides = array<i32>} : memref<8192x200xf32, #tpu.memory_space<vmem>>, vector<64x200xf32>,
    %get3A_3028 = arith.constant 116 : index
    %get3A_3029 = arith.constant 0 : index
    %get3A_3030 = vector.load %arg1[%get3A_3028, %get3A_3029] : memref<128x200xf32, #tpu.memory_space<vmem>>, vector<1x200xf32>
    %broadcast_in_dim3A_3031 = vector.shape_cast %get3A_3030 : vector<1x200xf32> to vector<1x200xf32>
    %broadcast_in_dim3A_3032 = vector.broadcast %broadcast_in_dim3A_3031 : vector<1x200xf32> to vector<64x200xf32>
    %get3A_3033 = arith.constant 116 : index
    %get3A_3034 = arith.constant 0 : index
    %get3A_3035 = vector.load %arg2[%get3A_3033, %get3A_3034] : memref<128x200xf32, #tpu.memory_space<vmem>>, vector<1x200xf32>
    %broadcast_in_dim3A_3036 = vector.shape_cast %get3A_3035 : vector<1x200xf32> to vector<1x200xf32>
    %broadcast_in_dim3A_3037 = vector.broadcast %broadcast_in_dim3A_3036 : vector<1x200xf32> to vector<64x200xf32>
    %get3A_3038 = arith.constant 116 : index
    %get3A_3039 = arith.constant 0 : index
    %get3A_3040 = vector.load %arg3[%get3A_3038, %get3A_3039] : memref<128x200xf32, #tpu.memory_space<vmem>>, vector<1x200xf32>
    %broadcast_in_dim3A_3041 = vector.shape_cast %get3A_3040 : vector<1x200xf32> to vector<1x200xf32>
    %broadcast_in_dim3A_3042 = vector.broadcast %broadcast_in_dim3A_3041 : vector<1x200xf32> to vector<64x200xf32>
    %mul3A_3043 = vector.broadcast %get3A_11 : vector<64x1xf32> to vector<64x200xf32>
    %mul3A_3044 = arith.mulf %broadcast_in_dim3A_3032, %mul3A_3043 : vector<64x200xf32>
    %mul3A_3045 = vector.broadcast %get3A_14 : vector<64x1xf32> to vector<64x200xf32>
    %mul3A_3046 = arith.mulf %broadcast_in_dim3A_3037, %mul3A_3045 : vector<64x200xf32>
    %add3A_3047 = arith.addf %mul3A_3044, %mul3A_3046 : vector<64x200xf32>
    %add3A_3048 = vector.broadcast %add3A_8 : vector<64x1xf32> to vector<64x200xf32>
    %add3A_3049 = arith.addf %add3A_3047, %add3A_3048 : vector<64x200xf32>
    %mul3A_3050 = arith.mulf %add3A_3049, %broadcast_in_dim3A_3042 : vector<64x200xf32>
    %swap3A_3051 = arith.constant 7424 : index
    %swap3A_3052 = arith.constant 0 : index
    %swap3A_3053 = vector.load %arg9[%swap3A_3051, %swap3A_3052] : memref<8192x200xf32, #tpu.memory_space<vmem>>, vector<64x200xf32>
    tpu.vector_store %arg9[%swap3A_3051, %swap3A_3052], %mul3A_3050 {strides = array<i32>} : memref<8192x200xf32, #tpu.memory_space<vmem>>, vector<64x200xf32>,
    %get3A_3054 = arith.constant 117 : index
    %get3A_3055 = arith.constant 0 : index
    %get3A_3056 = vector.load %arg1[%get3A_3054, %get3A_3055] : memref<128x200xf32, #tpu.memory_space<vmem>>, vector<1x200xf32>
    %broadcast_in_dim3A_3057 = vector.shape_cast %get3A_3056 : vector<1x200xf32> to vector<1x200xf32>
    %broadcast_in_dim3A_3058 = vector.broadcast %broadcast_in_dim3A_3057 : vector<1x200xf32> to vector<64x200xf32>
    %get3A_3059 = arith.constant 117 : index
    %get3A_3060 = arith.constant 0 : index
    %get3A_3061 = vector.load %arg2[%get3A_3059, %get3A_3060] : memref<128x200xf32, #tpu.memory_space<vmem>>, vector<1x200xf32>
    %broadcast_in_dim3A_3062 = vector.shape_cast %get3A_3061 : vector<1x200xf32> to vector<1x200xf32>
    %broadcast_in_dim3A_3063 = vector.broadcast %broadcast_in_dim3A_3062 : vector<1x200xf32> to vector<64x200xf32>
    %get3A_3064 = arith.constant 117 : index
    %get3A_3065 = arith.constant 0 : index
    %get3A_3066 = vector.load %arg3[%get3A_3064, %get3A_3065] : memref<128x200xf32, #tpu.memory_space<vmem>>, vector<1x200xf32>
    %broadcast_in_dim3A_3067 = vector.shape_cast %get3A_3066 : vector<1x200xf32> to vector<1x200xf32>
    %broadcast_in_dim3A_3068 = vector.broadcast %broadcast_in_dim3A_3067 : vector<1x200xf32> to vector<64x200xf32>
    %mul3A_3069 = vector.broadcast %get3A_11 : vector<64x1xf32> to vector<64x200xf32>
    %mul3A_3070 = arith.mulf %broadcast_in_dim3A_3058, %mul3A_3069 : vector<64x200xf32>
    %mul3A_3071 = vector.broadcast %get3A_14 : vector<64x1xf32> to vector<64x200xf32>
    %mul3A_3072 = arith.mulf %broadcast_in_dim3A_3063, %mul3A_3071 : vector<64x200xf32>
    %add3A_3073 = arith.addf %mul3A_3070, %mul3A_3072 : vector<64x200xf32>
    %add3A_3074 = vector.broadcast %add3A_8 : vector<64x1xf32> to vector<64x200xf32>
    %add3A_3075 = arith.addf %add3A_3073, %add3A_3074 : vector<64x200xf32>
    %mul3A_3076 = arith.mulf %add3A_3075, %broadcast_in_dim3A_3068 : vector<64x200xf32>
    %swap3A_3077 = arith.constant 7488 : index
    %swap3A_3078 = arith.constant 0 : index
    %swap3A_3079 = vector.load %arg9[%swap3A_3077, %swap3A_3078] : memref<8192x200xf32, #tpu.memory_space<vmem>>, vector<64x200xf32>
    tpu.vector_store %arg9[%swap3A_3077, %swap3A_3078], %mul3A_3076 {strides = array<i32>} : memref<8192x200xf32, #tpu.memory_space<vmem>>, vector<64x200xf32>,
    %get3A_3080 = arith.constant 118 : index
    %get3A_3081 = arith.constant 0 : index
    %get3A_3082 = vector.load %arg1[%get3A_3080, %get3A_3081] : memref<128x200xf32, #tpu.memory_space<vmem>>, vector<1x200xf32>
    %broadcast_in_dim3A_3083 = vector.shape_cast %get3A_3082 : vector<1x200xf32> to vector<1x200xf32>
    %broadcast_in_dim3A_3084 = vector.broadcast %broadcast_in_dim3A_3083 : vector<1x200xf32> to vector<64x200xf32>
    %get3A_3085 = arith.constant 118 : index
    %get3A_3086 = arith.constant 0 : index
    %get3A_3087 = vector.load %arg2[%get3A_3085, %get3A_3086] : memref<128x200xf32, #tpu.memory_space<vmem>>, vector<1x200xf32>
    %broadcast_in_dim3A_3088 = vector.shape_cast %get3A_3087 : vector<1x200xf32> to vector<1x200xf32>
    %broadcast_in_dim3A_3089 = vector.broadcast %broadcast_in_dim3A_3088 : vector<1x200xf32> to vector<64x200xf32>
    %get3A_3090 = arith.constant 118 : index
    %get3A_3091 = arith.constant 0 : index
    %get3A_3092 = vector.load %arg3[%get3A_3090, %get3A_3091] : memref<128x200xf32, #tpu.memory_space<vmem>>, vector<1x200xf32>
    %broadcast_in_dim3A_3093 = vector.shape_cast %get3A_3092 : vector<1x200xf32> to vector<1x200xf32>
    %broadcast_in_dim3A_3094 = vector.broadcast %broadcast_in_dim3A_3093 : vector<1x200xf32> to vector<64x200xf32>
    %mul3A_3095 = vector.broadcast %get3A_11 : vector<64x1xf32> to vector<64x200xf32>
    %mul3A_3096 = arith.mulf %broadcast_in_dim3A_3084, %mul3A_3095 : vector<64x200xf32>
    %mul3A_3097 = vector.broadcast %get3A_14 : vector<64x1xf32> to vector<64x200xf32>
    %mul3A_3098 = arith.mulf %broadcast_in_dim3A_3089, %mul3A_3097 : vector<64x200xf32>
    %add3A_3099 = arith.addf %mul3A_3096, %mul3A_3098 : vector<64x200xf32>
    %add3A_3100 = vector.broadcast %add3A_8 : vector<64x1xf32> to vector<64x200xf32>
    %add3A_3101 = arith.addf %add3A_3099, %add3A_3100 : vector<64x200xf32>
    %mul3A_3102 = arith.mulf %add3A_3101, %broadcast_in_dim3A_3094 : vector<64x200xf32>
    %swap3A_3103 = arith.constant 7552 : index
    %swap3A_3104 = arith.constant 0 : index
    %swap3A_3105 = vector.load %arg9[%swap3A_3103, %swap3A_3104] : memref<8192x200xf32, #tpu.memory_space<vmem>>, vector<64x200xf32>
    tpu.vector_store %arg9[%swap3A_3103, %swap3A_3104], %mul3A_3102 {strides = array<i32>} : memref<8192x200xf32, #tpu.memory_space<vmem>>, vector<64x200xf32>,
    %get3A_3106 = arith.constant 119 : index
    %get3A_3107 = arith.constant 0 : index
    %get3A_3108 = vector.load %arg1[%get3A_3106, %get3A_3107] : memref<128x200xf32, #tpu.memory_space<vmem>>, vector<1x200xf32>
    %broadcast_in_dim3A_3109 = vector.shape_cast %get3A_3108 : vector<1x200xf32> to vector<1x200xf32>
    %broadcast_in_dim3A_3110 = vector.broadcast %broadcast_in_dim3A_3109 : vector<1x200xf32> to vector<64x200xf32>
    %get3A_3111 = arith.constant 119 : index
    %get3A_3112 = arith.constant 0 : index
    %get3A_3113 = vector.load %arg2[%get3A_3111, %get3A_3112] : memref<128x200xf32, #tpu.memory_space<vmem>>, vector<1x200xf32>
    %broadcast_in_dim3A_3114 = vector.shape_cast %get3A_3113 : vector<1x200xf32> to vector<1x200xf32>
    %broadcast_in_dim3A_3115 = vector.broadcast %broadcast_in_dim3A_3114 : vector<1x200xf32> to vector<64x200xf32>
    %get3A_3116 = arith.constant 119 : index
    %get3A_3117 = arith.constant 0 : index
    %get3A_3118 = vector.load %arg3[%get3A_3116, %get3A_3117] : memref<128x200xf32, #tpu.memory_space<vmem>>, vector<1x200xf32>
    %broadcast_in_dim3A_3119 = vector.shape_cast %get3A_3118 : vector<1x200xf32> to vector<1x200xf32>
    %broadcast_in_dim3A_3120 = vector.broadcast %broadcast_in_dim3A_3119 : vector<1x200xf32> to vector<64x200xf32>
    %mul3A_3121 = vector.broadcast %get3A_11 : vector<64x1xf32> to vector<64x200xf32>
    %mul3A_3122 = arith.mulf %broadcast_in_dim3A_3110, %mul3A_3121 : vector<64x200xf32>
    %mul3A_3123 = vector.broadcast %get3A_14 : vector<64x1xf32> to vector<64x200xf32>
    %mul3A_3124 = arith.mulf %broadcast_in_dim3A_3115, %mul3A_3123 : vector<64x200xf32>
    %add3A_3125 = arith.addf %mul3A_3122, %mul3A_3124 : vector<64x200xf32>
    %add3A_3126 = vector.broadcast %add3A_8 : vector<64x1xf32> to vector<64x200xf32>
    %add3A_3127 = arith.addf %add3A_3125, %add3A_3126 : vector<64x200xf32>
    %mul3A_3128 = arith.mulf %add3A_3127, %broadcast_in_dim3A_3120 : vector<64x200xf32>
    %swap3A_3129 = arith.constant 7616 : index
    %swap3A_3130 = arith.constant 0 : index
    %swap3A_3131 = vector.load %arg9[%swap3A_3129, %swap3A_3130] : memref<8192x200xf32, #tpu.memory_space<vmem>>, vector<64x200xf32>
    tpu.vector_store %arg9[%swap3A_3129, %swap3A_3130], %mul3A_3128 {strides = array<i32>} : memref<8192x200xf32, #tpu.memory_space<vmem>>, vector<64x200xf32>,
    %get3A_3132 = arith.constant 120 : index
    %get3A_3133 = arith.constant 0 : index
    %get3A_3134 = vector.load %arg1[%get3A_3132, %get3A_3133] : memref<128x200xf32, #tpu.memory_space<vmem>>, vector<1x200xf32>
    %broadcast_in_dim3A_3135 = vector.shape_cast %get3A_3134 : vector<1x200xf32> to vector<1x200xf32>
    %broadcast_in_dim3A_3136 = vector.broadcast %broadcast_in_dim3A_3135 : vector<1x200xf32> to vector<64x200xf32>
    %get3A_3137 = arith.constant 120 : index
    %get3A_3138 = arith.constant 0 : index
    %get3A_3139 = vector.load %arg2[%get3A_3137, %get3A_3138] : memref<128x200xf32, #tpu.memory_space<vmem>>, vector<1x200xf32>
    %broadcast_in_dim3A_3140 = vector.shape_cast %get3A_3139 : vector<1x200xf32> to vector<1x200xf32>
    %broadcast_in_dim3A_3141 = vector.broadcast %broadcast_in_dim3A_3140 : vector<1x200xf32> to vector<64x200xf32>
    %get3A_3142 = arith.constant 120 : index
    %get3A_3143 = arith.constant 0 : index
    %get3A_3144 = vector.load %arg3[%get3A_3142, %get3A_3143] : memref<128x200xf32, #tpu.memory_space<vmem>>, vector<1x200xf32>
    %broadcast_in_dim3A_3145 = vector.shape_cast %get3A_3144 : vector<1x200xf32> to vector<1x200xf32>
    %broadcast_in_dim3A_3146 = vector.broadcast %broadcast_in_dim3A_3145 : vector<1x200xf32> to vector<64x200xf32>
    %mul3A_3147 = vector.broadcast %get3A_11 : vector<64x1xf32> to vector<64x200xf32>
    %mul3A_3148 = arith.mulf %broadcast_in_dim3A_3136, %mul3A_3147 : vector<64x200xf32>
    %mul3A_3149 = vector.broadcast %get3A_14 : vector<64x1xf32> to vector<64x200xf32>
    %mul3A_3150 = arith.mulf %broadcast_in_dim3A_3141, %mul3A_3149 : vector<64x200xf32>
    %add3A_3151 = arith.addf %mul3A_3148, %mul3A_3150 : vector<64x200xf32>
    %add3A_3152 = vector.broadcast %add3A_8 : vector<64x1xf32> to vector<64x200xf32>
    %add3A_3153 = arith.addf %add3A_3151, %add3A_3152 : vector<64x200xf32>
    %mul3A_3154 = arith.mulf %add3A_3153, %broadcast_in_dim3A_3146 : vector<64x200xf32>
    %swap3A_3155 = arith.constant 7680 : index
    %swap3A_3156 = arith.constant 0 : index
    %swap3A_3157 = vector.load %arg9[%swap3A_3155, %swap3A_3156] : memref<8192x200xf32, #tpu.memory_space<vmem>>, vector<64x200xf32>
    tpu.vector_store %arg9[%swap3A_3155, %swap3A_3156], %mul3A_3154 {strides = array<i32>} : memref<8192x200xf32, #tpu.memory_space<vmem>>, vector<64x200xf32>,
    %get3A_3158 = arith.constant 121 : index
    %get3A_3159 = arith.constant 0 : index
    %get3A_3160 = vector.load %arg1[%get3A_3158, %get3A_3159] : memref<128x200xf32, #tpu.memory_space<vmem>>, vector<1x200xf32>
    %broadcast_in_dim3A_3161 = vector.shape_cast %get3A_3160 : vector<1x200xf32> to vector<1x200xf32>
    %broadcast_in_dim3A_3162 = vector.broadcast %broadcast_in_dim3A_3161 : vector<1x200xf32> to vector<64x200xf32>
    %get3A_3163 = arith.constant 121 : index
    %get3A_3164 = arith.constant 0 : index
    %get3A_3165 = vector.load %arg2[%get3A_3163, %get3A_3164] : memref<128x200xf32, #tpu.memory_space<vmem>>, vector<1x200xf32>
    %broadcast_in_dim3A_3166 = vector.shape_cast %get3A_3165 : vector<1x200xf32> to vector<1x200xf32>
    %broadcast_in_dim3A_3167 = vector.broadcast %broadcast_in_dim3A_3166 : vector<1x200xf32> to vector<64x200xf32>
    %get3A_3168 = arith.constant 121 : index
    %get3A_3169 = arith.constant 0 : index
    %get3A_3170 = vector.load %arg3[%get3A_3168, %get3A_3169] : memref<128x200xf32, #tpu.memory_space<vmem>>, vector<1x200xf32>
    %broadcast_in_dim3A_3171 = vector.shape_cast %get3A_3170 : vector<1x200xf32> to vector<1x200xf32>
    %broadcast_in_dim3A_3172 = vector.broadcast %broadcast_in_dim3A_3171 : vector<1x200xf32> to vector<64x200xf32>
    %mul3A_3173 = vector.broadcast %get3A_11 : vector<64x1xf32> to vector<64x200xf32>
    %mul3A_3174 = arith.mulf %broadcast_in_dim3A_3162, %mul3A_3173 : vector<64x200xf32>
    %mul3A_3175 = vector.broadcast %get3A_14 : vector<64x1xf32> to vector<64x200xf32>
    %mul3A_3176 = arith.mulf %broadcast_in_dim3A_3167, %mul3A_3175 : vector<64x200xf32>
    %add3A_3177 = arith.addf %mul3A_3174, %mul3A_3176 : vector<64x200xf32>
    %add3A_3178 = vector.broadcast %add3A_8 : vector<64x1xf32> to vector<64x200xf32>
    %add3A_3179 = arith.addf %add3A_3177, %add3A_3178 : vector<64x200xf32>
    %mul3A_3180 = arith.mulf %add3A_3179, %broadcast_in_dim3A_3172 : vector<64x200xf32>
    %swap3A_3181 = arith.constant 7744 : index
    %swap3A_3182 = arith.constant 0 : index
    %swap3A_3183 = vector.load %arg9[%swap3A_3181, %swap3A_3182] : memref<8192x200xf32, #tpu.memory_space<vmem>>, vector<64x200xf32>
    tpu.vector_store %arg9[%swap3A_3181, %swap3A_3182], %mul3A_3180 {strides = array<i32>} : memref<8192x200xf32, #tpu.memory_space<vmem>>, vector<64x200xf32>,
    %get3A_3184 = arith.constant 122 : index
    %get3A_3185 = arith.constant 0 : index
    %get3A_3186 = vector.load %arg1[%get3A_3184, %get3A_3185] : memref<128x200xf32, #tpu.memory_space<vmem>>, vector<1x200xf32>
    %broadcast_in_dim3A_3187 = vector.shape_cast %get3A_3186 : vector<1x200xf32> to vector<1x200xf32>
    %broadcast_in_dim3A_3188 = vector.broadcast %broadcast_in_dim3A_3187 : vector<1x200xf32> to vector<64x200xf32>
    %get3A_3189 = arith.constant 122 : index
    %get3A_3190 = arith.constant 0 : index
    %get3A_3191 = vector.load %arg2[%get3A_3189, %get3A_3190] : memref<128x200xf32, #tpu.memory_space<vmem>>, vector<1x200xf32>
    %broadcast_in_dim3A_3192 = vector.shape_cast %get3A_3191 : vector<1x200xf32> to vector<1x200xf32>
    %broadcast_in_dim3A_3193 = vector.broadcast %broadcast_in_dim3A_3192 : vector<1x200xf32> to vector<64x200xf32>
    %get3A_3194 = arith.constant 122 : index
    %get3A_3195 = arith.constant 0 : index
    %get3A_3196 = vector.load %arg3[%get3A_3194, %get3A_3195] : memref<128x200xf32, #tpu.memory_space<vmem>>, vector<1x200xf32>
    %broadcast_in_dim3A_3197 = vector.shape_cast %get3A_3196 : vector<1x200xf32> to vector<1x200xf32>
    %broadcast_in_dim3A_3198 = vector.broadcast %broadcast_in_dim3A_3197 : vector<1x200xf32> to vector<64x200xf32>
    %mul3A_3199 = vector.broadcast %get3A_11 : vector<64x1xf32> to vector<64x200xf32>
    %mul3A_3200 = arith.mulf %broadcast_in_dim3A_3188, %mul3A_3199 : vector<64x200xf32>
    %mul3A_3201 = vector.broadcast %get3A_14 : vector<64x1xf32> to vector<64x200xf32>
    %mul3A_3202 = arith.mulf %broadcast_in_dim3A_3193, %mul3A_3201 : vector<64x200xf32>
    %add3A_3203 = arith.addf %mul3A_3200, %mul3A_3202 : vector<64x200xf32>
    %add3A_3204 = vector.broadcast %add3A_8 : vector<64x1xf32> to vector<64x200xf32>
    %add3A_3205 = arith.addf %add3A_3203, %add3A_3204 : vector<64x200xf32>
    %mul3A_3206 = arith.mulf %add3A_3205, %broadcast_in_dim3A_3198 : vector<64x200xf32>
    %swap3A_3207 = arith.constant 7808 : index
    %swap3A_3208 = arith.constant 0 : index
    %swap3A_3209 = vector.load %arg9[%swap3A_3207, %swap3A_3208] : memref<8192x200xf32, #tpu.memory_space<vmem>>, vector<64x200xf32>
    tpu.vector_store %arg9[%swap3A_3207, %swap3A_3208], %mul3A_3206 {strides = array<i32>} : memref<8192x200xf32, #tpu.memory_space<vmem>>, vector<64x200xf32>,
    %get3A_3210 = arith.constant 123 : index
    %get3A_3211 = arith.constant 0 : index
    %get3A_3212 = vector.load %arg1[%get3A_3210, %get3A_3211] : memref<128x200xf32, #tpu.memory_space<vmem>>, vector<1x200xf32>
    %broadcast_in_dim3A_3213 = vector.shape_cast %get3A_3212 : vector<1x200xf32> to vector<1x200xf32>
    %broadcast_in_dim3A_3214 = vector.broadcast %broadcast_in_dim3A_3213 : vector<1x200xf32> to vector<64x200xf32>
    %get3A_3215 = arith.constant 123 : index
    %get3A_3216 = arith.constant 0 : index
    %get3A_3217 = vector.load %arg2[%get3A_3215, %get3A_3216] : memref<128x200xf32, #tpu.memory_space<vmem>>, vector<1x200xf32>
    %broadcast_in_dim3A_3218 = vector.shape_cast %get3A_3217 : vector<1x200xf32> to vector<1x200xf32>
    %broadcast_in_dim3A_3219 = vector.broadcast %broadcast_in_dim3A_3218 : vector<1x200xf32> to vector<64x200xf32>
    %get3A_3220 = arith.constant 123 : index
    %get3A_3221 = arith.constant 0 : index
    %get3A_3222 = vector.load %arg3[%get3A_3220, %get3A_3221] : memref<128x200xf32, #tpu.memory_space<vmem>>, vector<1x200xf32>
    %broadcast_in_dim3A_3223 = vector.shape_cast %get3A_3222 : vector<1x200xf32> to vector<1x200xf32>
    %broadcast_in_dim3A_3224 = vector.broadcast %broadcast_in_dim3A_3223 : vector<1x200xf32> to vector<64x200xf32>
    %mul3A_3225 = vector.broadcast %get3A_11 : vector<64x1xf32> to vector<64x200xf32>
    %mul3A_3226 = arith.mulf %broadcast_in_dim3A_3214, %mul3A_3225 : vector<64x200xf32>
    %mul3A_3227 = vector.broadcast %get3A_14 : vector<64x1xf32> to vector<64x200xf32>
    %mul3A_3228 = arith.mulf %broadcast_in_dim3A_3219, %mul3A_3227 : vector<64x200xf32>
    %add3A_3229 = arith.addf %mul3A_3226, %mul3A_3228 : vector<64x200xf32>
    %add3A_3230 = vector.broadcast %add3A_8 : vector<64x1xf32> to vector<64x200xf32>
    %add3A_3231 = arith.addf %add3A_3229, %add3A_3230 : vector<64x200xf32>
    %mul3A_3232 = arith.mulf %add3A_3231, %broadcast_in_dim3A_3224 : vector<64x200xf32>
    %swap3A_3233 = arith.constant 7872 : index
    %swap3A_3234 = arith.constant 0 : index
    %swap3A_3235 = vector.load %arg9[%swap3A_3233, %swap3A_3234] : memref<8192x200xf32, #tpu.memory_space<vmem>>, vector<64x200xf32>
    tpu.vector_store %arg9[%swap3A_3233, %swap3A_3234], %mul3A_3232 {strides = array<i32>} : memref<8192x200xf32, #tpu.memory_space<vmem>>, vector<64x200xf32>,
    %get3A_3236 = arith.constant 124 : index
    %get3A_3237 = arith.constant 0 : index
    %get3A_3238 = vector.load %arg1[%get3A_3236, %get3A_3237] : memref<128x200xf32, #tpu.memory_space<vmem>>, vector<1x200xf32>
    %broadcast_in_dim3A_3239 = vector.shape_cast %get3A_3238 : vector<1x200xf32> to vector<1x200xf32>
    %broadcast_in_dim3A_3240 = vector.broadcast %broadcast_in_dim3A_3239 : vector<1x200xf32> to vector<64x200xf32>
    %get3A_3241 = arith.constant 124 : index
    %get3A_3242 = arith.constant 0 : index
    %get3A_3243 = vector.load %arg2[%get3A_3241, %get3A_3242] : memref<128x200xf32, #tpu.memory_space<vmem>>, vector<1x200xf32>
    %broadcast_in_dim3A_3244 = vector.shape_cast %get3A_3243 : vector<1x200xf32> to vector<1x200xf32>
    %broadcast_in_dim3A_3245 = vector.broadcast %broadcast_in_dim3A_3244 : vector<1x200xf32> to vector<64x200xf32>
    %get3A_3246 = arith.constant 124 : index
    %get3A_3247 = arith.constant 0 : index
    %get3A_3248 = vector.load %arg3[%get3A_3246, %get3A_3247] : memref<128x200xf32, #tpu.memory_space<vmem>>, vector<1x200xf32>
    %broadcast_in_dim3A_3249 = vector.shape_cast %get3A_3248 : vector<1x200xf32> to vector<1x200xf32>
    %broadcast_in_dim3A_3250 = vector.broadcast %broadcast_in_dim3A_3249 : vector<1x200xf32> to vector<64x200xf32>
    %mul3A_3251 = vector.broadcast %get3A_11 : vector<64x1xf32> to vector<64x200xf32>
    %mul3A_3252 = arith.mulf %broadcast_in_dim3A_3240, %mul3A_3251 : vector<64x200xf32>
    %mul3A_3253 = vector.broadcast %get3A_14 : vector<64x1xf32> to vector<64x200xf32>
    %mul3A_3254 = arith.mulf %broadcast_in_dim3A_3245, %mul3A_3253 : vector<64x200xf32>
    %add3A_3255 = arith.addf %mul3A_3252, %mul3A_3254 : vector<64x200xf32>
    %add3A_3256 = vector.broadcast %add3A_8 : vector<64x1xf32> to vector<64x200xf32>
    %add3A_3257 = arith.addf %add3A_3255, %add3A_3256 : vector<64x200xf32>
    %mul3A_3258 = arith.mulf %add3A_3257, %broadcast_in_dim3A_3250 : vector<64x200xf32>
    %swap3A_3259 = arith.constant 7936 : index
    %swap3A_3260 = arith.constant 0 : index
    %swap3A_3261 = vector.load %arg9[%swap3A_3259, %swap3A_3260] : memref<8192x200xf32, #tpu.memory_space<vmem>>, vector<64x200xf32>
    tpu.vector_store %arg9[%swap3A_3259, %swap3A_3260], %mul3A_3258 {strides = array<i32>} : memref<8192x200xf32, #tpu.memory_space<vmem>>, vector<64x200xf32>,
    %get3A_3262 = arith.constant 125 : index
    %get3A_3263 = arith.constant 0 : index
    %get3A_3264 = vector.load %arg1[%get3A_3262, %get3A_3263] : memref<128x200xf32, #tpu.memory_space<vmem>>, vector<1x200xf32>
    %broadcast_in_dim3A_3265 = vector.shape_cast %get3A_3264 : vector<1x200xf32> to vector<1x200xf32>
    %broadcast_in_dim3A_3266 = vector.broadcast %broadcast_in_dim3A_3265 : vector<1x200xf32> to vector<64x200xf32>
    %get3A_3267 = arith.constant 125 : index
    %get3A_3268 = arith.constant 0 : index
    %get3A_3269 = vector.load %arg2[%get3A_3267, %get3A_3268] : memref<128x200xf32, #tpu.memory_space<vmem>>, vector<1x200xf32>
    %broadcast_in_dim3A_3270 = vector.shape_cast %get3A_3269 : vector<1x200xf32> to vector<1x200xf32>
    %broadcast_in_dim3A_3271 = vector.broadcast %broadcast_in_dim3A_3270 : vector<1x200xf32> to vector<64x200xf32>
    %get3A_3272 = arith.constant 125 : index
    %get3A_3273 = arith.constant 0 : index
    %get3A_3274 = vector.load %arg3[%get3A_3272, %get3A_3273] : memref<128x200xf32, #tpu.memory_space<vmem>>, vector<1x200xf32>
    %broadcast_in_dim3A_3275 = vector.shape_cast %get3A_3274 : vector<1x200xf32> to vector<1x200xf32>
    %broadcast_in_dim3A_3276 = vector.broadcast %broadcast_in_dim3A_3275 : vector<1x200xf32> to vector<64x200xf32>
    %mul3A_3277 = vector.broadcast %get3A_11 : vector<64x1xf32> to vector<64x200xf32>
    %mul3A_3278 = arith.mulf %broadcast_in_dim3A_3266, %mul3A_3277 : vector<64x200xf32>
    %mul3A_3279 = vector.broadcast %get3A_14 : vector<64x1xf32> to vector<64x200xf32>
    %mul3A_3280 = arith.mulf %broadcast_in_dim3A_3271, %mul3A_3279 : vector<64x200xf32>
    %add3A_3281 = arith.addf %mul3A_3278, %mul3A_3280 : vector<64x200xf32>
    %add3A_3282 = vector.broadcast %add3A_8 : vector<64x1xf32> to vector<64x200xf32>
    %add3A_3283 = arith.addf %add3A_3281, %add3A_3282 : vector<64x200xf32>
    %mul3A_3284 = arith.mulf %add3A_3283, %broadcast_in_dim3A_3276 : vector<64x200xf32>
    %swap3A_3285 = arith.constant 8000 : index
    %swap3A_3286 = arith.constant 0 : index
    %swap3A_3287 = vector.load %arg9[%swap3A_3285, %swap3A_3286] : memref<8192x200xf32, #tpu.memory_space<vmem>>, vector<64x200xf32>
    tpu.vector_store %arg9[%swap3A_3285, %swap3A_3286], %mul3A_3284 {strides = array<i32>} : memref<8192x200xf32, #tpu.memory_space<vmem>>, vector<64x200xf32>,
    %get3A_3288 = arith.constant 126 : index
    %get3A_3289 = arith.constant 0 : index
    %get3A_3290 = vector.load %arg1[%get3A_3288, %get3A_3289] : memref<128x200xf32, #tpu.memory_space<vmem>>, vector<1x200xf32>
    %broadcast_in_dim3A_3291 = vector.shape_cast %get3A_3290 : vector<1x200xf32> to vector<1x200xf32>
    %broadcast_in_dim3A_3292 = vector.broadcast %broadcast_in_dim3A_3291 : vector<1x200xf32> to vector<64x200xf32>
    %get3A_3293 = arith.constant 126 : index
    %get3A_3294 = arith.constant 0 : index
    %get3A_3295 = vector.load %arg2[%get3A_3293, %get3A_3294] : memref<128x200xf32, #tpu.memory_space<vmem>>, vector<1x200xf32>
    %broadcast_in_dim3A_3296 = vector.shape_cast %get3A_3295 : vector<1x200xf32> to vector<1x200xf32>
    %broadcast_in_dim3A_3297 = vector.broadcast %broadcast_in_dim3A_3296 : vector<1x200xf32> to vector<64x200xf32>
    %get3A_3298 = arith.constant 126 : index
    %get3A_3299 = arith.constant 0 : index
    %get3A_3300 = vector.load %arg3[%get3A_3298, %get3A_3299] : memref<128x200xf32, #tpu.memory_space<vmem>>, vector<1x200xf32>
    %broadcast_in_dim3A_3301 = vector.shape_cast %get3A_3300 : vector<1x200xf32> to vector<1x200xf32>
    %broadcast_in_dim3A_3302 = vector.broadcast %broadcast_in_dim3A_3301 : vector<1x200xf32> to vector<64x200xf32>
    %mul3A_3303 = vector.broadcast %get3A_11 : vector<64x1xf32> to vector<64x200xf32>
    %mul3A_3304 = arith.mulf %broadcast_in_dim3A_3292, %mul3A_3303 : vector<64x200xf32>
    %mul3A_3305 = vector.broadcast %get3A_14 : vector<64x1xf32> to vector<64x200xf32>
    %mul3A_3306 = arith.mulf %broadcast_in_dim3A_3297, %mul3A_3305 : vector<64x200xf32>
    %add3A_3307 = arith.addf %mul3A_3304, %mul3A_3306 : vector<64x200xf32>
    %add3A_3308 = vector.broadcast %add3A_8 : vector<64x1xf32> to vector<64x200xf32>
    %add3A_3309 = arith.addf %add3A_3307, %add3A_3308 : vector<64x200xf32>
    %mul3A_3310 = arith.mulf %add3A_3309, %broadcast_in_dim3A_3302 : vector<64x200xf32>
    %swap3A_3311 = arith.constant 8064 : index
    %swap3A_3312 = arith.constant 0 : index
    %swap3A_3313 = vector.load %arg9[%swap3A_3311, %swap3A_3312] : memref<8192x200xf32, #tpu.memory_space<vmem>>, vector<64x200xf32>
    tpu.vector_store %arg9[%swap3A_3311, %swap3A_3312], %mul3A_3310 {strides = array<i32>} : memref<8192x200xf32, #tpu.memory_space<vmem>>, vector<64x200xf32>,
    %get3A_3314 = arith.constant 127 : index
    %get3A_3315 = arith.constant 0 : index
    %get3A_3316 = vector.load %arg1[%get3A_3314, %get3A_3315] : memref<128x200xf32, #tpu.memory_space<vmem>>, vector<1x200xf32>
    %broadcast_in_dim3A_3317 = vector.shape_cast %get3A_3316 : vector<1x200xf32> to vector<1x200xf32>
    %broadcast_in_dim3A_3318 = vector.broadcast %broadcast_in_dim3A_3317 : vector<1x200xf32> to vector<64x200xf32>
    %get3A_3319 = arith.constant 127 : index
    %get3A_3320 = arith.constant 0 : index
    %get3A_3321 = vector.load %arg2[%get3A_3319, %get3A_3320] : memref<128x200xf32, #tpu.memory_space<vmem>>, vector<1x200xf32>
    %broadcast_in_dim3A_3322 = vector.shape_cast %get3A_3321 : vector<1x200xf32> to vector<1x200xf32>
    %broadcast_in_dim3A_3323 = vector.broadcast %broadcast_in_dim3A_3322 : vector<1x200xf32> to vector<64x200xf32>
    %get3A_3324 = arith.constant 127 : index
    %get3A_3325 = arith.constant 0 : index
    %get3A_3326 = vector.load %arg3[%get3A_3324, %get3A_3325] : memref<128x200xf32, #tpu.memory_space<vmem>>, vector<1x200xf32>
    %broadcast_in_dim3A_3327 = vector.shape_cast %get3A_3326 : vector<1x200xf32> to vector<1x200xf32>
    %broadcast_in_dim3A_3328 = vector.broadcast %broadcast_in_dim3A_3327 : vector<1x200xf32> to vector<64x200xf32>
    %mul3A_3329 = vector.broadcast %get3A_11 : vector<64x1xf32> to vector<64x200xf32>
    %mul3A_3330 = arith.mulf %broadcast_in_dim3A_3318, %mul3A_3329 : vector<64x200xf32>
    %mul3A_3331 = vector.broadcast %get3A_14 : vector<64x1xf32> to vector<64x200xf32>
    %mul3A_3332 = arith.mulf %broadcast_in_dim3A_3323, %mul3A_3331 : vector<64x200xf32>
    %add3A_3333 = arith.addf %mul3A_3330, %mul3A_3332 : vector<64x200xf32>
    %add3A_3334 = vector.broadcast %add3A_8 : vector<64x1xf32> to vector<64x200xf32>
    %add3A_3335 = arith.addf %add3A_3333, %add3A_3334 : vector<64x200xf32>
    %mul3A_3336 = arith.mulf %add3A_3335, %broadcast_in_dim3A_3328 : vector<64x200xf32>
    %swap3A_3337 = arith.constant 8128 : index
    %swap3A_3338 = arith.constant 0 : index
    %swap3A_3339 = vector.load %arg9[%swap3A_3337, %swap3A_3338] : memref<8192x200xf32, #tpu.memory_space<vmem>>, vector<64x200xf32>
    tpu.vector_store %arg9[%swap3A_3337, %swap3A_3338], %mul3A_3336 {strides = array<i32>} : memref<8192x200xf32, #tpu.memory_space<vmem>>, vector<64x200xf32>,
    return
  }
  func.func @transform_0(%arg0: i32) -> (i32, i32) {
    %c0_i32 = arith.constant 0 : i32
    %c0_i32_0 = arith.constant 0 : i32
    return %arg0, %c0_i32 : i32, i32
  }
  func.func @transform_1(%arg0: i32) -> (i32, i32) {
    %c0_i32 = arith.constant 0 : i32
    %c0_i32_0 = arith.constant 0 : i32
    return %arg0, %c0_i32 : i32, i32
  }
  func.func @transform_2(%arg0: i32) -> (i32, i32) {
    %c0_i32 = arith.constant 0 : i32
    %c0_i32_0 = arith.constant 0 : i32
    return %arg0, %c0_i32 : i32, i32
  }
  func.func @transform_3(%arg0: i32) -> (i32, i32) {
    %c0_i32 = arith.constant 0 : i32
    %c0_i32_0 = arith.constant 0 : i32
    %c0_i32_1 = arith.constant 0 : i32
    return %c0_i32, %c0_i32_0 : i32, i32
  }
  func.func @transform_4(%arg0: i32) -> (i32, i32) {
    %c0_i32 = arith.constant 0 : i32
    %c0_i32_0 = arith.constant 0 : i32
    %c0_i32_1 = arith.constant 0 : i32
    return %c0_i32, %c0_i32_0 : i32, i32
  }
  func.func @transform_5(%arg0: i32) -> (i32, i32) {
    %c0_i32 = arith.constant 0 : i32
    %c0_i32_0 = arith.constant 0 : i32
    %c0_i32_1 = arith.constant 0 : i32
    return %c0_i32, %c0_i32_0 : i32, i32
  }
  func.func @transform_6(%arg0: i32) -> (i32, i32) {
    %c0_i32 = arith.constant 0 : i32
    %c0_i32_0 = arith.constant 0 : i32
    %c0_i32_1 = arith.constant 0 : i32
    return %c0_i32, %c0_i32_0 : i32, i32
  }
  func.func @transform_7(%arg0: i32) -> (i32, i32) {
    %c0_i32 = arith.constant 0 : i32
    %c0_i32_0 = arith.constant 0 : i32
    %c0_i32_1 = arith.constant 0 : i32
    return %c0_i32, %c0_i32_0 : i32, i32
  }
  func.func @transform_8(%arg0: i32) -> (i32, i32) {
    %c0_i32 = arith.constant 0 : i32
    %c0_i32_0 = arith.constant 0 : i32
    return %arg0, %c0_i32 : i32, i32
  }
}

</mosaic_0001>

<sc_bundles>
// kernel: sparse-core-data-format-call.cloned.1.call-start
scs
called_computation_lowered:
.L_overlay_start_0:
0x0: {  	s2 =	sld [smem:$0x3FD9]  }
0x1: {  	s3 =	sld [smem:$0x3FFE];
	_ =	sdelay $0x1  }
0x2: {  	s1 =	srdreg.scid  }
0x3: {  	s0 =	sand.u32 $0x1, s1  }
0x4: {  	s18 =	sshll.u32 s0, $0xA;
	s2 =	sadd.s32 s3, s2  }
0x5: {  	s2 =	sadd.s32 s2, s18  }
0x6: {  	[smem:$0x3FC0] =	sst s2  }
0x7: {  	_ = 	snop  }
0x8: {  	s2 =	sld [smem:$0x3FD0];
	(tm) =	ssettm $0x1  }
0x9: {  	s19 =	sld [smem:$0x3FFB];
	_ =	sdelay $0x3  }
0xa: {  	_ =	strace s19  }
0xb: {  	s3 =	sld [smem:$0x3FFC];
	_ =	sdelay $0x3  }
0xc: {  	_ =	strace s3  }
0xd: {  	s3 =	sld [smem:$0x3FFD];
	_ =	sdelay $0x3  }
0xe: {  	_ =	strace s3  }
0xf: {  	_ =	strace $0x8FFFFFFF  }
0x10: {  	s20 =	sld [smem:$0x3FDB];
	_ =	sdelay $0x1  }
0x11: {  	s4 =	simm.s32 $_scs_section_size  }
0x12: {  	s5 =	simm.s32 $_size__tile_overlayer_lowered;
	s6 =	simm.s32 $_tile_overlayer_lowered  }
0x13: {  	s23 =	simm.s32 $0x1BFF;
	s22 =	sshll.u32 s6, $0x1;
	s3 =	sadd.s32 s4, s20  }
0x14: {  	s7 =	simm.s32 $0x0;
	s21 =	sshll.u32 s5, $0x1;
	s5 =	sadd.s32 s22, s3  }
0x15: {  	[timem:s7], [sflag:s23] =	dma.local [hbm:s5], s21  }
0x16: {  	_ =	swait.ge [sflag:s23], s21  }
0x17: {  	s4 =	ssub.s32 $0x0, s21;
	[sflag:s23] =	ssyncset.done $0x0  }
0x18: {  	[sflag:s23] =	ssyncadd.s32 s4;
	_ =	sdelay $0x1  }
0x19: {  	s24 =	simm.s32 $0x1B8B  }
0x1a: {  	_ =	swait.ge [sflag:s24], $0x1  }
0x1b: {  	[sflag:s24] =	ssyncset.done $0x0  }
0x1c: {  	s26 =	simm.s32 $0x1B8E;
	s25 =	sld [smem:$0x3FFE];
	[sflag:s24] =	ssyncadd.s32 $0xFFFFFFFF  }
0x1d: {  	s27 =	simm.s32 $execute0_lowered;
	[smem:$0x3FD2] =	sst s26  }
0x1e: {  	s5 =	sshll.u32 s27, $0x1;
	_ =	strace $0x80000046;
	[dreg:$0x1] =	wrdreg $0xFFFFFFFF  }
0x1f: {  	s28 =	simm.s32 $_size_execute0_lowered;
	s3 =	sadd.s32 s3, s5;
	[dreg:$0x0] =	wrdreg $0x0  }
0x20: {  	s5 =	sshll.u32 s28, $0x1;
	[dreg:$0x2] =	wrdreg s3  }
0x21: {  	[dreg:$0x3] =	wrdreg s5  }
0x22: {  	[dreg:$0x4] =	wrdreg $0xC0  }
0x23: {  	_ =	task [dreg:s7], $0x5FFFF  }
0x24: {  	[dreg:$0x1] =	wrdreg $0xFFFFFFFF  }
0x25: {  	[dreg:$0x0] =	wrdreg $0x60  }
0x26: {  	[dreg:$0x2] =	wrdreg s25  }
0x27: {  	[dreg:$0x3] =	wrdreg s2  }
0x28: {  	[dreg:$0x4] =	wrdreg $0x9  }
0x29: {  	_ =	task.clear_ibuf [dreg:s7], $0x5FFFF;
	_ =	strace $0x90000046  }
0x2a: {  	s29 =	simm.s32 $0x9;
	_ =	strace $0x80000048  }
0x2b: {  	_ =	swait.ge [sflag:s29], $0x1  }
0x2c: {  	[sflag:s29] =	ssyncadd.s32 $0xFFFFFFFF  }
0x2d: {  	_ =	strace $0x90000048  }
0x2e: {  	_ =	sfence  }
0x2f: {  	s30 =	sld [smem:$0x0];
	_ =	sdelay $0x2  }
0x30: {  	s31 =	sshll.u32 s1, $0xD;
	s1 =	sshrl.u32 s1, $0x2  }
0x31: {  	s3 =	sand.u32 $0x4000, s31;
	s1 =	sadd.s32 s1, s30  }
0x32: {  	s0 =	sor.u32 s3, s0;
	s1 =	sshll.u32 s1, $0x11  }
0x33: {  	s0 =	sor.u32 s1, s0  }
0x34: {  	s0 =	sadd.s32 $0x8F2B, s0  }
0x35: {  	[sflag:s0] =	ssyncadd.remote.s32 $0x1  }
0x36: {  	_ =	sfence.sel $0xFFFF  }
0x37: {  	[dreg:$0x0] =	wrdreg $0xFFFFFFFF;
	(pc) =	sbr.abs _section_cstart, $3  }
0x38: {  	[dreg:$0x1] =	wrdreg $0xFFFFFFFF  }
0x39: {  	_ =	task.clear_ibuf [dreg:s7], $0x2FFFF;
	_ =	strace $0x9FFFFFFF  }
0x3a: {  	(tm) =	ssettm $0x7FFFFFFF  }
0x3b: {  	_ =	shalt  }
tec
execute0_lowered:
.L_overlay_start_1:
0x0: {  	(tag) =	ssettag $0x1  }
0x1: {  	s5 =	rddreg [dreg:$0x0]  }
0x2: {  	s0 =	srdreg.scid;
	s3 =	rddreg [dreg:$0x1];
	s7 =	simm.s32 $0x1  }
0x3: {  	s8 =	simm.s32 $0x2;
	s16 =	simm.s32 $0x0;
	s1 =	sshll.u32 s0, $0x4  }
0x4: {  	s18 =	simm.s32 $0x0;
	s0 =	stileid.u32;
	s1 =	sand.u32 $0x10, s1  }
0x5: {  	s17 =	simm.s32 $0x0;
	s9 =	simm.s32 $0x0;
	s1 =	sor.u32 s0, s1  }
0x6: {  	s10 =	simm.s32 $0x0;
	s11 =	simm.s32 $0x0;
	s2 =	sshll.u32 s1, $0x7  }
0x7: {  	s12 =	simm.s32 $0x0;
	s13 =	simm.s32 $0x0;
	s6 =	ssub.s32 $0x1000, s2  }
0x8: {  	s15 =	simm.s32 $0x0;
	s5 =	sadd.s32 $0x800, s5;
	s4 =	sand.u32 $0xF80, s6  }
.Ltmp0:
0x9: {  	s1 =	rddreg [dreg:$0x2];
	p0 =	sne.s32 s4, $0x0;
	(pc) =	sbr.rel .LBB1_1-.Ltmp0, $4  }
0xa: {  	_ =	strace $0x80000047;
	s6 =	sshrl.u32 s6, $0xC;
	s7 =	simm.s32 @!p0 $0x0  }
0xb: {  	s14 =	smov.u32 s2;
	s4 =	simm.s32 $0x1;
	s6 =	sadd.s32 s7, s6  }
0xc: {  	[sflag:s4] =	ssyncpa.u1 $0x0;
	p0 =	por $0x0, $0x0;
	s6 =	sshll.u32 s6, $0x7  }
0xd: {  	[sflag:s8] =	ssyncpa.u1 $0x0;
	s8 =	simm.s32 $0x8000;
	s7 =	sor.u32 $0x1, s6  }
.LBB1_4:
0xe: {  	s23 =	sshra.s32 s23, $0x2;
	s30 =	sshll.u32 s9, $0xC  }
0xf: {  	p1 =	sgt.s32 s10, $0x3F;
	s24 =	smov.u32 s10;
	s25 =	sshra.s32 s10, $0x1F  }
0x10: {  	s26 =	sshll.u32 s11, $0x3;
	s28 =	smov.u32 s11;
	s29 =	sshra.s32 s11, $0x1F  }
0x11: {  	s22 =	sadd.s32 s23, s22;
	s24 =	simm.s32 @!p1 $0x3F;
	s25 =	sand.u32 s25, s10  }
0x12: {  	s23 =	sand.u32 $0xFFFF8000, s30;
	s27 =	sand.u32 $0xFFFFFC00, s26;
	p1 =	sgt.s32 s9, $0x48  }
0x13: {  	s31 =	sand.u32 s29, s11;
	s29 =	sshll.u32 s9, $0x7;
	s30 =	sshra.s32 s9, $0x1F  }
0x14: {  	[tilespmem:s21+$0x2040 ss:$0x81] =	vst.msk $0xffff, v4;
	s24 =	ssub.s32 s24, s25;
	s23 =	sadd.s32 s27, s23;
	s27 =	smov.u32 s9  }
0x15: {  	[tilespmem:s21+$0x2850 ss:$0x81] =	vst.msk $0xffff, v3;
	s29 =	sand.u32 $0x380, s29;
	s25 =	sadd.s32 $0xFFFFFFC1, s24;
	s27 =	simm.s32 @!p1 $0x48  }
0x16: {  	v5 =	vld [tilespmem:s20+$0xFFFFFFD0];
	[tilespmem:s21+$0x3060 ss:$0x81] =	vst.msk $0xffff, v2;
	p1 =	sgt.s32 s11, $0xF80;
	s23 =	sshrl.u32 s23, $0xC;
	s24 =	ssub.s32 $0x40, s24  }
0x17: {  	v58 =	vld [tilespmem:s20+$0xFFFFFFE0];
	[tilespmem:s21+$0x0 ss:$0x81] =	vst.msk $0xffff, v1;
	s28 =	simm.s32 @!p1 $0xF80;
	p1 =	sgt.s32 s25, $0x0;
	s21 =	smulhi.u32 $0x147AE15, s23  }
0x18: {  	v59 =	vld [tilespmem:s20+$0xFFFFFFF0];
	s25 =	ssub.s32 s28, s31;
	s28 =	sand.u32 s30, s9;
	s24 =	simm.s32 @p1 $0x0  }
0x19: {  	v60 =	vld [tilespmem:s20+$0x0];
	s27 =	ssub.s32 s27, s28;
	s31 =	sadd.s32 $0xFFFFF080, s25;
	s25 =	ssub.s32 $0x1000, s25  }
0x1a: {  	v61 =	vld [tilespmem:s20+$0x10];
	[tilespmem:s22+$0x3870 ss:$0x81] =	vst.msk $0xffff, v0;
	s21 =	smul.u32 $0xC8, s21;
	s28 =	sand.u32 $0x7, s11;
	p1 =	sgt.s32 s31, $0x7F  }
0x1b: {  	v62 =	vld [tilespmem:s20+$0x20];
	[tilespmem:s22+$0x810 ss:$0x81] =	vst.msk $0xffff, v5;
	s30 =	sadd.s32 $0xFFFFFFB8, s27;
	s31 =	sand.u32 $0x78, s11;
	s25 =	simm.s32 @p1 $0x0  }
0x1c: {  	v63 =	vld [tilespmem:s20+$0xFFFFFFC0];
	[tilespmem:s22+$0x1020 ss:$0x81] =	vst.msk $0xffff, v58;
	p1 =	sgt.s32 s30, $0x7F;
	s30 =	sand.u32 $0xC00, s26;
	s24 =	smul.u32 s25, s24  }
0x1d: {  	[tilespmem:s22+$0x1830 ss:$0x81] =	vst.msk $0xffff, v59;
	s26 =	ssub.s32 $0xC8, s27;
	s20 =	sor.u32 s31, s30;
	s31 =	smul.u32 $0x19000, s10  }
0x1e: {  	[tilespmem:s22+$0x2040 ss:$0x81] =	vst.msk $0xffff, v60;
	s21 =	ssub.s32 s23, s21;
	s26 =	simm.s32 @p1 $0x0;
	s20 =	sor.u32 s29, s20  }
0x1f: {  	[tilespmem:s22+$0x2850 ss:$0x81] =	vst.msk $0xffff, v61;
	s26 =	smul.u32 s26, s24;
	s20 =	sshrl.u32 s20, $0x3;
	s27 =	sadd.s32 s3, s31  }
0x20: {  	[tilespmem:s22+$0x3060 ss:$0x81] =	vst.msk $0xffff, v62;
	s21 =	sshll.u32 s21, $0x9;
	s29 =	sshll.u32 s28, $0x12;
	s20 =	sadd.s32 s20, s27  }
0x21: {  	[tilespmem:s22+$0x0 ss:$0x81] =	vst.msk $0xffff, v63;
	s31 =	sor.u32 $0x400, s29;
	s30 =	sand.u32 $0x3FFFFFFF, s26;
	s20 =	sadd.s32 s21, s20  }
0x22: {  	[hbm4b:s20+s31] =	stream.strided.scatter [tilespmem:s19], [sflag:$0x2], s30, s8, s31, $0x20;
	[tilespmem:$0x10100] =	vst v63  }
.LBB1_5:
0x23: {  	p1 =	slt.u32 s15, $0x2  }
0x24: {  	p2 =	sgt.s32 @!p1 s18, $0x3F  }
0x25: {  	s19 =	smov.u32 s18;
	s20 =	sshra.s32 @!p1 s18, $0x1F;
	p2 =	por !p2, p1  }
0x26: {  	s18 =	sand.u32 @!p1 s20, s18;
	s19 =	simm.s32 @p2 $0x3F  }
0x27: {  	p3 =	sgt.s32 @!p1 s16, $0x48;
	s18 =	ssub.s32 @!p1 s19, s18  }
0x28: {  	p4 =	sgt.s32 @!p1 s17, $0xF80;
	s21 =	sshra.s32 @!p1 s17, $0x1F;
	s19 =	sadd.s32 @!p1 $0xFFFFFFC1, s18  }
0x29: {  	s20 =	smov.u32 s16;
	p2 =	sgt.s32 @!p1 s19, $0x0;
	s19 =	sshra.s32 @!p1 s16, $0x1F  }
0x2a: {  	p4 =	por !p4, p1;
	s16 =	sand.u32 @!p1 s19, s16;
	s19 =	smov.u32 s17  }
0x2b: {  	p3 =	por !p3, p1;
	s17 =	sand.u32 @!p1 s21, s17;
	s19 =	simm.s32 @p4 $0xF80  }
0x2c: {  	s20 =	simm.s32 @p3 $0x48;
	s18 =	ssub.s32 @!p1 $0x40, s18;
	s17 =	ssub.s32 @!p1 s19, s17  }
0x2d: {  	p2 =	por !p2, p1;
	s16 =	ssub.s32 @!p1 s20, s16;
	s20 =	sadd.s32 @!p1 $0xFFFFF080, s17  }
0x2e: {  	s18 =	simm.s32 @!p2 $0x0;
	p3 =	sgt.s32 @!p1 s20, $0x7F  }
0x2f: {  	s19 =	sadd.s32 @!p1 $0xFFFFFFB8, s16;
	s17 =	ssub.s32 @!p1 $0x1000, s17;
	p3 =	por !p3, p1  }
0x30: {  	p2 =	sgt.s32 @!p1 s19, $0x7F;
	s19 =	sadd.s32 $0x80, s12;
	s17 =	simm.s32 @!p3 $0x0  }
0x31: {  	p3 =	sgt.s32 s19, $0xC7;
	s17 =	smul.u32 @!p1 s17, s18;
	s18 =	simm.s32 $0x1  }
0x32: {  	s16 =	ssub.s32 @!p1 $0xC8, s16;
	p2 =	por !p2, p1;
	s18 =	simm.s32 @!p3 $0x0  }
0x33: {  	s21 =	smov.u32 s14;
	s16 =	simm.s32 @!p2 $0x0;
	s20 =	sadd.s32 s18, s13  }
0x34: {  	s16 =	smul.u32 @!p1 s16, s17;
	s17 =	sadd.s32 $0x1000, s14;
	p2 =	sgt.s32 s20, $0x3F  }
0x35: {  	p0 =	por !p0, !p0;
	s22 =	simm.s32 @!p1 $0x2;
	s21 =	smov.u32 @p2 s17  }
0x36: {  	s19 =	simm.s32 @p3 $0x0;
	s20 =	simm.s32 @p2 $0x0;
	p2 =	sgt.s32 s21, $0xFFF  }
0x37: {  	s18 =	smov.u32 s10;
	s21 =	smov.u32 @p2 s2;
	p2 =	sne.s32 s15, s7  }
.Ltmp1:
0x38: {  	s10 =	smov.u32 s13;
	s16 =	sand.u32 @!p1 $0x3FFFFFFF, s16;
	(pc) =	sbr.rel @!p2 .LBB1_6-.Ltmp1, $4  }
0x39: {  	s17 =	smov.u32 s11;
	s11 =	smov.u32 s14;
	_ =	swait.ge @!p1 [sflag:s22], s16  }
0x3a: {  	s23 =	ssub.s32 @!p1 $0x0, s16;
	s16 =	smov.u32 s9;
	s9 =	smov.u32 s12  }
0x3b: {  	s12 =	smov.u32 s19;
	s13 =	smov.u32 s20;
	[sflag:s22] =	ssyncset.done @!p1 $0x0  }
0x3c: {  	s15 =	sadd.s32 $0x1, s15;
	[sflag:s22] =	ssyncadd.s32 @!p1 s23;
	s14 =	smov.u32 s21  }
.LBB1_1:
0x3d: {  	p1 =	sge.u32 s15, s6  }
0x3e: {  	s31 =	sadd.s32 $0xFFFFFFFF, s15;
	s19 =	sxor.u32 @!p1 $0xFFFFFFFF, s15  }
0x3f: {  	s20 =	sshll.u32 @!p1 s13, $0x8;
	s21 =	sshll.u32 @!p1 s12, $0x3;
	s22 =	sshll.u32 @!p1 s13, $0x7  }
0x40: {  	s23 =	sand.u32 @!p1 $0x78, s12;
	s20 =	sand.u32 @!p1 $0x3800, s20;
	s21 =	sand.u32 @!p1 $0x3C00, s21  }
0x41: {  	s19 =	sshll.u32 @!p1 s19, $0xE;
	s20 =	sadd.s32 @!p1 s20, s21;
	s21 =	sand.u32 @!p1 $0x300, s22  }
0x42: {  	s19 =	sand.u32 @!p1 $0x4000, s19;
	s20 =	sor.u32 @!p1 s21, s20;
	s21 =	sand.u32 @!p1 $0x80, s22  }
0x43: {  	s22 =	sshll.u32 @!p1 s14, $0xB;
	s21 =	sor.u32 @!p1 s23, s21;
	s20 =	sshrl.u32 @!p1 s20, $0x3  }
0x44: {  	s22 =	sadd.s32 @!p1 s5, s22;
	s23 =	sand.u32 @!p1 $0x7, s12;
	s21 =	sshrl.u32 @!p1 s21, $0x3  }
0x45: {  	s20 =	sand.u32 @!p1 $0x7E0, s20;
	s21 =	sadd.s32 @!p1 s21, s22;
	s22 =	sshll.u32 @!p1 s23, $0x12  }
0x46: {  	s20 =	sadd.s32 @!p1 s20, s21;
	s21 =	sor.u32 @!p1 $0x80, s22;
	s22 =	simm.s32 @!p1 $0x4000  }
0x47: {  	[tilespmem:s19], [sflag:$0x1] =	stream.strided.gather @!p1 [hbm4b:s20+s21], $0x4000, s22, s21, $0x38;
	[tilespmem:$0x10100] =	vst v63  }
0x48: {  	p1 =	sge.u32 s31, s6  }
.Ltmp2:
0x49: {  	_ = 	snop;
	(pc) =	sbr.rel @p1 .LBB1_5-.Ltmp2, $1  }
0x4a: {  	_ =	sdelay $0x3  }
0x4b: {  	s19 =	simm.s32 $0x1  }
0x4c: {  	_ =	swait.ge [sflag:s4], $0x4000;
	s19 =	simm.s32 @!p0 $0x0  }
0x4d: {  	[sflag:s4] =	ssyncset.done $0x0;
	s20 =	sshll.u32 s19, $0xE  }
0x4e: {  	[sflag:s4] =	ssyncadd.s32 $0xFFFFC000;
	s20 =	sor.u32 $0x40, s20  }
0x4f: {  	s19 =	smul.u32 $0x10200, s19;
	v0 =	vld [tilespmem:s20+$0x30]  }
0x50: {  	v1 =	vld [tilespmem:s20+$0xFFFFFFD0]  }
0x51: {  	s19 =	sshrl.u32 s19, $0x2;
	v5 =	vld [tilespmem:s20+$0xFFFFFFE0]  }
0x52: {  	v6 =	vld [tilespmem:s20+$0xFFFFFFF0];
	s22 =	sor.u32 $0x8000, s19  }
0x53: {  	s31 =	sand.u32 $0x1, s15;
	v4 =	vld [tilespmem:s20+$0x0];
	s21 =	sadd.s32 $0x0, s22  }
0x54: {  	v3 =	vld [tilespmem:s20+$0x10];
	s19 =	smul.u32 $0x10200, s31;
	[tilespmem:s21+$0x3870 ss:$0x81] =	vst.msk $0xffff, v0  }
0x55: {  	v2 =	vld [tilespmem:s20+$0x20];
	[tilespmem:s21+$0x810 ss:$0x81] =	vst.msk $0xffff, v1  }
0x56: {  	s19 =	sshrl.u32 s19, $0x2;
	v1 =	vld [tilespmem:s20+$0xFFFFFFC0];
	[tilespmem:s21+$0x1020 ss:$0x81] =	vst.msk $0xffff, v5;
	s20 =	sadd.s32 $0x80, s20  }
0x57: {  	s23 =	simm.s32 $0x4;
	s24 =	simm.s32 $0x8;
	s19 =	sor.u32 $0x8000, s19;
	[tilespmem:s21+$0x1830 ss:$0x81] =	vst.msk $0xffff, v6;
	v0 =	vld [tilespmem:s20+$0x30]  }
.LBB1_3:
0x58: {  	p1 =	sne.s32 s24, $0x1FC;
	v5 =	vld [tilespmem:s20+$0xFFFFFFD0];
	[tilespmem:s21+$0x2040 ss:$0x81] =	vst.msk $0xffff, v4  }
0x59: {  	v6 =	vld [tilespmem:s20+$0xFFFFFFE0];
	[tilespmem:s21+$0x2850 ss:$0x81] =	vst.msk $0xffff, v3  }
0x5a: {  	s25 =	sshra.s32 s23, $0x2;
	s23 =	smov.u32 s24;
	v7 =	vld [tilespmem:s20+$0xFFFFFFF0];
	[tilespmem:s21+$0x3060 ss:$0x81] =	vst.msk $0xffff, v2  }
.Ltmp3:
0x5b: {  	v4 =	vld [tilespmem:s20+$0x0];
	[tilespmem:s21+$0x0 ss:$0x81] =	vst.msk $0xffff, v1;
	s21 =	sadd.s32 s25, s22;
	(pc) =	sbr.rel @p1 .LBB1_3-.Ltmp3, $4  }
0x5c: {  	v3 =	vld [tilespmem:s20+$0x10];
	[tilespmem:s21+$0x3870 ss:$0x81] =	vst.msk $0xffff, v0  }
0x5d: {  	[tilespmem:s21+$0x810 ss:$0x81] =	vst.msk $0xffff, v5;
	v2 =	vld [tilespmem:s20+$0x20]  }
0x5e: {  	v1 =	vld [tilespmem:s20+$0xFFFFFFC0];
	[tilespmem:s21+$0x1020 ss:$0x81] =	vst.msk $0xffff, v6;
	s20 =	sadd.s32 $0x80, s20  }
0x5f: {  	s24 =	sadd.s32 $0x4, s24;
	v0 =	vld [tilespmem:s20+$0x30];
	[tilespmem:s21+$0x1830 ss:$0x81] =	vst.msk $0xffff, v7  }
.Ltmp4:
0x60: {  	_ = 	snop;
	(pc) =	sbr.rel .LBB1_4-.Ltmp4, $1  }
0x61: {  	_ =	sdelay $0x3  }
.LBB1_6:
0x62: {  	_ =	sfence.sel $0x180000  }
0x63: {  	s2 =	simm.s32 $0x1;
	[bflag:$0x0] =	sbarrier.arrive $0xFFFF  }
0x64: {  	s31 =	simm.s32 $0x2;
	[sflag:s2] =	ssyncpa.u1 $0x1  }
0x65: {  	[sflag:s31] =	ssyncpa.u1 $0x1  }
0x66: {  	p0 =	sne.s32 s0, $0x0;
	_ =	strace $0x90000047  }
0x67: {  	s0 =	sadd.s32 @!p0 $0x100000, s1;
	[bflag:$0x2] =	sbarrier.arrive $0xFFFF  }
0x68: {  	[sflag:s0] =	ssyncadd.tile.s32 @!p0 $0x1;
	_ =	shalt  }
.Lfunc_end1:
_tile_overlayer_lowered:
.L_overlay_start_2:
0x69: {  	(tag) =	ssettag $0x2  }
0x6a: {  	s0 =	rddreg [dreg:$0x0];
	s2 =	stileid.u32  }
0x6b: {  	s1 =	rddreg [dreg:$0x1];
	p0 =	sne.s32 s2, $0x0  }
0x6c: {  	s3 =	rddreg [dreg:$0x2];
	[bflag:$0x3] =	sbarrier.arrive $0xFFFF;
	s2 =	simm.s32 @!p0 $0x1C01  }
0x6d: {  	[timem:s3], [sflag:s2] =	dma.local @!p0 [hbm:s0], s1  }
0x6e: {  	s0 =	simm.s32 @!p0 $0x1  }
0x6f: {  	_ =	swait.ge @!p0 [sflag:s0], s1  }
0x70: {  	s1 =	ssub.s32 @!p0 $0x0, s1;
	[sflag:s0] =	ssyncset.done @!p0 $0x0  }
0x71: {  	[sflag:s0] =	ssyncadd.s32 @!p0 s1  }
0x72: {  	[bflag:$0x3] =	sbarrier.arrive $0xFFFF  }
0x73: {  	_ =	shalt  }

</sc_bundles>
